<compile_context>
chip_gen: v7x
topology: tpu7x:2x2x1
jax: 0.10.2.dev20260603
libtpu: 0.0.44.dev20260713+nightly
codegen_flags: <defaults>
</compile_context>

<pallas_src>
import functools

import jax
import jax.numpy as jnp
from jax import lax
from jax.experimental import pallas as pl
from jax.experimental.pallas import tpu as pltpu
from jax.experimental.pallas import tpu_sc as plsc

N_NODES = 10000
IN_FEAT = 256
OUT_FEAT = 256
HEADS = 4
HD = HEADS * OUT_FEAT
N_EDGES = 160000

NC = 2
NS = 16
NW = NC * NS
E_PAD = 160256
EPT = E_PAD // NW
EB = 16
NB = EPT // EB
N_PAD = 10240
CHUNK = 256
N_CHUNKS = N_PAD // CHUNK
ROWS_PER_TILE = CHUNK // NS
DEN_ROWS_PER_TILE = N_PAD // NS
NPL = HD // 128
CROWS = CHUNK + EB

_MM_BLK = 256

_GATHER_DNUMS = lax.GatherDimensionNumbers(
    offset_dims=(), collapsed_slice_dims=(0,), start_index_map=(0,))


def _lane_gather(v, idx):
    return lax.gather(v, idx[:, None], _GATHER_DNUMS, (1,),
                      mode=lax.GatherScatterMode.PROMISE_IN_BOUNDS)


def _lane_sum(v, iota16):
    for sh in (8, 4, 2, 1):
        v = v + _lane_gather(v, iota16 ^ sh)
    return v


def _mm1_body(x_ref, w_ref, b_ref, o_ref):
    acc = jnp.dot(x_ref[...], w_ref[...], preferred_element_type=jnp.float32)
    o_ref[...] = (acc + b_ref[...][None, :])[None]


def _feat_matmul(x, w_cat, b_cat):
    grid = (pl.cdiv(N_NODES, _MM_BLK), (2 * HD) // _MM_BLK)
    return pl.pallas_call(
        _mm1_body,
        grid=grid,
        in_specs=[
            pl.BlockSpec((_MM_BLK, IN_FEAT), lambda i, j: (i, 0)),
            pl.BlockSpec((IN_FEAT, _MM_BLK), lambda i, j: (0, j)),
            pl.BlockSpec((_MM_BLK,), lambda i, j: (j,)),
        ],
        out_specs=pl.BlockSpec((1, _MM_BLK, _MM_BLK),
                               lambda i, j: (j // HEADS, i, j % HEADS)),
        out_shape=jax.ShapeDtypeStruct((2, N_NODES, HD), jnp.float32),
    )(x, w_cat, b_cat)


def _tc2_body(num_ref, den_ref, x_ref, wres_ref, bres_ref, wd_ref, bd_ref,
              o_ref):
    num = jnp.concatenate(
        [num_ref[0, cp] + num_ref[1, cp] for cp in range(NPL)],
        axis=1)
    den = den_ref[0, :, 0:HEADS] + den_ref[1, :, 0:HEADS]
    recip = 1.0 / (den + 1e-9)
    res = jnp.dot(x_ref[...], wres_ref[...],
                  preferred_element_type=jnp.float32) + bres_ref[...][None, :]
    parts = [num[:, h * OUT_FEAT:(h + 1) * OUT_FEAT] * recip[:, h:h + 1]
             for h in range(HEADS)]
    rst = jnp.concatenate(parts, axis=1) + res
    out = jnp.dot(rst, wd_ref[...],
                  preferred_element_type=jnp.float32) + bd_ref[...][None, :]
    o_ref[...] = jnp.maximum(out, 0.0)


def _final_matmul(num, den, x, w_res, b_res, w_dense, b_dense):
    grid = (pl.cdiv(N_NODES, _MM_BLK),)
    return pl.pallas_call(
        _tc2_body,
        grid=grid,
        in_specs=[
            pl.BlockSpec((2, NPL, _MM_BLK, 128), lambda i: (0, 0, i, 0)),
            pl.BlockSpec((2, _MM_BLK, 16), lambda i: (0, i, 0)),
            pl.BlockSpec((_MM_BLK, IN_FEAT), lambda i: (i, 0)),
            pl.BlockSpec((IN_FEAT, HD), lambda i: (0, 0)),
            pl.BlockSpec((HD,), lambda i: (0,)),
            pl.BlockSpec((HD, OUT_FEAT), lambda i: (0, 0)),
            pl.BlockSpec((OUT_FEAT,), lambda i: (0,)),
        ],
        out_specs=pl.BlockSpec((_MM_BLK, OUT_FEAT), lambda i: (i, 0)),
        out_shape=jax.ShapeDtypeStruct((N_NODES, OUT_FEAT), jnp.float32),
    )(num, den, x, w_res, b_res, w_dense, b_dense)


def _sc_body(fs_hbm, fd_hbm, src_hbm, dst_hbm, attn_hbm, zrow_hbm, zden_hbm,
             num_hbm, den_hbm,
             src_v, dst_v, w_v, qe, fs_rows, fd_rows, stage, attn_v,
             idx_buf, dst_buf, wden, sem0, sem1,
             num_sp, den_sp):
    cid = lax.axis_index("c")
    sid = lax.axis_index("s")
    wid = sid * NC + cid
    base = wid * EPT
    zero16 = jnp.zeros((EB,), jnp.float32)
    iota16 = lax.broadcasted_iota(jnp.int32, (EB,), 0)

    pltpu.sync_copy(src_hbm.at[pl.ds(base, EPT)], src_v)
    pltpu.sync_copy(dst_hbm.at[pl.ds(base, EPT)], dst_v)
    pltpu.sync_copy(attn_hbm, attn_v)

    def _den_clear(i, c):
        pltpu.sync_copy(
            zden_hbm, den_sp.at[pl.ds(sid * DEN_ROWS_PER_TILE + i * 64, 64)])
        return c
    lax.fori_loop(0, DEN_ROWS_PER_TILE // 64, _den_clear, 0)

    def _wden_fill(i, c):
        wden[i, pl.ds(0, EB)] = zero16
        return c
    lax.fori_loop(0, EB, _wden_fill, 0)

    def _qe_fill(i, c):
        qe[pl.ds(i * EB, EB)] = jnp.zeros((EB,), jnp.int32)
        return c
    lax.fori_loop(0, (EPT + 2 * EB) // EB, _qe_fill, 0)
    plsc.subcore_barrier()

    def _p1_block(b, carry):
        off = b * EB
        srcs = src_v[pl.ds(off, EB)]
        dsts = dst_v[pl.ds(off, EB)]
        idx_buf[...] = srcs
        dst_buf[...] = jnp.minimum(dsts, N_NODES - 1)
        cp0 = pltpu.async_copy(fs_hbm.at[idx_buf], fs_rows, sem0)
        cp1 = pltpu.async_copy(fd_hbm.at[dst_buf], fd_rows, sem1)
        cp0.wait()
        cp1.wait()

        for h in range(HEADS):
            def _edge(j, lvec):
                def _acc(k, a):
                    d0 = h * OUT_FEAT + k * EB
                    s = fs_rows[j, pl.ds(d0, EB)] + fd_rows[j, pl.ds(d0, EB)]
                    act = jnp.maximum(s, 0.2 * s)
                    return a + act * attn_v[pl.ds(d0, EB)]
                acc = lax.fori_loop(0, OUT_FEAT // EB, _acc, zero16)
                return jnp.where(iota16 == j, _lane_sum(acc, iota16), lvec)
            lvec = lax.fori_loop(0, EB, _edge, zero16)
            wv = jnp.exp(lvec)
            w_v[pl.ds(h * EPT + off, EB)] = wv
            plsc.store_scatter(wden, [iota16, jnp.full((EB,), h, jnp.int32)],
                               wv)
        dst_buf[...] = dsts
        pltpu.sync_copy(wden, den_sp.at[dst_buf], add=True)
        return carry
    lax.fori_loop(0, NB, _p1_block, 0)
    plsc.subcore_barrier()

    pltpu.sync_copy(
        den_sp.at[pl.ds(sid * DEN_ROWS_PER_TILE, DEN_ROWS_PER_TILE)],
        den_hbm.at[cid, pl.ds(sid * DEN_ROWS_PER_TILE, DEN_ROWS_PER_TILE)])

    def _chunk(c, carry0):
        lo = c * CHUNK
        for cp in range(NPL):
            pltpu.sync_copy(
                zrow_hbm,
                num_sp.at[pl.ds(cp * CROWS + sid * ROWS_PER_TILE, EB)])
        plsc.subcore_barrier()

        def _scan(b, cnt):
            dsts = dst_v[pl.ds(b * EB, EB)]
            m = (dsts >= lo) & (dsts < lo + CHUNK)
            eids = b * EB + iota16
            mi = m.astype(jnp.int32)
            pos = cnt + plsc.cumsum(mi) - mi
            plsc.store_scatter(qe, [pos], eids, mask=m)
            return cnt + plsc.all_reduce_population_count(m)[0]
        cnt = lax.fori_loop(0, NB, _scan, 0)

        def _qblock(k, cc):
            off = k * EB
            ev = (off + iota16) < cnt
            eids = qe[pl.ds(off, EB)]
            srcs = plsc.load_gather(src_v, [eids])
            dstl = plsc.load_gather(dst_v, [eids]) - lo
            dstl = jnp.minimum(jnp.maximum(dstl, 0), CHUNK)
            dstl = jnp.where(ev, dstl, CHUNK)
            idx_buf[...] = srcs
            whs = [plsc.load_gather(w_v, [h * EPT + eids])
                   for h in range(HEADS)]
            pltpu.async_copy(fs_hbm.at[idx_buf], fs_rows, sem0).wait()

            def _edge(j, c2):
                jf = jnp.full((EB,), j, jnp.int32)
                wss = [_lane_gather(whs[h], jf) for h in range(HEADS)]
                for cp in range(NPL):
                    ws = wss[cp // 2]
                    def _scale(k2, c3):
                        d0 = cp * 128 + k2 * EB
                        stage[cp, j, pl.ds(k2 * EB, EB)] = (
                            fs_rows[j, pl.ds(d0, EB)] * ws)
                        return c3
                    lax.fori_loop(0, 128 // EB, _scale, 0)
                return c2
            lax.fori_loop(0, EB, _edge, 0)
            for cp in range(NPL):
                dst_buf[...] = dstl + cp * CROWS
                pltpu.sync_copy(stage.at[cp], num_sp.at[dst_buf], add=True)
            return cc
        lax.fori_loop(0, (cnt + EB - 1) // EB, _qblock, 0)
        plsc.subcore_barrier()

        for cp in range(NPL):
            pltpu.sync_copy(
                num_sp.at[pl.ds(cp * CROWS + sid * ROWS_PER_TILE,
                                ROWS_PER_TILE)],
                num_hbm.at[cid, cp,
                           pl.ds(lo + sid * ROWS_PER_TILE, ROWS_PER_TILE)])
        plsc.subcore_barrier()
        return carry0
    lax.fori_loop(0, N_CHUNKS, _chunk, 0)


_sc_kernel = functools.partial(
    pl.kernel,
    out_type=(
        jax.ShapeDtypeStruct((NC, NPL, N_PAD, 128), jnp.float32),
        jax.ShapeDtypeStruct((NC, N_PAD, 16), jnp.float32),
    ),
    mesh=plsc.VectorSubcoreMesh(core_axis_name="c", subcore_axis_name="s"),
    compiler_params=pltpu.CompilerParams(needs_layout_passes=False,
                                         use_tc_tiling_on_sc=False),
    scratch_types=[
        pltpu.VMEM((EPT,), jnp.int32),
        pltpu.VMEM((EPT,), jnp.int32),
        pltpu.VMEM((HEADS * EPT,), jnp.float32),
        pltpu.VMEM((EPT + 2 * EB,), jnp.int32),
        pltpu.VMEM((EB, HD), jnp.float32),
        pltpu.VMEM((EB, HD), jnp.float32),
        pltpu.VMEM((NPL, EB, 128), jnp.float32),
        pltpu.VMEM((HD,), jnp.float32),
        pltpu.VMEM((EB,), jnp.int32),
        pltpu.VMEM((EB,), jnp.int32),
        pltpu.VMEM((EB, 16), jnp.float32),
        pltpu.SemaphoreType.DMA,
        pltpu.SemaphoreType.DMA,
        pltpu.VMEM_SHARED((NPL * CROWS, 128), jnp.float32),
        pltpu.VMEM_SHARED((N_PAD + EB, 16), jnp.float32),
    ],
)(_sc_body)


def kernel(node_feature, edge_index, W_src, b_src, W_dst, b_dst, attn,
           W_res, b_res, W_dense, b_dense):
    x = node_feature.astype(jnp.float32)
    w_cat = jnp.concatenate([W_src, W_dst], axis=1)
    b_cat = jnp.concatenate([b_src, b_dst], axis=0)
    feats = _feat_matmul(x, w_cat, b_cat)
    fs = feats[0]
    fd = feats[1]

    ei = edge_index.astype(jnp.int32)
    pad = E_PAD - N_EDGES
    src = jnp.concatenate([ei[0], jnp.zeros((pad,), jnp.int32)])
    dst = jnp.concatenate([ei[1], jnp.full((pad,), N_PAD, jnp.int32)])

    zrow = jnp.zeros((EB, 128), jnp.float32)
    zden = jnp.zeros((64, 16), jnp.float32)
    num, den = _sc_kernel(fs, fd, src, dst, attn.reshape(HD), zrow, zden)
    return _final_matmul(num, den, x, W_res, b_res, W_dense, b_dense)

# --- scband reference (transcript-rebuilt; emitter-appended) ---
"""Pipeline reference for scband-gat-3633542332518 (READ-ONLY COPY).

The authoritative reference and input builder live on the scoring server;
editing this copy changes nothing except your own understanding.
"""

import jax, jax.numpy as jnp
import numpy as np

N_NODES = 10000
IN_FEAT = 256
OUT_FEAT = 256
HEADS = 4
N_EDGES = 160000

def setup_inputs(seed: int = 0) -> dict:
    key = jax.random.key(seed)
    ks = jax.random.split(key, 12)
    node_feature = jax.random.normal(ks[0], (N_NODES, IN_FEAT), dtype=jnp.float32)
    edge_index = jax.random.randint(ks[1], (2, N_EDGES), 0, N_NODES, dtype=jnp.int64)
    s = 0.05
    W_src = jax.random.normal(ks[2], (IN_FEAT, HEADS * OUT_FEAT), dtype=jnp.float32) * s
    b_src = jax.random.normal(ks[3], (HEADS * OUT_FEAT,), dtype=jnp.float32) * s
    W_dst = jax.random.normal(ks[4], (IN_FEAT, HEADS * OUT_FEAT), dtype=jnp.float32) * s
    b_dst = jax.random.normal(ks[5], (HEADS * OUT_FEAT,), dtype=jnp.float32) * s
    attn = jax.random.normal(ks[6], (HEADS, OUT_FEAT), dtype=jnp.float32) * s
    W_res = jax.random.normal(ks[7], (IN_FEAT, HEADS * OUT_FEAT), dtype=jnp.float32) * s
    b_res = jax.random.normal(ks[8], (HEADS * OUT_FEAT,), dtype=jnp.float32) * s
    W_dense = jax.random.normal(ks[9], (HEADS * OUT_FEAT, OUT_FEAT), dtype=jnp.float32) * s
    b_dense = jax.random.normal(ks[10], (OUT_FEAT,), dtype=jnp.float32) * s
    return {"node_feature": node_feature, "edge_index": edge_index,
            "W_src": W_src, "b_src": b_src, "W_dst": W_dst, "b_dst": b_dst,
            "attn": attn, "W_res": W_res, "b_res": b_res,
            "W_dense": W_dense, "b_dense": b_dense}

def reference(node_feature, edge_index, W_src, b_src, W_dst, b_dst, attn, W_res, b_res, W_dense, b_dense):
    N = node_feature.shape[0]
    H, D = attn.shape
    src = edge_index[0]
    dst = edge_index[1]
    # GATv2Conv (dgl, eval mode: feat_drop inactive)
    feat_src = (node_feature @ W_src + b_src).reshape(N, H, D)
    feat_dst = (node_feature @ W_dst + b_dst).reshape(N, H, D)
    e_feat = feat_src[src] + feat_dst[dst]              # [E, H, D]
    e_act = jax.nn.leaky_relu(e_feat, negative_slope=0.2)
    logits = jnp.sum(e_act * attn[None, :, :], axis=-1)  # [E, H]
    # edge softmax over incoming edges of dst
    m = jax.ops.segment_max(logits, dst, num_segments=N)
    m = jnp.where(jnp.isfinite(m), m, 0.0)
    exp = jnp.exp(logits - m[dst])
    denom = jax.ops.segment_sum(exp, dst, num_segments=N)
    alpha = exp / (denom[dst] + 1e-9)                   # [E, H]
    msg = feat_src[src] * alpha[:, :, None]             # [E, H, D]
    rst = jax.ops.segment_sum(msg, dst, num_segments=N)  # [N, H, D]
    # residual (in_feats != heads*out -> linear res_fc)
    res = (node_feature @ W_res + b_res).reshape(N, H, D)
    rst = rst + res
    # dense + relu
    out = rst.reshape(N, H * D) @ W_dense + b_dense
    return jax.nn.relu(out)

if __name__ == "__main__":
    import jax
    _d = setup_inputs()
    print(jax.jit(kernel)(*tuple(_d.values())))

</pallas_src>

<mosaic_0001>
#map = affine_map<(d0, d1) -> (0, 0)>
#map1 = affine_map<(d0, d1) -> (0)>
#map2 = affine_map<(d0, d1) -> (0, 0, 0, 0)>
#map3 = affine_map<(d0, d1) -> (0, 0, 0)>
module attributes {stable_mosaic.version = 14 : i64} {
  func.func @_sc_body(%arg0: i32, %arg1: i32, %arg2: memref<10000x1024xf32, #tpu.memory_space<hbm>>, %arg3: memref<10000x1024xf32, #tpu.memory_space<hbm>>, %arg4: memref<160256xi32, #tpu.memory_space<hbm>>, %arg5: memref<160256xi32, #tpu.memory_space<hbm>>, %arg6: memref<1024xf32, #tpu.memory_space<hbm>>, %arg7: memref<16x128xf32, #tpu.memory_space<hbm>>, %arg8: memref<64x16xf32, #tpu.memory_space<hbm>>, %arg9: memref<2x8x10240x128xf32, #tpu.memory_space<hbm>>, %arg10: memref<2x10240x16xf32, #tpu.memory_space<hbm>>, %arg11: memref<5008xi32, #tpu.memory_space<vmem>>, %arg12: memref<5008xi32, #tpu.memory_space<vmem>>, %arg13: memref<20032xf32, #tpu.memory_space<vmem>>, %arg14: memref<5040xi32, #tpu.memory_space<vmem>>, %arg15: memref<16x1024xf32, #tpu.memory_space<vmem>>, %arg16: memref<16x1024xf32, #tpu.memory_space<vmem>>, %arg17: memref<8x16x128xf32, #tpu.memory_space<vmem>>, %arg18: memref<1024xf32, #tpu.memory_space<vmem>>, %arg19: memref<16xi32, #tpu.memory_space<vmem>>, %arg20: memref<16xi32, #tpu.memory_space<vmem>>, %arg21: memref<16x16xf32, #tpu.memory_space<vmem>>, %arg22: memref<!tpu.dma_semaphore, #tpu.memory_space<semaphore_mem>>, %arg23: memref<!tpu.dma_semaphore, #tpu.memory_space<semaphore_mem>>, %arg24: memref<2176x128xf32, #tpu.memory_space<vmem_shared>>, %arg25: memref<10256x16xf32, #tpu.memory_space<vmem_shared>>) attributes {dimension_semantics = [#tpu.dimension_semantics<core_parallel>, #tpu.dimension_semantics<subcore_parallel>], iteration_bounds = array<i64: 2, 16>, scalar_prefetch = 0 : i64, scratch_operands = 15 : i64, tpu.core_type = #tpu.core_type<sc_vector_subcore>, window_params = [{transform_indices = #map}, {transform_indices = #map}, {transform_indices = #map1}, {transform_indices = #map1}, {transform_indices = #map1}, {transform_indices = #map}, {transform_indices = #map}, {transform_indices = #map2}, {transform_indices = #map3}]} {
    %mul3A = arith.constant 2 : i32
    %mul3A_0 = arith.muli %arg1, %mul3A : i32
    %add3A = arith.addi %mul3A_0, %arg0 : i32
    %mul3A_1 = arith.constant 5008 : i32
    %mul3A_2 = arith.muli %add3A, %mul3A_1 : i32
    %broadcast_in_dim3A = arith.constant 0.000000e+00 : f32
    %broadcast_in_dim3A_3 = vector.broadcast %broadcast_in_dim3A : f32 to vector<16xf32>
    %iota3A = tpu.iota {dimensions = array<i32: 0>} : vector<16xi32>
    "tpu.region"() ({
      %run_scoped3A = tpu.sem_alloc : memref<!tpu.dma_semaphore, #tpu.memory_space<semaphore_mem>>
      %dma_start3A = tpu.memref_slice %arg4[%mul3A_2] : memref<160256xi32, #tpu.memory_space<hbm>> -> memref<5008xi32, #tpu.memory_space<hbm>>
      %dma_start3A_38 = tpu.memref_slice %arg4[%mul3A_2] : memref<160256xi32, #tpu.memory_space<hbm>> -> memref<5008xi32, #tpu.memory_space<hbm>>
      tpu.enqueue_dma source(%dma_start3A_38 : memref<5008xi32, #tpu.memory_space<hbm>>) target(%arg11 : memref<5008xi32, #tpu.memory_space<vmem>>) target_semaphore(%run_scoped3A : memref<!tpu.dma_semaphore, #tpu.memory_space<semaphore_mem>>)
      %dma_wait3A = tpu.memref_slice %arg4[%mul3A_2] : memref<160256xi32, #tpu.memory_space<hbm>> -> memref<5008xi32, #tpu.memory_space<hbm>>
      %dma_wait3A_39 = tpu.memref_slice %arg4[%mul3A_2] : memref<160256xi32, #tpu.memory_space<hbm>> -> memref<5008xi32, #tpu.memory_space<hbm>>
      tpu.wait_dma2 semaphore(%run_scoped3A : memref<!tpu.dma_semaphore, #tpu.memory_space<semaphore_mem>>) src(%dma_wait3A_39 : memref<5008xi32, #tpu.memory_space<hbm>>) dst(%arg11 : memref<5008xi32, #tpu.memory_space<vmem>>)
      tpu.yield
    }) : () -> ()
    "tpu.region"() ({
      %run_scoped3A = tpu.sem_alloc : memref<!tpu.dma_semaphore, #tpu.memory_space<semaphore_mem>>
      %dma_start3A = tpu.memref_slice %arg5[%mul3A_2] : memref<160256xi32, #tpu.memory_space<hbm>> -> memref<5008xi32, #tpu.memory_space<hbm>>
      %dma_start3A_38 = tpu.memref_slice %arg5[%mul3A_2] : memref<160256xi32, #tpu.memory_space<hbm>> -> memref<5008xi32, #tpu.memory_space<hbm>>
      tpu.enqueue_dma source(%dma_start3A_38 : memref<5008xi32, #tpu.memory_space<hbm>>) target(%arg12 : memref<5008xi32, #tpu.memory_space<vmem>>) target_semaphore(%run_scoped3A : memref<!tpu.dma_semaphore, #tpu.memory_space<semaphore_mem>>)
      %dma_wait3A = tpu.memref_slice %arg5[%mul3A_2] : memref<160256xi32, #tpu.memory_space<hbm>> -> memref<5008xi32, #tpu.memory_space<hbm>>
      %dma_wait3A_39 = tpu.memref_slice %arg5[%mul3A_2] : memref<160256xi32, #tpu.memory_space<hbm>> -> memref<5008xi32, #tpu.memory_space<hbm>>
      tpu.wait_dma2 semaphore(%run_scoped3A : memref<!tpu.dma_semaphore, #tpu.memory_space<semaphore_mem>>) src(%dma_wait3A_39 : memref<5008xi32, #tpu.memory_space<hbm>>) dst(%arg12 : memref<5008xi32, #tpu.memory_space<vmem>>)
      tpu.yield
    }) : () -> ()
    "tpu.region"() ({
      %run_scoped3A = tpu.sem_alloc : memref<!tpu.dma_semaphore, #tpu.memory_space<semaphore_mem>>
      tpu.enqueue_dma source(%arg6 : memref<1024xf32, #tpu.memory_space<hbm>>) target(%arg18 : memref<1024xf32, #tpu.memory_space<vmem>>) target_semaphore(%run_scoped3A : memref<!tpu.dma_semaphore, #tpu.memory_space<semaphore_mem>>)
      tpu.wait_dma2 semaphore(%run_scoped3A : memref<!tpu.dma_semaphore, #tpu.memory_space<semaphore_mem>>) src(%arg6 : memref<1024xf32, #tpu.memory_space<hbm>>) dst(%arg18 : memref<1024xf32, #tpu.memory_space<vmem>>)
      tpu.yield
    }) : () -> ()
    %scan3A = arith.constant 0 : i32
    %scan3A_4 = arith.constant 0 : i32
    %scan3A_5 = arith.constant 10 : i32
    %scan3A_6 = arith.addi %scan3A_4, %scan3A_5 : i32
    %scan3A_7 = arith.constant 1 : i32
    scf.for %scan3A_38 = %scan3A_4 to %scan3A_6 step %scan3A_7  : i32 {
      %mul3A_39 = arith.constant 640 : i32
      %mul3A_40 = arith.muli %arg1, %mul3A_39 : i32
      %mul3A_41 = arith.constant 64 : i32
      %mul3A_42 = arith.muli %scan3A_38, %mul3A_41 : i32
      %add3A_43 = arith.addi %mul3A_40, %mul3A_42 : i32
      "tpu.region"() ({
        %run_scoped3A = tpu.sem_alloc : memref<!tpu.dma_semaphore, #tpu.memory_space<semaphore_mem>>
        %dma_start3A = arith.constant 0 : i32
        %dma_start3A_44 = tpu.memref_slice %arg25[%add3A_43, %dma_start3A] : memref<10256x16xf32, #tpu.memory_space<vmem_shared>> -> memref<64x16xf32, #tpu.memory_space<vmem_shared>>
        tpu.enqueue_dma source(%arg8 : memref<64x16xf32, #tpu.memory_space<hbm>>) target(%dma_start3A_44 : memref<64x16xf32, #tpu.memory_space<vmem_shared>>) target_semaphore(%run_scoped3A : memref<!tpu.dma_semaphore, #tpu.memory_space<semaphore_mem>>)
        %dma_wait3A = arith.constant 0 : i32
        %dma_wait3A_45 = tpu.memref_slice %arg25[%add3A_43, %dma_wait3A] : memref<10256x16xf32, #tpu.memory_space<vmem_shared>> -> memref<64x16xf32, #tpu.memory_space<vmem_shared>>
        tpu.wait_dma2 semaphore(%run_scoped3A : memref<!tpu.dma_semaphore, #tpu.memory_space<semaphore_mem>>) src(%arg8 : memref<64x16xf32, #tpu.memory_space<hbm>>) dst(%dma_wait3A_45 : memref<64x16xf32, #tpu.memory_space<vmem_shared>>)
        tpu.yield
      }) : () -> ()
    }
    %scan3A_8 = arith.constant 10 : i32
    %scan3A_9 = arith.constant 0 : i32
    %scan3A_10 = arith.constant 0 : i32
    %scan3A_11 = arith.constant 16 : i32
    %scan3A_12 = arith.addi %scan3A_10, %scan3A_11 : i32
    %scan3A_13 = arith.constant 1 : i32
    scf.for %scan3A_38 = %scan3A_10 to %scan3A_12 step %scan3A_13  : i32 {
      %swap3A = arith.index_cast %scan3A_38 : i32 to index
      %swap3A_39 = arith.constant 0 : index
      %swap3A_40 = tpu.vector_load %arg21[%swap3A, %swap3A_39] {strides = array<i32>} : memref<16x16xf32, #tpu.memory_space<vmem>>, vector<16xf32>,
      tpu.vector_store %arg21[%swap3A, %swap3A_39], %broadcast_in_dim3A_3 {strides = array<i32>} : memref<16x16xf32, #tpu.memory_space<vmem>>, vector<16xf32>,
    }
    %scan3A_14 = arith.constant 16 : i32
    %scan3A_15 = arith.constant 0 : i32
    %scan3A_16 = arith.constant 0 : i32
    %scan3A_17 = arith.constant 315 : i32
    %scan3A_18 = arith.addi %scan3A_16, %scan3A_17 : i32
    %scan3A_19 = arith.constant 1 : i32
    scf.for %scan3A_38 = %scan3A_16 to %scan3A_18 step %scan3A_19  : i32 {
      %broadcast_in_dim3A_39 = arith.constant 0 : i32
      %broadcast_in_dim3A_40 = vector.broadcast %broadcast_in_dim3A_39 : i32 to vector<16xi32>
      %mul3A_41 = arith.constant 16 : i32
      %mul3A_42 = arith.muli %scan3A_38, %mul3A_41 : i32
      %swap3A = arith.index_cast %mul3A_42 : i32 to index
      %swap3A_43 = tpu.vector_load %arg14[%swap3A] {strides = array<i32>} : memref<5040xi32, #tpu.memory_space<vmem>>, vector<16xi32>,
      tpu.vector_store %arg14[%swap3A], %broadcast_in_dim3A_40 {strides = array<i32>} : memref<5040xi32, #tpu.memory_space<vmem>>, vector<16xi32>,
    }
    %scan3A_20 = arith.constant 315 : i32
    %barrier3A = arith.constant 0 : index
    tpu.barrier barrier_id(%barrier3A)
    %scan3A_21 = arith.constant 0 : i32
    %scan3A_22 = arith.constant 0 : i32
    %scan3A_23 = arith.constant 313 : i32
    %scan3A_24 = arith.addi %scan3A_22, %scan3A_23 : i32
    %scan3A_25 = arith.constant 1 : i32
    scf.for %scan3A_38 = %scan3A_22 to %scan3A_24 step %scan3A_25  : i32 {
      %mul3A_39 = arith.constant 16 : i32
      %mul3A_40 = arith.muli %scan3A_38, %mul3A_39 : i32
      %get3A = arith.index_cast %mul3A_40 : i32 to index
      %get3A_41 = tpu.vector_load %arg11[%get3A] {strides = array<i32>} : memref<5008xi32, #tpu.memory_space<vmem>>, vector<16xi32>,
      %get3A_42 = arith.index_cast %mul3A_40 : i32 to index
      %get3A_43 = tpu.vector_load %arg12[%get3A_42] {strides = array<i32>} : memref<5008xi32, #tpu.memory_space<vmem>>, vector<16xi32>,
      %swap3A = arith.constant 0 : index
      %swap3A_44 = tpu.vector_load %arg19[%swap3A] {strides = array<i32>} : memref<16xi32, #tpu.memory_space<vmem>>, vector<16xi32>,
      tpu.vector_store %arg19[%swap3A], %get3A_41 {strides = array<i32>} : memref<16xi32, #tpu.memory_space<vmem>>, vector<16xi32>,
      %min3A = arith.constant 9999 : i32
      %min3A_45 = vector.broadcast %min3A : i32 to vector<16xi32>
      %min3A_46 = arith.minsi %get3A_43, %min3A_45 : vector<16xi32>
      %swap3A_47 = arith.constant 0 : index
      %swap3A_48 = tpu.vector_load %arg20[%swap3A_47] {strides = array<i32>} : memref<16xi32, #tpu.memory_space<vmem>>, vector<16xi32>,
      tpu.vector_store %arg20[%swap3A_47], %min3A_46 {strides = array<i32>} : memref<16xi32, #tpu.memory_space<vmem>>, vector<16xi32>,
      %dma_start3A = arith.constant 0 : i32
      %dma_start3A_49 = arith.constant 0 : i32
      %dma_start3A_50 = tpu.memref_slice %arg2[%dma_start3A, %dma_start3A_49] : memref<10000x1024xf32, #tpu.memory_space<hbm>> -> memref<10000x1024xf32, #tpu.memory_space<hbm>>
      tpu.enqueue_indirect_dma source(%dma_start3A_50 : memref<10000x1024xf32, #tpu.memory_space<hbm>>) target(%arg15 : memref<16x1024xf32, #tpu.memory_space<vmem>>) offsets(%arg19 : memref<16xi32, #tpu.memory_space<vmem>>) semaphore(%arg22 : memref<!tpu.dma_semaphore, #tpu.memory_space<semaphore_mem>>)
      %dma_start3A_51 = arith.constant 0 : i32
      %dma_start3A_52 = arith.constant 0 : i32
      %dma_start3A_53 = tpu.memref_slice %arg3[%dma_start3A_51, %dma_start3A_52] : memref<10000x1024xf32, #tpu.memory_space<hbm>> -> memref<10000x1024xf32, #tpu.memory_space<hbm>>
      tpu.enqueue_indirect_dma source(%dma_start3A_53 : memref<10000x1024xf32, #tpu.memory_space<hbm>>) target(%arg16 : memref<16x1024xf32, #tpu.memory_space<vmem>>) offsets(%arg20 : memref<16xi32, #tpu.memory_space<vmem>>) semaphore(%arg23 : memref<!tpu.dma_semaphore, #tpu.memory_space<semaphore_mem>>)
      %dma_wait3A = arith.constant 0 : i32
      %dma_wait3A_54 = arith.constant 0 : i32
      %dma_wait3A_55 = tpu.memref_slice %arg2[%dma_wait3A, %dma_wait3A_54] : memref<10000x1024xf32, #tpu.memory_space<hbm>> -> memref<10000x1024xf32, #tpu.memory_space<hbm>>
      tpu.wait_indirect_dma semaphore(%arg22 : memref<!tpu.dma_semaphore, #tpu.memory_space<semaphore_mem>>) src(%dma_wait3A_55 : memref<10000x1024xf32, #tpu.memory_space<hbm>>) dst(%arg15 : memref<16x1024xf32, #tpu.memory_space<vmem>>)
      %dma_wait3A_56 = arith.constant 0 : i32
      %dma_wait3A_57 = arith.constant 0 : i32
      %dma_wait3A_58 = tpu.memref_slice %arg3[%dma_wait3A_56, %dma_wait3A_57] : memref<10000x1024xf32, #tpu.memory_space<hbm>> -> memref<10000x1024xf32, #tpu.memory_space<hbm>>
      tpu.wait_indirect_dma semaphore(%arg23 : memref<!tpu.dma_semaphore, #tpu.memory_space<semaphore_mem>>) src(%dma_wait3A_58 : memref<10000x1024xf32, #tpu.memory_space<hbm>>) dst(%arg16 : memref<16x1024xf32, #tpu.memory_space<vmem>>)
      %scan3A_59 = arith.constant 0 : i32
      %scan3A_60 = arith.constant 16 : i32
      %scan3A_61 = arith.addi %scan3A_59, %scan3A_60 : i32
      %scan3A_62 = arith.constant 1 : i32
      %scan3A_63 = scf.for %scan3A_112 = %scan3A_59 to %scan3A_61 step %scan3A_62 iter_args(%scan3A_113 = %broadcast_in_dim3A_3) -> (vector<16xf32>)  : i32 {
        %scan3A_114 = arith.constant 0 : i32
        %scan3A_115 = arith.constant 16 : i32
        %scan3A_116 = arith.addi %scan3A_114, %scan3A_115 : i32
        %scan3A_117 = arith.constant 1 : i32
        %scan3A_118 = scf.for %scan3A_147 = %scan3A_114 to %scan3A_116 step %scan3A_117 iter_args(%scan3A_148 = %broadcast_in_dim3A_3) -> (vector<16xf32>)  : i32 {
          %mul3A_149 = arith.constant 16 : i32
          %mul3A_150 = arith.muli %scan3A_147, %mul3A_149 : i32
          %add3A_151 = arith.constant 0 : i32
          %add3A_152 = arith.addi %add3A_151, %mul3A_150 : i32
          %get3A_153 = arith.index_cast %scan3A_112 : i32 to index
          %get3A_154 = arith.index_cast %add3A_152 : i32 to index
          %get3A_155 = tpu.vector_load %arg15[%get3A_153, %get3A_154] {strides = array<i32>} : memref<16x1024xf32, #tpu.memory_space<vmem>>, vector<16xf32>,
          %get3A_156 = arith.index_cast %scan3A_112 : i32 to index
          %get3A_157 = arith.index_cast %add3A_152 : i32 to index
          %get3A_158 = tpu.vector_load %arg16[%get3A_156, %get3A_157] {strides = array<i32>} : memref<16x1024xf32, #tpu.memory_space<vmem>>, vector<16xf32>,
          %add3A_159 = arith.addf %get3A_155, %get3A_158 : vector<16xf32>
          %mul3A_160 = arith.constant 2.000000e-01 : f32
          %mul3A_161 = vector.broadcast %mul3A_160 : f32 to vector<16xf32>
          %mul3A_162 = arith.mulf %mul3A_161, %add3A_159 : vector<16xf32>
          %max3A = arith.maximumf %add3A_159, %mul3A_162 : vector<16xf32>
          %get3A_163 = arith.index_cast %add3A_152 : i32 to index
          %get3A_164 = tpu.vector_load %arg18[%get3A_163] {strides = array<i32>} : memref<1024xf32, #tpu.memory_space<vmem>>, vector<16xf32>,
          %mul3A_165 = arith.mulf %max3A, %get3A_164 : vector<16xf32>
          %add3A_166 = arith.addf %scan3A_148, %mul3A_165 : vector<16xf32>
          scf.yield %add3A_166 : vector<16xf32>
        }
        %scan3A_119 = arith.constant 16 : i32
        %eq3A = vector.broadcast %scan3A_112 : i32 to vector<16xi32>
        %eq3A_120 = arith.cmpi eq, %iota3A, %eq3A : vector<16xi32>
        %xor3A = arith.constant 8 : i32
        %xor3A_121 = vector.broadcast %xor3A : i32 to vector<16xi32>
        %xor3A_122 = arith.xori %iota3A, %xor3A_121 : vector<16xi32>
        %broadcast_in_dim3A_123 = vector.shape_cast %xor3A_122 : vector<16xi32> to vector<16x1xi32>
        %gather3A = vector.shape_cast %broadcast_in_dim3A_123 : vector<16x1xi32> to vector<16xi32>
        %gather3A_124 = tpu.dynamic_gather %scan3A_118[%gather3A] in [0] : vector<16xf32>, vector<16xi32> -> vector<16xf32>
        %add3A_125 = arith.addf %scan3A_118, %gather3A_124 : vector<16xf32>
        %xor3A_126 = arith.constant 4 : i32
        %xor3A_127 = vector.broadcast %xor3A_126 : i32 to vector<16xi32>
        %xor3A_128 = arith.xori %iota3A, %xor3A_127 : vector<16xi32>
        %broadcast_in_dim3A_129 = vector.shape_cast %xor3A_128 : vector<16xi32> to vector<16x1xi32>
        %gather3A_130 = vector.shape_cast %broadcast_in_dim3A_129 : vector<16x1xi32> to vector<16xi32>
        %gather3A_131 = tpu.dynamic_gather %add3A_125[%gather3A_130] in [0] : vector<16xf32>, vector<16xi32> -> vector<16xf32>
        %add3A_132 = arith.addf %add3A_125, %gather3A_131 : vector<16xf32>
        %xor3A_133 = arith.constant 2 : i32
        %xor3A_134 = vector.broadcast %xor3A_133 : i32 to vector<16xi32>
        %xor3A_135 = arith.xori %iota3A, %xor3A_134 : vector<16xi32>
        %broadcast_in_dim3A_136 = vector.shape_cast %xor3A_135 : vector<16xi32> to vector<16x1xi32>
        %gather3A_137 = vector.shape_cast %broadcast_in_dim3A_136 : vector<16x1xi32> to vector<16xi32>
        %gather3A_138 = tpu.dynamic_gather %add3A_132[%gather3A_137] in [0] : vector<16xf32>, vector<16xi32> -> vector<16xf32>
        %add3A_139 = arith.addf %add3A_132, %gather3A_138 : vector<16xf32>
        %xor3A_140 = arith.constant 1 : i32
        %xor3A_141 = vector.broadcast %xor3A_140 : i32 to vector<16xi32>
        %xor3A_142 = arith.xori %iota3A, %xor3A_141 : vector<16xi32>
        %broadcast_in_dim3A_143 = vector.shape_cast %xor3A_142 : vector<16xi32> to vector<16x1xi32>
        %gather3A_144 = vector.shape_cast %broadcast_in_dim3A_143 : vector<16x1xi32> to vector<16xi32>
        %gather3A_145 = tpu.dynamic_gather %add3A_139[%gather3A_144] in [0] : vector<16xf32>, vector<16xi32> -> vector<16xf32>
        %add3A_146 = arith.addf %add3A_139, %gather3A_145 : vector<16xf32>
        %select_n3A = arith.select %eq3A_120, %add3A_146, %scan3A_113 : vector<16xi1>, vector<16xf32>
        scf.yield %select_n3A : vector<16xf32>
      }
      %scan3A_64 = arith.constant 16 : i32
      %exp3A = math.exp %scan3A_63 : vector<16xf32>
      %add3A_65 = arith.constant 0 : i32
      %add3A_66 = arith.addi %add3A_65, %mul3A_40 : i32
      %swap3A_67 = arith.index_cast %add3A_66 : i32 to index
      %swap3A_68 = tpu.vector_load %arg13[%swap3A_67] {strides = array<i32>} : memref<20032xf32, #tpu.memory_space<vmem>>, vector<16xf32>,
      tpu.vector_store %arg13[%swap3A_67], %exp3A {strides = array<i32>} : memref<20032xf32, #tpu.memory_space<vmem>>, vector<16xf32>,
      %broadcast_in_dim3A_69 = arith.constant 0 : i32
      %broadcast_in_dim3A_70 = vector.broadcast %broadcast_in_dim3A_69 : i32 to vector<16xi32>
      tpu.vector_store_idx %arg21[%iota3A, %broadcast_in_dim3A_70], %exp3A : memref<16x16xf32, #tpu.memory_space<vmem>>[vector<16xi32>, vector<16xi32>], vector<16xf32>,
      %scan3A_71 = arith.constant 0 : i32
      %scan3A_72 = arith.constant 16 : i32
      %scan3A_73 = arith.addi %scan3A_71, %scan3A_72 : i32
      %scan3A_74 = arith.constant 1 : i32
      %scan3A_75 = scf.for %scan3A_112 = %scan3A_71 to %scan3A_73 step %scan3A_74 iter_args(%scan3A_113 = %broadcast_in_dim3A_3) -> (vector<16xf32>)  : i32 {
        %scan3A_114 = arith.constant 0 : i32
        %scan3A_115 = arith.constant 16 : i32
        %scan3A_116 = arith.addi %scan3A_114, %scan3A_115 : i32
        %scan3A_117 = arith.constant 1 : i32
        %scan3A_118 = scf.for %scan3A_147 = %scan3A_114 to %scan3A_116 step %scan3A_117 iter_args(%scan3A_148 = %broadcast_in_dim3A_3) -> (vector<16xf32>)  : i32 {
          %mul3A_149 = arith.constant 16 : i32
          %mul3A_150 = arith.muli %scan3A_147, %mul3A_149 : i32
          %add3A_151 = arith.constant 256 : i32
          %add3A_152 = arith.addi %add3A_151, %mul3A_150 : i32
          %get3A_153 = arith.index_cast %scan3A_112 : i32 to index
          %get3A_154 = arith.index_cast %add3A_152 : i32 to index
          %get3A_155 = tpu.vector_load %arg15[%get3A_153, %get3A_154] {strides = array<i32>} : memref<16x1024xf32, #tpu.memory_space<vmem>>, vector<16xf32>,
          %get3A_156 = arith.index_cast %scan3A_112 : i32 to index
          %get3A_157 = arith.index_cast %add3A_152 : i32 to index
          %get3A_158 = tpu.vector_load %arg16[%get3A_156, %get3A_157] {strides = array<i32>} : memref<16x1024xf32, #tpu.memory_space<vmem>>, vector<16xf32>,
          %add3A_159 = arith.addf %get3A_155, %get3A_158 : vector<16xf32>
          %mul3A_160 = arith.constant 2.000000e-01 : f32
          %mul3A_161 = vector.broadcast %mul3A_160 : f32 to vector<16xf32>
          %mul3A_162 = arith.mulf %mul3A_161, %add3A_159 : vector<16xf32>
          %max3A = arith.maximumf %add3A_159, %mul3A_162 : vector<16xf32>
          %get3A_163 = arith.index_cast %add3A_152 : i32 to index
          %get3A_164 = tpu.vector_load %arg18[%get3A_163] {strides = array<i32>} : memref<1024xf32, #tpu.memory_space<vmem>>, vector<16xf32>,
          %mul3A_165 = arith.mulf %max3A, %get3A_164 : vector<16xf32>
          %add3A_166 = arith.addf %scan3A_148, %mul3A_165 : vector<16xf32>
          scf.yield %add3A_166 : vector<16xf32>
        }
        %scan3A_119 = arith.constant 16 : i32
        %eq3A = vector.broadcast %scan3A_112 : i32 to vector<16xi32>
        %eq3A_120 = arith.cmpi eq, %iota3A, %eq3A : vector<16xi32>
        %xor3A = arith.constant 8 : i32
        %xor3A_121 = vector.broadcast %xor3A : i32 to vector<16xi32>
        %xor3A_122 = arith.xori %iota3A, %xor3A_121 : vector<16xi32>
        %broadcast_in_dim3A_123 = vector.shape_cast %xor3A_122 : vector<16xi32> to vector<16x1xi32>
        %gather3A = vector.shape_cast %broadcast_in_dim3A_123 : vector<16x1xi32> to vector<16xi32>
        %gather3A_124 = tpu.dynamic_gather %scan3A_118[%gather3A] in [0] : vector<16xf32>, vector<16xi32> -> vector<16xf32>
        %add3A_125 = arith.addf %scan3A_118, %gather3A_124 : vector<16xf32>
        %xor3A_126 = arith.constant 4 : i32
        %xor3A_127 = vector.broadcast %xor3A_126 : i32 to vector<16xi32>
        %xor3A_128 = arith.xori %iota3A, %xor3A_127 : vector<16xi32>
        %broadcast_in_dim3A_129 = vector.shape_cast %xor3A_128 : vector<16xi32> to vector<16x1xi32>
        %gather3A_130 = vector.shape_cast %broadcast_in_dim3A_129 : vector<16x1xi32> to vector<16xi32>
        %gather3A_131 = tpu.dynamic_gather %add3A_125[%gather3A_130] in [0] : vector<16xf32>, vector<16xi32> -> vector<16xf32>
        %add3A_132 = arith.addf %add3A_125, %gather3A_131 : vector<16xf32>
        %xor3A_133 = arith.constant 2 : i32
        %xor3A_134 = vector.broadcast %xor3A_133 : i32 to vector<16xi32>
        %xor3A_135 = arith.xori %iota3A, %xor3A_134 : vector<16xi32>
        %broadcast_in_dim3A_136 = vector.shape_cast %xor3A_135 : vector<16xi32> to vector<16x1xi32>
        %gather3A_137 = vector.shape_cast %broadcast_in_dim3A_136 : vector<16x1xi32> to vector<16xi32>
        %gather3A_138 = tpu.dynamic_gather %add3A_132[%gather3A_137] in [0] : vector<16xf32>, vector<16xi32> -> vector<16xf32>
        %add3A_139 = arith.addf %add3A_132, %gather3A_138 : vector<16xf32>
        %xor3A_140 = arith.constant 1 : i32
        %xor3A_141 = vector.broadcast %xor3A_140 : i32 to vector<16xi32>
        %xor3A_142 = arith.xori %iota3A, %xor3A_141 : vector<16xi32>
        %broadcast_in_dim3A_143 = vector.shape_cast %xor3A_142 : vector<16xi32> to vector<16x1xi32>
        %gather3A_144 = vector.shape_cast %broadcast_in_dim3A_143 : vector<16x1xi32> to vector<16xi32>
        %gather3A_145 = tpu.dynamic_gather %add3A_139[%gather3A_144] in [0] : vector<16xf32>, vector<16xi32> -> vector<16xf32>
        %add3A_146 = arith.addf %add3A_139, %gather3A_145 : vector<16xf32>
        %select_n3A = arith.select %eq3A_120, %add3A_146, %scan3A_113 : vector<16xi1>, vector<16xf32>
        scf.yield %select_n3A : vector<16xf32>
      }
      %scan3A_76 = arith.constant 16 : i32
      %exp3A_77 = math.exp %scan3A_75 : vector<16xf32>
      %add3A_78 = arith.constant 5008 : i32
      %add3A_79 = arith.addi %add3A_78, %mul3A_40 : i32
      %swap3A_80 = arith.index_cast %add3A_79 : i32 to index
      %swap3A_81 = tpu.vector_load %arg13[%swap3A_80] {strides = array<i32>} : memref<20032xf32, #tpu.memory_space<vmem>>, vector<16xf32>,
      tpu.vector_store %arg13[%swap3A_80], %exp3A_77 {strides = array<i32>} : memref<20032xf32, #tpu.memory_space<vmem>>, vector<16xf32>,
      %broadcast_in_dim3A_82 = arith.constant 1 : i32
      %broadcast_in_dim3A_83 = vector.broadcast %broadcast_in_dim3A_82 : i32 to vector<16xi32>
      tpu.vector_store_idx %arg21[%iota3A, %broadcast_in_dim3A_83], %exp3A_77 : memref<16x16xf32, #tpu.memory_space<vmem>>[vector<16xi32>, vector<16xi32>], vector<16xf32>,
      %scan3A_84 = arith.constant 0 : i32
      %scan3A_85 = arith.constant 16 : i32
      %scan3A_86 = arith.addi %scan3A_84, %scan3A_85 : i32
      %scan3A_87 = arith.constant 1 : i32
      %scan3A_88 = scf.for %scan3A_112 = %scan3A_84 to %scan3A_86 step %scan3A_87 iter_args(%scan3A_113 = %broadcast_in_dim3A_3) -> (vector<16xf32>)  : i32 {
        %scan3A_114 = arith.constant 0 : i32
        %scan3A_115 = arith.constant 16 : i32
        %scan3A_116 = arith.addi %scan3A_114, %scan3A_115 : i32
        %scan3A_117 = arith.constant 1 : i32
        %scan3A_118 = scf.for %scan3A_147 = %scan3A_114 to %scan3A_116 step %scan3A_117 iter_args(%scan3A_148 = %broadcast_in_dim3A_3) -> (vector<16xf32>)  : i32 {
          %mul3A_149 = arith.constant 16 : i32
          %mul3A_150 = arith.muli %scan3A_147, %mul3A_149 : i32
          %add3A_151 = arith.constant 512 : i32
          %add3A_152 = arith.addi %add3A_151, %mul3A_150 : i32
          %get3A_153 = arith.index_cast %scan3A_112 : i32 to index
          %get3A_154 = arith.index_cast %add3A_152 : i32 to index
          %get3A_155 = tpu.vector_load %arg15[%get3A_153, %get3A_154] {strides = array<i32>} : memref<16x1024xf32, #tpu.memory_space<vmem>>, vector<16xf32>,
          %get3A_156 = arith.index_cast %scan3A_112 : i32 to index
          %get3A_157 = arith.index_cast %add3A_152 : i32 to index
          %get3A_158 = tpu.vector_load %arg16[%get3A_156, %get3A_157] {strides = array<i32>} : memref<16x1024xf32, #tpu.memory_space<vmem>>, vector<16xf32>,
          %add3A_159 = arith.addf %get3A_155, %get3A_158 : vector<16xf32>
          %mul3A_160 = arith.constant 2.000000e-01 : f32
          %mul3A_161 = vector.broadcast %mul3A_160 : f32 to vector<16xf32>
          %mul3A_162 = arith.mulf %mul3A_161, %add3A_159 : vector<16xf32>
          %max3A = arith.maximumf %add3A_159, %mul3A_162 : vector<16xf32>
          %get3A_163 = arith.index_cast %add3A_152 : i32 to index
          %get3A_164 = tpu.vector_load %arg18[%get3A_163] {strides = array<i32>} : memref<1024xf32, #tpu.memory_space<vmem>>, vector<16xf32>,
          %mul3A_165 = arith.mulf %max3A, %get3A_164 : vector<16xf32>
          %add3A_166 = arith.addf %scan3A_148, %mul3A_165 : vector<16xf32>
          scf.yield %add3A_166 : vector<16xf32>
        }
        %scan3A_119 = arith.constant 16 : i32
        %eq3A = vector.broadcast %scan3A_112 : i32 to vector<16xi32>
        %eq3A_120 = arith.cmpi eq, %iota3A, %eq3A : vector<16xi32>
        %xor3A = arith.constant 8 : i32
        %xor3A_121 = vector.broadcast %xor3A : i32 to vector<16xi32>
        %xor3A_122 = arith.xori %iota3A, %xor3A_121 : vector<16xi32>
        %broadcast_in_dim3A_123 = vector.shape_cast %xor3A_122 : vector<16xi32> to vector<16x1xi32>
        %gather3A = vector.shape_cast %broadcast_in_dim3A_123 : vector<16x1xi32> to vector<16xi32>
        %gather3A_124 = tpu.dynamic_gather %scan3A_118[%gather3A] in [0] : vector<16xf32>, vector<16xi32> -> vector<16xf32>
        %add3A_125 = arith.addf %scan3A_118, %gather3A_124 : vector<16xf32>
        %xor3A_126 = arith.constant 4 : i32
        %xor3A_127 = vector.broadcast %xor3A_126 : i32 to vector<16xi32>
        %xor3A_128 = arith.xori %iota3A, %xor3A_127 : vector<16xi32>
        %broadcast_in_dim3A_129 = vector.shape_cast %xor3A_128 : vector<16xi32> to vector<16x1xi32>
        %gather3A_130 = vector.shape_cast %broadcast_in_dim3A_129 : vector<16x1xi32> to vector<16xi32>
        %gather3A_131 = tpu.dynamic_gather %add3A_125[%gather3A_130] in [0] : vector<16xf32>, vector<16xi32> -> vector<16xf32>
        %add3A_132 = arith.addf %add3A_125, %gather3A_131 : vector<16xf32>
        %xor3A_133 = arith.constant 2 : i32
        %xor3A_134 = vector.broadcast %xor3A_133 : i32 to vector<16xi32>
        %xor3A_135 = arith.xori %iota3A, %xor3A_134 : vector<16xi32>
        %broadcast_in_dim3A_136 = vector.shape_cast %xor3A_135 : vector<16xi32> to vector<16x1xi32>
        %gather3A_137 = vector.shape_cast %broadcast_in_dim3A_136 : vector<16x1xi32> to vector<16xi32>
        %gather3A_138 = tpu.dynamic_gather %add3A_132[%gather3A_137] in [0] : vector<16xf32>, vector<16xi32> -> vector<16xf32>
        %add3A_139 = arith.addf %add3A_132, %gather3A_138 : vector<16xf32>
        %xor3A_140 = arith.constant 1 : i32
        %xor3A_141 = vector.broadcast %xor3A_140 : i32 to vector<16xi32>
        %xor3A_142 = arith.xori %iota3A, %xor3A_141 : vector<16xi32>
        %broadcast_in_dim3A_143 = vector.shape_cast %xor3A_142 : vector<16xi32> to vector<16x1xi32>
        %gather3A_144 = vector.shape_cast %broadcast_in_dim3A_143 : vector<16x1xi32> to vector<16xi32>
        %gather3A_145 = tpu.dynamic_gather %add3A_139[%gather3A_144] in [0] : vector<16xf32>, vector<16xi32> -> vector<16xf32>
        %add3A_146 = arith.addf %add3A_139, %gather3A_145 : vector<16xf32>
        %select_n3A = arith.select %eq3A_120, %add3A_146, %scan3A_113 : vector<16xi1>, vector<16xf32>
        scf.yield %select_n3A : vector<16xf32>
      }
      %scan3A_89 = arith.constant 16 : i32
      %exp3A_90 = math.exp %scan3A_88 : vector<16xf32>
      %add3A_91 = arith.constant 10016 : i32
      %add3A_92 = arith.addi %add3A_91, %mul3A_40 : i32
      %swap3A_93 = arith.index_cast %add3A_92 : i32 to index
      %swap3A_94 = tpu.vector_load %arg13[%swap3A_93] {strides = array<i32>} : memref<20032xf32, #tpu.memory_space<vmem>>, vector<16xf32>,
      tpu.vector_store %arg13[%swap3A_93], %exp3A_90 {strides = array<i32>} : memref<20032xf32, #tpu.memory_space<vmem>>, vector<16xf32>,
      %broadcast_in_dim3A_95 = arith.constant 2 : i32
      %broadcast_in_dim3A_96 = vector.broadcast %broadcast_in_dim3A_95 : i32 to vector<16xi32>
      tpu.vector_store_idx %arg21[%iota3A, %broadcast_in_dim3A_96], %exp3A_90 : memref<16x16xf32, #tpu.memory_space<vmem>>[vector<16xi32>, vector<16xi32>], vector<16xf32>,
      %scan3A_97 = arith.constant 0 : i32
      %scan3A_98 = arith.constant 16 : i32
      %scan3A_99 = arith.addi %scan3A_97, %scan3A_98 : i32
      %scan3A_100 = arith.constant 1 : i32
      %scan3A_101 = scf.for %scan3A_112 = %scan3A_97 to %scan3A_99 step %scan3A_100 iter_args(%scan3A_113 = %broadcast_in_dim3A_3) -> (vector<16xf32>)  : i32 {
        %scan3A_114 = arith.constant 0 : i32
        %scan3A_115 = arith.constant 16 : i32
        %scan3A_116 = arith.addi %scan3A_114, %scan3A_115 : i32
        %scan3A_117 = arith.constant 1 : i32
        %scan3A_118 = scf.for %scan3A_147 = %scan3A_114 to %scan3A_116 step %scan3A_117 iter_args(%scan3A_148 = %broadcast_in_dim3A_3) -> (vector<16xf32>)  : i32 {
          %mul3A_149 = arith.constant 16 : i32
          %mul3A_150 = arith.muli %scan3A_147, %mul3A_149 : i32
          %add3A_151 = arith.constant 768 : i32
          %add3A_152 = arith.addi %add3A_151, %mul3A_150 : i32
          %get3A_153 = arith.index_cast %scan3A_112 : i32 to index
          %get3A_154 = arith.index_cast %add3A_152 : i32 to index
          %get3A_155 = tpu.vector_load %arg15[%get3A_153, %get3A_154] {strides = array<i32>} : memref<16x1024xf32, #tpu.memory_space<vmem>>, vector<16xf32>,
          %get3A_156 = arith.index_cast %scan3A_112 : i32 to index
          %get3A_157 = arith.index_cast %add3A_152 : i32 to index
          %get3A_158 = tpu.vector_load %arg16[%get3A_156, %get3A_157] {strides = array<i32>} : memref<16x1024xf32, #tpu.memory_space<vmem>>, vector<16xf32>,
          %add3A_159 = arith.addf %get3A_155, %get3A_158 : vector<16xf32>
          %mul3A_160 = arith.constant 2.000000e-01 : f32
          %mul3A_161 = vector.broadcast %mul3A_160 : f32 to vector<16xf32>
          %mul3A_162 = arith.mulf %mul3A_161, %add3A_159 : vector<16xf32>
          %max3A = arith.maximumf %add3A_159, %mul3A_162 : vector<16xf32>
          %get3A_163 = arith.index_cast %add3A_152 : i32 to index
          %get3A_164 = tpu.vector_load %arg18[%get3A_163] {strides = array<i32>} : memref<1024xf32, #tpu.memory_space<vmem>>, vector<16xf32>,
          %mul3A_165 = arith.mulf %max3A, %get3A_164 : vector<16xf32>
          %add3A_166 = arith.addf %scan3A_148, %mul3A_165 : vector<16xf32>
          scf.yield %add3A_166 : vector<16xf32>
        }
        %scan3A_119 = arith.constant 16 : i32
        %eq3A = vector.broadcast %scan3A_112 : i32 to vector<16xi32>
        %eq3A_120 = arith.cmpi eq, %iota3A, %eq3A : vector<16xi32>
        %xor3A = arith.constant 8 : i32
        %xor3A_121 = vector.broadcast %xor3A : i32 to vector<16xi32>
        %xor3A_122 = arith.xori %iota3A, %xor3A_121 : vector<16xi32>
        %broadcast_in_dim3A_123 = vector.shape_cast %xor3A_122 : vector<16xi32> to vector<16x1xi32>
        %gather3A = vector.shape_cast %broadcast_in_dim3A_123 : vector<16x1xi32> to vector<16xi32>
        %gather3A_124 = tpu.dynamic_gather %scan3A_118[%gather3A] in [0] : vector<16xf32>, vector<16xi32> -> vector<16xf32>
        %add3A_125 = arith.addf %scan3A_118, %gather3A_124 : vector<16xf32>
        %xor3A_126 = arith.constant 4 : i32
        %xor3A_127 = vector.broadcast %xor3A_126 : i32 to vector<16xi32>
        %xor3A_128 = arith.xori %iota3A, %xor3A_127 : vector<16xi32>
        %broadcast_in_dim3A_129 = vector.shape_cast %xor3A_128 : vector<16xi32> to vector<16x1xi32>
        %gather3A_130 = vector.shape_cast %broadcast_in_dim3A_129 : vector<16x1xi32> to vector<16xi32>
        %gather3A_131 = tpu.dynamic_gather %add3A_125[%gather3A_130] in [0] : vector<16xf32>, vector<16xi32> -> vector<16xf32>
        %add3A_132 = arith.addf %add3A_125, %gather3A_131 : vector<16xf32>
        %xor3A_133 = arith.constant 2 : i32
        %xor3A_134 = vector.broadcast %xor3A_133 : i32 to vector<16xi32>
        %xor3A_135 = arith.xori %iota3A, %xor3A_134 : vector<16xi32>
        %broadcast_in_dim3A_136 = vector.shape_cast %xor3A_135 : vector<16xi32> to vector<16x1xi32>
        %gather3A_137 = vector.shape_cast %broadcast_in_dim3A_136 : vector<16x1xi32> to vector<16xi32>
        %gather3A_138 = tpu.dynamic_gather %add3A_132[%gather3A_137] in [0] : vector<16xf32>, vector<16xi32> -> vector<16xf32>
        %add3A_139 = arith.addf %add3A_132, %gather3A_138 : vector<16xf32>
        %xor3A_140 = arith.constant 1 : i32
        %xor3A_141 = vector.broadcast %xor3A_140 : i32 to vector<16xi32>
        %xor3A_142 = arith.xori %iota3A, %xor3A_141 : vector<16xi32>
        %broadcast_in_dim3A_143 = vector.shape_cast %xor3A_142 : vector<16xi32> to vector<16x1xi32>
        %gather3A_144 = vector.shape_cast %broadcast_in_dim3A_143 : vector<16x1xi32> to vector<16xi32>
        %gather3A_145 = tpu.dynamic_gather %add3A_139[%gather3A_144] in [0] : vector<16xf32>, vector<16xi32> -> vector<16xf32>
        %add3A_146 = arith.addf %add3A_139, %gather3A_145 : vector<16xf32>
        %select_n3A = arith.select %eq3A_120, %add3A_146, %scan3A_113 : vector<16xi1>, vector<16xf32>
        scf.yield %select_n3A : vector<16xf32>
      }
      %scan3A_102 = arith.constant 16 : i32
      %exp3A_103 = math.exp %scan3A_101 : vector<16xf32>
      %add3A_104 = arith.constant 15024 : i32
      %add3A_105 = arith.addi %add3A_104, %mul3A_40 : i32
      %swap3A_106 = arith.index_cast %add3A_105 : i32 to index
      %swap3A_107 = tpu.vector_load %arg13[%swap3A_106] {strides = array<i32>} : memref<20032xf32, #tpu.memory_space<vmem>>, vector<16xf32>,
      tpu.vector_store %arg13[%swap3A_106], %exp3A_103 {strides = array<i32>} : memref<20032xf32, #tpu.memory_space<vmem>>, vector<16xf32>,
      %broadcast_in_dim3A_108 = arith.constant 3 : i32
      %broadcast_in_dim3A_109 = vector.broadcast %broadcast_in_dim3A_108 : i32 to vector<16xi32>
      tpu.vector_store_idx %arg21[%iota3A, %broadcast_in_dim3A_109], %exp3A_103 : memref<16x16xf32, #tpu.memory_space<vmem>>[vector<16xi32>, vector<16xi32>], vector<16xf32>,
      %swap3A_110 = arith.constant 0 : index
      %swap3A_111 = tpu.vector_load %arg20[%swap3A_110] {strides = array<i32>} : memref<16xi32, #tpu.memory_space<vmem>>, vector<16xi32>,
      tpu.vector_store %arg20[%swap3A_110], %get3A_43 {strides = array<i32>} : memref<16xi32, #tpu.memory_space<vmem>>, vector<16xi32>,
      "tpu.region"() ({
        %run_scoped3A = tpu.sem_alloc : memref<!tpu.dma_semaphore, #tpu.memory_space<semaphore_mem>>
        %dma_start3A_112 = arith.constant 0 : i32
        %dma_start3A_113 = arith.constant 0 : i32
        %dma_start3A_114 = tpu.memref_slice %arg25[%dma_start3A_112, %dma_start3A_113] : memref<10256x16xf32, #tpu.memory_space<vmem_shared>> -> memref<10256x16xf32, #tpu.memory_space<vmem_shared>>
        tpu.enqueue_indirect_dma source(%arg21 : memref<16x16xf32, #tpu.memory_space<vmem>>) target(%dma_start3A_114 : memref<10256x16xf32, #tpu.memory_space<vmem_shared>>) offsets(%arg20 : memref<16xi32, #tpu.memory_space<vmem>>) semaphore(%run_scoped3A : memref<!tpu.dma_semaphore, #tpu.memory_space<semaphore_mem>>) {add = true}
        %dma_wait3A_115 = arith.constant 0 : i32
        %dma_wait3A_116 = arith.constant 0 : i32
        %dma_wait3A_117 = tpu.memref_slice %arg25[%dma_wait3A_115, %dma_wait3A_116] : memref<10256x16xf32, #tpu.memory_space<vmem_shared>> -> memref<10256x16xf32, #tpu.memory_space<vmem_shared>>
        tpu.wait_indirect_dma semaphore(%run_scoped3A : memref<!tpu.dma_semaphore, #tpu.memory_space<semaphore_mem>>) src(%arg21 : memref<16x16xf32, #tpu.memory_space<vmem>>) dst(%dma_wait3A_117 : memref<10256x16xf32, #tpu.memory_space<vmem_shared>>)
        tpu.yield
      }) : () -> ()
    }
    %scan3A_26 = arith.constant 313 : i32
    %barrier3A_27 = arith.constant 0 : index
    tpu.barrier barrier_id(%barrier3A_27)
    %mul3A_28 = arith.constant 640 : i32
    %mul3A_29 = arith.muli %arg1, %mul3A_28 : i32
    %mul3A_30 = arith.constant 640 : i32
    %mul3A_31 = arith.muli %arg1, %mul3A_30 : i32
    "tpu.region"() ({
      %run_scoped3A = tpu.sem_alloc : memref<!tpu.dma_semaphore, #tpu.memory_space<semaphore_mem>>
      %dma_start3A = arith.constant 0 : i32
      %dma_start3A_38 = tpu.memref_slice %arg10[%arg0, %mul3A_31, %dma_start3A] : memref<2x10240x16xf32, #tpu.memory_space<hbm>> -> memref<1x640x16xf32, #tpu.memory_space<hbm>>
      %dma_start3A_39 = tpu.memref_squeeze %dma_start3A_38 : memref<1x640x16xf32, #tpu.memory_space<hbm>> -> memref<640x16xf32, #tpu.memory_space<hbm>>
      %dma_start3A_40 = arith.constant 0 : i32
      %dma_start3A_41 = tpu.memref_slice %arg25[%mul3A_29, %dma_start3A_40] : memref<10256x16xf32, #tpu.memory_space<vmem_shared>> -> memref<640x16xf32, #tpu.memory_space<vmem_shared>>
      tpu.enqueue_dma source(%dma_start3A_41 : memref<640x16xf32, #tpu.memory_space<vmem_shared>>) target(%dma_start3A_39 : memref<640x16xf32, #tpu.memory_space<hbm>>) target_semaphore(%run_scoped3A : memref<!tpu.dma_semaphore, #tpu.memory_space<semaphore_mem>>)
      %dma_wait3A = arith.constant 0 : i32
      %dma_wait3A_42 = tpu.memref_slice %arg10[%arg0, %mul3A_31, %dma_wait3A] : memref<2x10240x16xf32, #tpu.memory_space<hbm>> -> memref<1x640x16xf32, #tpu.memory_space<hbm>>
      %dma_wait3A_43 = tpu.memref_squeeze %dma_wait3A_42 : memref<1x640x16xf32, #tpu.memory_space<hbm>> -> memref<640x16xf32, #tpu.memory_space<hbm>>
      %dma_wait3A_44 = arith.constant 0 : i32
      %dma_wait3A_45 = tpu.memref_slice %arg25[%mul3A_29, %dma_wait3A_44] : memref<10256x16xf32, #tpu.memory_space<vmem_shared>> -> memref<640x16xf32, #tpu.memory_space<vmem_shared>>
      tpu.wait_dma2 semaphore(%run_scoped3A : memref<!tpu.dma_semaphore, #tpu.memory_space<semaphore_mem>>) src(%dma_wait3A_45 : memref<640x16xf32, #tpu.memory_space<vmem_shared>>) dst(%dma_wait3A_43 : memref<640x16xf32, #tpu.memory_space<hbm>>)
      tpu.yield
    }) : () -> ()
    %scan3A_32 = arith.constant 0 : i32
    %scan3A_33 = arith.constant 0 : i32
    %scan3A_34 = arith.constant 40 : i32
    %scan3A_35 = arith.addi %scan3A_33, %scan3A_34 : i32
    %scan3A_36 = arith.constant 1 : i32
    scf.for %scan3A_38 = %scan3A_33 to %scan3A_35 step %scan3A_36  : i32 {
      %mul3A_39 = arith.constant 256 : i32
      %mul3A_40 = arith.muli %scan3A_38, %mul3A_39 : i32
      %mul3A_41 = arith.constant 16 : i32
      %mul3A_42 = arith.muli %arg1, %mul3A_41 : i32
      %add3A_43 = arith.constant 0 : i32
      %add3A_44 = arith.addi %add3A_43, %mul3A_42 : i32
      "tpu.region"() ({
        %run_scoped3A_175 = tpu.sem_alloc : memref<!tpu.dma_semaphore, #tpu.memory_space<semaphore_mem>>
        %dma_start3A = arith.constant 0 : i32
        %dma_start3A_176 = tpu.memref_slice %arg24[%add3A_44, %dma_start3A] : memref<2176x128xf32, #tpu.memory_space<vmem_shared>> -> memref<16x128xf32, #tpu.memory_space<vmem_shared>>
        tpu.enqueue_dma source(%arg7 : memref<16x128xf32, #tpu.memory_space<hbm>>) target(%dma_start3A_176 : memref<16x128xf32, #tpu.memory_space<vmem_shared>>) target_semaphore(%run_scoped3A_175 : memref<!tpu.dma_semaphore, #tpu.memory_space<semaphore_mem>>)
        %dma_wait3A = arith.constant 0 : i32
        %dma_wait3A_177 = tpu.memref_slice %arg24[%add3A_44, %dma_wait3A] : memref<2176x128xf32, #tpu.memory_space<vmem_shared>> -> memref<16x128xf32, #tpu.memory_space<vmem_shared>>
        tpu.wait_dma2 semaphore(%run_scoped3A_175 : memref<!tpu.dma_semaphore, #tpu.memory_space<semaphore_mem>>) src(%arg7 : memref<16x128xf32, #tpu.memory_space<hbm>>) dst(%dma_wait3A_177 : memref<16x128xf32, #tpu.memory_space<vmem_shared>>)
        tpu.yield
      }) : () -> ()
      %mul3A_45 = arith.constant 16 : i32
      %mul3A_46 = arith.muli %arg1, %mul3A_45 : i32
      %add3A_47 = arith.constant 272 : i32
      %add3A_48 = arith.addi %add3A_47, %mul3A_46 : i32
      "tpu.region"() ({
        %run_scoped3A_175 = tpu.sem_alloc : memref<!tpu.dma_semaphore, #tpu.memory_space<semaphore_mem>>
        %dma_start3A = arith.constant 0 : i32
        %dma_start3A_176 = tpu.memref_slice %arg24[%add3A_48, %dma_start3A] : memref<2176x128xf32, #tpu.memory_space<vmem_shared>> -> memref<16x128xf32, #tpu.memory_space<vmem_shared>>
        tpu.enqueue_dma source(%arg7 : memref<16x128xf32, #tpu.memory_space<hbm>>) target(%dma_start3A_176 : memref<16x128xf32, #tpu.memory_space<vmem_shared>>) target_semaphore(%run_scoped3A_175 : memref<!tpu.dma_semaphore, #tpu.memory_space<semaphore_mem>>)
        %dma_wait3A = arith.constant 0 : i32
        %dma_wait3A_177 = tpu.memref_slice %arg24[%add3A_48, %dma_wait3A] : memref<2176x128xf32, #tpu.memory_space<vmem_shared>> -> memref<16x128xf32, #tpu.memory_space<vmem_shared>>
        tpu.wait_dma2 semaphore(%run_scoped3A_175 : memref<!tpu.dma_semaphore, #tpu.memory_space<semaphore_mem>>) src(%arg7 : memref<16x128xf32, #tpu.memory_space<hbm>>) dst(%dma_wait3A_177 : memref<16x128xf32, #tpu.memory_space<vmem_shared>>)
        tpu.yield
      }) : () -> ()
      %mul3A_49 = arith.constant 16 : i32
      %mul3A_50 = arith.muli %arg1, %mul3A_49 : i32
      %add3A_51 = arith.constant 544 : i32
      %add3A_52 = arith.addi %add3A_51, %mul3A_50 : i32
      "tpu.region"() ({
        %run_scoped3A_175 = tpu.sem_alloc : memref<!tpu.dma_semaphore, #tpu.memory_space<semaphore_mem>>
        %dma_start3A = arith.constant 0 : i32
        %dma_start3A_176 = tpu.memref_slice %arg24[%add3A_52, %dma_start3A] : memref<2176x128xf32, #tpu.memory_space<vmem_shared>> -> memref<16x128xf32, #tpu.memory_space<vmem_shared>>
        tpu.enqueue_dma source(%arg7 : memref<16x128xf32, #tpu.memory_space<hbm>>) target(%dma_start3A_176 : memref<16x128xf32, #tpu.memory_space<vmem_shared>>) target_semaphore(%run_scoped3A_175 : memref<!tpu.dma_semaphore, #tpu.memory_space<semaphore_mem>>)
        %dma_wait3A = arith.constant 0 : i32
        %dma_wait3A_177 = tpu.memref_slice %arg24[%add3A_52, %dma_wait3A] : memref<2176x128xf32, #tpu.memory_space<vmem_shared>> -> memref<16x128xf32, #tpu.memory_space<vmem_shared>>
        tpu.wait_dma2 semaphore(%run_scoped3A_175 : memref<!tpu.dma_semaphore, #tpu.memory_space<semaphore_mem>>) src(%arg7 : memref<16x128xf32, #tpu.memory_space<hbm>>) dst(%dma_wait3A_177 : memref<16x128xf32, #tpu.memory_space<vmem_shared>>)
        tpu.yield
      }) : () -> ()
      %mul3A_53 = arith.constant 16 : i32
      %mul3A_54 = arith.muli %arg1, %mul3A_53 : i32
      %add3A_55 = arith.constant 816 : i32
      %add3A_56 = arith.addi %add3A_55, %mul3A_54 : i32
      "tpu.region"() ({
        %run_scoped3A_175 = tpu.sem_alloc : memref<!tpu.dma_semaphore, #tpu.memory_space<semaphore_mem>>
        %dma_start3A = arith.constant 0 : i32
        %dma_start3A_176 = tpu.memref_slice %arg24[%add3A_56, %dma_start3A] : memref<2176x128xf32, #tpu.memory_space<vmem_shared>> -> memref<16x128xf32, #tpu.memory_space<vmem_shared>>
        tpu.enqueue_dma source(%arg7 : memref<16x128xf32, #tpu.memory_space<hbm>>) target(%dma_start3A_176 : memref<16x128xf32, #tpu.memory_space<vmem_shared>>) target_semaphore(%run_scoped3A_175 : memref<!tpu.dma_semaphore, #tpu.memory_space<semaphore_mem>>)
        %dma_wait3A = arith.constant 0 : i32
        %dma_wait3A_177 = tpu.memref_slice %arg24[%add3A_56, %dma_wait3A] : memref<2176x128xf32, #tpu.memory_space<vmem_shared>> -> memref<16x128xf32, #tpu.memory_space<vmem_shared>>
        tpu.wait_dma2 semaphore(%run_scoped3A_175 : memref<!tpu.dma_semaphore, #tpu.memory_space<semaphore_mem>>) src(%arg7 : memref<16x128xf32, #tpu.memory_space<hbm>>) dst(%dma_wait3A_177 : memref<16x128xf32, #tpu.memory_space<vmem_shared>>)
        tpu.yield
      }) : () -> ()
      %mul3A_57 = arith.constant 16 : i32
      %mul3A_58 = arith.muli %arg1, %mul3A_57 : i32
      %add3A_59 = arith.constant 1088 : i32
      %add3A_60 = arith.addi %add3A_59, %mul3A_58 : i32
      "tpu.region"() ({
        %run_scoped3A_175 = tpu.sem_alloc : memref<!tpu.dma_semaphore, #tpu.memory_space<semaphore_mem>>
        %dma_start3A = arith.constant 0 : i32
        %dma_start3A_176 = tpu.memref_slice %arg24[%add3A_60, %dma_start3A] : memref<2176x128xf32, #tpu.memory_space<vmem_shared>> -> memref<16x128xf32, #tpu.memory_space<vmem_shared>>
        tpu.enqueue_dma source(%arg7 : memref<16x128xf32, #tpu.memory_space<hbm>>) target(%dma_start3A_176 : memref<16x128xf32, #tpu.memory_space<vmem_shared>>) target_semaphore(%run_scoped3A_175 : memref<!tpu.dma_semaphore, #tpu.memory_space<semaphore_mem>>)
        %dma_wait3A = arith.constant 0 : i32
        %dma_wait3A_177 = tpu.memref_slice %arg24[%add3A_60, %dma_wait3A] : memref<2176x128xf32, #tpu.memory_space<vmem_shared>> -> memref<16x128xf32, #tpu.memory_space<vmem_shared>>
        tpu.wait_dma2 semaphore(%run_scoped3A_175 : memref<!tpu.dma_semaphore, #tpu.memory_space<semaphore_mem>>) src(%arg7 : memref<16x128xf32, #tpu.memory_space<hbm>>) dst(%dma_wait3A_177 : memref<16x128xf32, #tpu.memory_space<vmem_shared>>)
        tpu.yield
      }) : () -> ()
      %mul3A_61 = arith.constant 16 : i32
      %mul3A_62 = arith.muli %arg1, %mul3A_61 : i32
      %add3A_63 = arith.constant 1360 : i32
      %add3A_64 = arith.addi %add3A_63, %mul3A_62 : i32
      "tpu.region"() ({
        %run_scoped3A_175 = tpu.sem_alloc : memref<!tpu.dma_semaphore, #tpu.memory_space<semaphore_mem>>
        %dma_start3A = arith.constant 0 : i32
        %dma_start3A_176 = tpu.memref_slice %arg24[%add3A_64, %dma_start3A] : memref<2176x128xf32, #tpu.memory_space<vmem_shared>> -> memref<16x128xf32, #tpu.memory_space<vmem_shared>>
        tpu.enqueue_dma source(%arg7 : memref<16x128xf32, #tpu.memory_space<hbm>>) target(%dma_start3A_176 : memref<16x128xf32, #tpu.memory_space<vmem_shared>>) target_semaphore(%run_scoped3A_175 : memref<!tpu.dma_semaphore, #tpu.memory_space<semaphore_mem>>)
        %dma_wait3A = arith.constant 0 : i32
        %dma_wait3A_177 = tpu.memref_slice %arg24[%add3A_64, %dma_wait3A] : memref<2176x128xf32, #tpu.memory_space<vmem_shared>> -> memref<16x128xf32, #tpu.memory_space<vmem_shared>>
        tpu.wait_dma2 semaphore(%run_scoped3A_175 : memref<!tpu.dma_semaphore, #tpu.memory_space<semaphore_mem>>) src(%arg7 : memref<16x128xf32, #tpu.memory_space<hbm>>) dst(%dma_wait3A_177 : memref<16x128xf32, #tpu.memory_space<vmem_shared>>)
        tpu.yield
      }) : () -> ()
      %mul3A_65 = arith.constant 16 : i32
      %mul3A_66 = arith.muli %arg1, %mul3A_65 : i32
      %add3A_67 = arith.constant 1632 : i32
      %add3A_68 = arith.addi %add3A_67, %mul3A_66 : i32
      "tpu.region"() ({
        %run_scoped3A_175 = tpu.sem_alloc : memref<!tpu.dma_semaphore, #tpu.memory_space<semaphore_mem>>
        %dma_start3A = arith.constant 0 : i32
        %dma_start3A_176 = tpu.memref_slice %arg24[%add3A_68, %dma_start3A] : memref<2176x128xf32, #tpu.memory_space<vmem_shared>> -> memref<16x128xf32, #tpu.memory_space<vmem_shared>>
        tpu.enqueue_dma source(%arg7 : memref<16x128xf32, #tpu.memory_space<hbm>>) target(%dma_start3A_176 : memref<16x128xf32, #tpu.memory_space<vmem_shared>>) target_semaphore(%run_scoped3A_175 : memref<!tpu.dma_semaphore, #tpu.memory_space<semaphore_mem>>)
        %dma_wait3A = arith.constant 0 : i32
        %dma_wait3A_177 = tpu.memref_slice %arg24[%add3A_68, %dma_wait3A] : memref<2176x128xf32, #tpu.memory_space<vmem_shared>> -> memref<16x128xf32, #tpu.memory_space<vmem_shared>>
        tpu.wait_dma2 semaphore(%run_scoped3A_175 : memref<!tpu.dma_semaphore, #tpu.memory_space<semaphore_mem>>) src(%arg7 : memref<16x128xf32, #tpu.memory_space<hbm>>) dst(%dma_wait3A_177 : memref<16x128xf32, #tpu.memory_space<vmem_shared>>)
        tpu.yield
      }) : () -> ()
      %mul3A_69 = arith.constant 16 : i32
      %mul3A_70 = arith.muli %arg1, %mul3A_69 : i32
      %add3A_71 = arith.constant 1904 : i32
      %add3A_72 = arith.addi %add3A_71, %mul3A_70 : i32
      "tpu.region"() ({
        %run_scoped3A_175 = tpu.sem_alloc : memref<!tpu.dma_semaphore, #tpu.memory_space<semaphore_mem>>
        %dma_start3A = arith.constant 0 : i32
        %dma_start3A_176 = tpu.memref_slice %arg24[%add3A_72, %dma_start3A] : memref<2176x128xf32, #tpu.memory_space<vmem_shared>> -> memref<16x128xf32, #tpu.memory_space<vmem_shared>>
        tpu.enqueue_dma source(%arg7 : memref<16x128xf32, #tpu.memory_space<hbm>>) target(%dma_start3A_176 : memref<16x128xf32, #tpu.memory_space<vmem_shared>>) target_semaphore(%run_scoped3A_175 : memref<!tpu.dma_semaphore, #tpu.memory_space<semaphore_mem>>)
        %dma_wait3A = arith.constant 0 : i32
        %dma_wait3A_177 = tpu.memref_slice %arg24[%add3A_72, %dma_wait3A] : memref<2176x128xf32, #tpu.memory_space<vmem_shared>> -> memref<16x128xf32, #tpu.memory_space<vmem_shared>>
        tpu.wait_dma2 semaphore(%run_scoped3A_175 : memref<!tpu.dma_semaphore, #tpu.memory_space<semaphore_mem>>) src(%arg7 : memref<16x128xf32, #tpu.memory_space<hbm>>) dst(%dma_wait3A_177 : memref<16x128xf32, #tpu.memory_space<vmem_shared>>)
        tpu.yield
      }) : () -> ()
      %barrier3A_73 = arith.constant 0 : index
      tpu.barrier barrier_id(%barrier3A_73)
      %scan3A_74 = arith.constant 0 : i32
      %scan3A_75 = arith.constant 0 : i32
      %scan3A_76 = arith.constant 313 : i32
      %scan3A_77 = arith.addi %scan3A_75, %scan3A_76 : i32
      %scan3A_78 = arith.constant 1 : i32
      %scan3A_79 = scf.for %scan3A_175 = %scan3A_75 to %scan3A_77 step %scan3A_78 iter_args(%scan3A_176 = %scan3A_74) -> (i32)  : i32 {
        %mul3A_177 = arith.constant 16 : i32
        %mul3A_178 = arith.muli %scan3A_175, %mul3A_177 : i32
        %get3A = arith.index_cast %mul3A_178 : i32 to index
        %get3A_179 = tpu.vector_load %arg12[%get3A] {strides = array<i32>} : memref<5008xi32, #tpu.memory_space<vmem>>, vector<16xi32>,
        %ge3A = vector.broadcast %mul3A_40 : i32 to vector<16xi32>
        %ge3A_180 = arith.cmpi sge, %get3A_179, %ge3A : vector<16xi32>
        %add3A_181 = arith.constant 256 : i32
        %add3A_182 = arith.addi %mul3A_40, %add3A_181 : i32
        %lt3A = vector.broadcast %add3A_182 : i32 to vector<16xi32>
        %lt3A_183 = arith.cmpi slt, %get3A_179, %lt3A : vector<16xi32>
        %and3A_184 = arith.andi %ge3A_180, %lt3A_183 : vector<16xi1>
        %mul3A_185 = arith.constant 16 : i32
        %mul3A_186 = arith.muli %scan3A_175, %mul3A_185 : i32
        %add3A_187 = vector.broadcast %mul3A_186 : i32 to vector<16xi32>
        %add3A_188 = arith.addi %add3A_187, %iota3A : vector<16xi32>
        %convert_element_type3A = arith.extui %and3A_184 : vector<16xi1> to vector<16xi32>
        %broadcast_in_dim3A_189 = arith.constant true
        %broadcast_in_dim3A_190 = vector.broadcast %broadcast_in_dim3A_189 : i1 to vector<16xi1>
        %masked_cumsum3A = tpu.scan <sum>, %convert_element_type3A masked %broadcast_in_dim3A_190 : vector<16xi32>, vector<16xi1> -> vector<16xi32>
        %add3A_191 = vector.broadcast %scan3A_176 : i32 to vector<16xi32>
        %add3A_192 = arith.addi %add3A_191, %masked_cumsum3A : vector<16xi32>
        %sub3A_193 = arith.subi %add3A_192, %convert_element_type3A : vector<16xi32>
        tpu.vector_store_idx %arg14[%sub3A_193], %add3A_188 masked %and3A_184 : memref<5040xi32, #tpu.memory_space<vmem>>[vector<16xi32>], vector<16xi32>, vector<16xi1>
        %all_reduce_population_count3A = tpu.all_reduce %and3A_184 {dim = 0 : i64, kind = #tpu.reduction_kind<sum>} : vector<16xi1> -> vector<16xi32>
        %slice3A = vector.extract_strided_slice %all_reduce_population_count3A {offsets = [0], sizes = [1], strides = [1]} : vector<16xi32> to vector<1xi32>
        %squeeze3A = vector.extract %slice3A[0] : i32 from vector<1xi32>
        %add3A_194 = arith.addi %scan3A_176, %squeeze3A : i32
        scf.yield %add3A_194 : i32
      }
      %scan3A_80 = arith.constant 313 : i32
      %add3A_81 = arith.constant 16 : i32
      %add3A_82 = arith.addi %scan3A_79, %add3A_81 : i32
      %sub3A = arith.constant 1 : i32
      %sub3A_83 = arith.subi %add3A_82, %sub3A : i32
      %jit3A = arith.constant 16 : i32
      %div3A = arith.divsi %sub3A_83, %jit3A : i32
      %sign3A = arith.constant 0 : i32
      %sign3A_84 = arith.cmpi sgt, %sub3A_83, %sign3A : i32
      %sign3A_85 = arith.extui %sign3A_84 : i1 to i32
      %sign3A_86 = arith.constant 0 : i32
      %sign3A_87 = arith.cmpi slt, %sub3A_83, %sign3A_86 : i32
      %sign3A_88 = arith.extui %sign3A_87 : i1 to i32
      %sign3A_89 = arith.subi %sign3A_85, %sign3A_88 : i32
      %sign3A_90 = arith.constant 0 : i32
      %sign3A_91 = arith.cmpi sgt, %jit3A, %sign3A_90 : i32
      %sign3A_92 = arith.extui %sign3A_91 : i1 to i32
      %sign3A_93 = arith.constant 0 : i32
      %sign3A_94 = arith.cmpi slt, %jit3A, %sign3A_93 : i32
      %sign3A_95 = arith.extui %sign3A_94 : i1 to i32
      %sign3A_96 = arith.subi %sign3A_92, %sign3A_95 : i32
      %ne3A = arith.cmpi ne, %sign3A_89, %sign3A_96 : i32
      %rem3A = arith.remsi %sub3A_83, %jit3A : i32
      %ne3A_97 = arith.constant 0 : i32
      %ne3A_98 = arith.cmpi ne, %rem3A, %ne3A_97 : i32
      %and3A = arith.andi %ne3A, %ne3A_98 : i1
      %sub3A_99 = arith.constant 1 : i32
      %sub3A_100 = arith.subi %div3A, %sub3A_99 : i32
      %select_n3A = arith.select %and3A, %sub3A_100, %div3A : i32
      %while3A = arith.constant 0 : i32
      %while3A_101 = arith.constant 0 : i32
      %while3A_102 = arith.subi %select_n3A, %while3A_101 : i32
      %while3A_103 = arith.addi %while3A_101, %while3A_102 : i32
      %while3A_104 = arith.constant 1 : i32
      %while3A_105 = arith.divsi %while3A_102, %while3A_104 : i32
      %while3A_106 = arith.muli %while3A_105, %while3A_104 : i32
      %while3A_107 = arith.addi %while3A_101, %while3A_106 : i32
      %while3A_108 = arith.constant 1 : i32
      scf.for %while3A_175 = %while3A_101 to %while3A_107 step %while3A_108  : i32 {
        %mul3A_176 = arith.constant 16 : i32
        %mul3A_177 = arith.muli %while3A_175, %mul3A_176 : i32
        %add3A_178 = vector.broadcast %mul3A_177 : i32 to vector<16xi32>
        %add3A_179 = arith.addi %add3A_178, %iota3A : vector<16xi32>
        %lt3A = vector.broadcast %scan3A_79 : i32 to vector<16xi32>
        %lt3A_180 = arith.cmpi slt, %add3A_179, %lt3A : vector<16xi32>
        %get3A = arith.index_cast %mul3A_177 : i32 to index
        %get3A_181 = tpu.vector_load %arg14[%get3A] {strides = array<i32>} : memref<5040xi32, #tpu.memory_space<vmem>>, vector<16xi32>,
        %gather3A = tpu.vector_load_idx %arg11[%get3A_181] : memref<5008xi32, #tpu.memory_space<vmem>>[vector<16xi32>], vector<16xi32>,
        %gather3A_182 = tpu.vector_load_idx %arg12[%get3A_181] : memref<5008xi32, #tpu.memory_space<vmem>>[vector<16xi32>], vector<16xi32>,
        %sub3A_183 = vector.broadcast %mul3A_40 : i32 to vector<16xi32>
        %sub3A_184 = arith.subi %gather3A_182, %sub3A_183 : vector<16xi32>
        %max3A = arith.constant 0 : i32
        %max3A_185 = vector.broadcast %max3A : i32 to vector<16xi32>
        %max3A_186 = arith.maxsi %sub3A_184, %max3A_185 : vector<16xi32>
        %min3A = arith.constant 256 : i32
        %min3A_187 = vector.broadcast %min3A : i32 to vector<16xi32>
        %min3A_188 = arith.minsi %max3A_186, %min3A_187 : vector<16xi32>
        %jit3A_189 = arith.constant 256 : i32
        %broadcast_in_dim3A_190 = vector.broadcast %jit3A_189 : i32 to vector<16xi32>
        %select_n3A_191 = arith.select %lt3A_180, %min3A_188, %broadcast_in_dim3A_190 : vector<16xi1>, vector<16xi32>
        %swap3A = arith.constant 0 : index
        %swap3A_192 = tpu.vector_load %arg19[%swap3A] {strides = array<i32>} : memref<16xi32, #tpu.memory_space<vmem>>, vector<16xi32>,
        tpu.vector_store %arg19[%swap3A], %gather3A {strides = array<i32>} : memref<16xi32, #tpu.memory_space<vmem>>, vector<16xi32>,
        %add3A_193 = arith.constant 0 : i32
        %add3A_194 = vector.broadcast %add3A_193 : i32 to vector<16xi32>
        %add3A_195 = arith.addi %add3A_194, %get3A_181 : vector<16xi32>
        %gather3A_196 = tpu.vector_load_idx %arg13[%add3A_195] : memref<20032xf32, #tpu.memory_space<vmem>>[vector<16xi32>], vector<16xf32>,
        %add3A_197 = arith.constant 5008 : i32
        %add3A_198 = vector.broadcast %add3A_197 : i32 to vector<16xi32>
        %add3A_199 = arith.addi %add3A_198, %get3A_181 : vector<16xi32>
        %gather3A_200 = tpu.vector_load_idx %arg13[%add3A_199] : memref<20032xf32, #tpu.memory_space<vmem>>[vector<16xi32>], vector<16xf32>,
        %add3A_201 = arith.constant 10016 : i32
        %add3A_202 = vector.broadcast %add3A_201 : i32 to vector<16xi32>
        %add3A_203 = arith.addi %add3A_202, %get3A_181 : vector<16xi32>
        %gather3A_204 = tpu.vector_load_idx %arg13[%add3A_203] : memref<20032xf32, #tpu.memory_space<vmem>>[vector<16xi32>], vector<16xf32>,
        %add3A_205 = arith.constant 15024 : i32
        %add3A_206 = vector.broadcast %add3A_205 : i32 to vector<16xi32>
        %add3A_207 = arith.addi %add3A_206, %get3A_181 : vector<16xi32>
        %gather3A_208 = tpu.vector_load_idx %arg13[%add3A_207] : memref<20032xf32, #tpu.memory_space<vmem>>[vector<16xi32>], vector<16xf32>,
        %dma_start3A = arith.constant 0 : i32
        %dma_start3A_209 = arith.constant 0 : i32
        %dma_start3A_210 = tpu.memref_slice %arg2[%dma_start3A, %dma_start3A_209] : memref<10000x1024xf32, #tpu.memory_space<hbm>> -> memref<10000x1024xf32, #tpu.memory_space<hbm>>
        tpu.enqueue_indirect_dma source(%dma_start3A_210 : memref<10000x1024xf32, #tpu.memory_space<hbm>>) target(%arg15 : memref<16x1024xf32, #tpu.memory_space<vmem>>) offsets(%arg19 : memref<16xi32, #tpu.memory_space<vmem>>) semaphore(%arg22 : memref<!tpu.dma_semaphore, #tpu.memory_space<semaphore_mem>>)
        %dma_wait3A = arith.constant 0 : i32
        %dma_wait3A_211 = arith.constant 0 : i32
        %dma_wait3A_212 = tpu.memref_slice %arg2[%dma_wait3A, %dma_wait3A_211] : memref<10000x1024xf32, #tpu.memory_space<hbm>> -> memref<10000x1024xf32, #tpu.memory_space<hbm>>
        tpu.wait_indirect_dma semaphore(%arg22 : memref<!tpu.dma_semaphore, #tpu.memory_space<semaphore_mem>>) src(%dma_wait3A_212 : memref<10000x1024xf32, #tpu.memory_space<hbm>>) dst(%arg15 : memref<16x1024xf32, #tpu.memory_space<vmem>>)
        %scan3A_213 = arith.constant 0 : i32
        %scan3A_214 = arith.constant 0 : i32
        %scan3A_215 = arith.constant 16 : i32
        %scan3A_216 = arith.addi %scan3A_214, %scan3A_215 : i32
        %scan3A_217 = arith.constant 1 : i32
        scf.for %scan3A_267 = %scan3A_214 to %scan3A_216 step %scan3A_217  : i32 {
          %broadcast_in_dim3A_268 = vector.broadcast %scan3A_267 : i32 to vector<16xi32>
          %broadcast_in_dim3A_269 = vector.shape_cast %broadcast_in_dim3A_268 : vector<16xi32> to vector<16x1xi32>
          %gather3A_270 = vector.shape_cast %broadcast_in_dim3A_269 : vector<16x1xi32> to vector<16xi32>
          %gather3A_271 = tpu.dynamic_gather %gather3A_196[%gather3A_270] in [0] : vector<16xf32>, vector<16xi32> -> vector<16xf32>
          %broadcast_in_dim3A_272 = vector.shape_cast %broadcast_in_dim3A_268 : vector<16xi32> to vector<16x1xi32>
          %gather3A_273 = vector.shape_cast %broadcast_in_dim3A_272 : vector<16x1xi32> to vector<16xi32>
          %gather3A_274 = tpu.dynamic_gather %gather3A_200[%gather3A_273] in [0] : vector<16xf32>, vector<16xi32> -> vector<16xf32>
          %broadcast_in_dim3A_275 = vector.shape_cast %broadcast_in_dim3A_268 : vector<16xi32> to vector<16x1xi32>
          %gather3A_276 = vector.shape_cast %broadcast_in_dim3A_275 : vector<16x1xi32> to vector<16xi32>
          %gather3A_277 = tpu.dynamic_gather %gather3A_204[%gather3A_276] in [0] : vector<16xf32>, vector<16xi32> -> vector<16xf32>
          %broadcast_in_dim3A_278 = vector.shape_cast %broadcast_in_dim3A_268 : vector<16xi32> to vector<16x1xi32>
          %gather3A_279 = vector.shape_cast %broadcast_in_dim3A_278 : vector<16x1xi32> to vector<16xi32>
          %gather3A_280 = tpu.dynamic_gather %gather3A_208[%gather3A_279] in [0] : vector<16xf32>, vector<16xi32> -> vector<16xf32>
          %scan3A_281 = arith.constant 0 : i32
          %scan3A_282 = arith.constant 0 : i32
          %scan3A_283 = arith.constant 8 : i32
          %scan3A_284 = arith.addi %scan3A_282, %scan3A_283 : i32
          %scan3A_285 = arith.constant 1 : i32
          scf.for %scan3A_329 = %scan3A_282 to %scan3A_284 step %scan3A_285  : i32 {
            %mul3A_330 = arith.constant 16 : i32
            %mul3A_331 = arith.muli %scan3A_329, %mul3A_330 : i32
            %add3A_332 = arith.constant 0 : i32
            %add3A_333 = arith.addi %add3A_332, %mul3A_331 : i32
            %get3A_334 = arith.index_cast %scan3A_267 : i32 to index
            %get3A_335 = arith.index_cast %add3A_333 : i32 to index
            %get3A_336 = tpu.vector_load %arg15[%get3A_334, %get3A_335] {strides = array<i32>} : memref<16x1024xf32, #tpu.memory_space<vmem>>, vector<16xf32>,
            %mul3A_337 = arith.mulf %get3A_336, %gather3A_271 : vector<16xf32>
            %mul3A_338 = arith.constant 16 : i32
            %mul3A_339 = arith.muli %scan3A_329, %mul3A_338 : i32
            %swap3A_340 = arith.constant 0 : i32
            %swap3A_341 = arith.index_cast %swap3A_340 : i32 to index
            %swap3A_342 = arith.index_cast %scan3A_267 : i32 to index
            %swap3A_343 = arith.index_cast %mul3A_339 : i32 to index
            %swap3A_344 = tpu.vector_load %arg17[%swap3A_341, %swap3A_342, %swap3A_343] {strides = array<i32>} : memref<8x16x128xf32, #tpu.memory_space<vmem>>, vector<16xf32>,
            tpu.vector_store %arg17[%swap3A_341, %swap3A_342, %swap3A_343], %mul3A_337 {strides = array<i32>} : memref<8x16x128xf32, #tpu.memory_space<vmem>>, vector<16xf32>,
          }
          %scan3A_286 = arith.constant 8 : i32
          %scan3A_287 = arith.constant 0 : i32
          %scan3A_288 = arith.constant 0 : i32
          %scan3A_289 = arith.constant 8 : i32
          %scan3A_290 = arith.addi %scan3A_288, %scan3A_289 : i32
          %scan3A_291 = arith.constant 1 : i32
          scf.for %scan3A_329 = %scan3A_288 to %scan3A_290 step %scan3A_291  : i32 {
            %mul3A_330 = arith.constant 16 : i32
            %mul3A_331 = arith.muli %scan3A_329, %mul3A_330 : i32
            %add3A_332 = arith.constant 128 : i32
            %add3A_333 = arith.addi %add3A_332, %mul3A_331 : i32
            %get3A_334 = arith.index_cast %scan3A_267 : i32 to index
            %get3A_335 = arith.index_cast %add3A_333 : i32 to index
            %get3A_336 = tpu.vector_load %arg15[%get3A_334, %get3A_335] {strides = array<i32>} : memref<16x1024xf32, #tpu.memory_space<vmem>>, vector<16xf32>,
            %mul3A_337 = arith.mulf %get3A_336, %gather3A_271 : vector<16xf32>
            %mul3A_338 = arith.constant 16 : i32
            %mul3A_339 = arith.muli %scan3A_329, %mul3A_338 : i32
            %swap3A_340 = arith.constant 1 : i32
            %swap3A_341 = arith.index_cast %swap3A_340 : i32 to index
            %swap3A_342 = arith.index_cast %scan3A_267 : i32 to index
            %swap3A_343 = arith.index_cast %mul3A_339 : i32 to index
            %swap3A_344 = tpu.vector_load %arg17[%swap3A_341, %swap3A_342, %swap3A_343] {strides = array<i32>} : memref<8x16x128xf32, #tpu.memory_space<vmem>>, vector<16xf32>,
            tpu.vector_store %arg17[%swap3A_341, %swap3A_342, %swap3A_343], %mul3A_337 {strides = array<i32>} : memref<8x16x128xf32, #tpu.memory_space<vmem>>, vector<16xf32>,
          }
          %scan3A_292 = arith.constant 8 : i32
          %scan3A_293 = arith.constant 0 : i32
          %scan3A_294 = arith.constant 0 : i32
          %scan3A_295 = arith.constant 8 : i32
          %scan3A_296 = arith.addi %scan3A_294, %scan3A_295 : i32
          %scan3A_297 = arith.constant 1 : i32
          scf.for %scan3A_329 = %scan3A_294 to %scan3A_296 step %scan3A_297  : i32 {
            %mul3A_330 = arith.constant 16 : i32
            %mul3A_331 = arith.muli %scan3A_329, %mul3A_330 : i32
            %add3A_332 = arith.constant 256 : i32
            %add3A_333 = arith.addi %add3A_332, %mul3A_331 : i32
            %get3A_334 = arith.index_cast %scan3A_267 : i32 to index
            %get3A_335 = arith.index_cast %add3A_333 : i32 to index
            %get3A_336 = tpu.vector_load %arg15[%get3A_334, %get3A_335] {strides = array<i32>} : memref<16x1024xf32, #tpu.memory_space<vmem>>, vector<16xf32>,
            %mul3A_337 = arith.mulf %get3A_336, %gather3A_274 : vector<16xf32>
            %mul3A_338 = arith.constant 16 : i32
            %mul3A_339 = arith.muli %scan3A_329, %mul3A_338 : i32
            %swap3A_340 = arith.constant 2 : i32
            %swap3A_341 = arith.index_cast %swap3A_340 : i32 to index
            %swap3A_342 = arith.index_cast %scan3A_267 : i32 to index
            %swap3A_343 = arith.index_cast %mul3A_339 : i32 to index
            %swap3A_344 = tpu.vector_load %arg17[%swap3A_341, %swap3A_342, %swap3A_343] {strides = array<i32>} : memref<8x16x128xf32, #tpu.memory_space<vmem>>, vector<16xf32>,
            tpu.vector_store %arg17[%swap3A_341, %swap3A_342, %swap3A_343], %mul3A_337 {strides = array<i32>} : memref<8x16x128xf32, #tpu.memory_space<vmem>>, vector<16xf32>,
          }
          %scan3A_298 = arith.constant 8 : i32
          %scan3A_299 = arith.constant 0 : i32
          %scan3A_300 = arith.constant 0 : i32
          %scan3A_301 = arith.constant 8 : i32
          %scan3A_302 = arith.addi %scan3A_300, %scan3A_301 : i32
          %scan3A_303 = arith.constant 1 : i32
          scf.for %scan3A_329 = %scan3A_300 to %scan3A_302 step %scan3A_303  : i32 {
            %mul3A_330 = arith.constant 16 : i32
            %mul3A_331 = arith.muli %scan3A_329, %mul3A_330 : i32
            %add3A_332 = arith.constant 384 : i32
            %add3A_333 = arith.addi %add3A_332, %mul3A_331 : i32
            %get3A_334 = arith.index_cast %scan3A_267 : i32 to index
            %get3A_335 = arith.index_cast %add3A_333 : i32 to index
            %get3A_336 = tpu.vector_load %arg15[%get3A_334, %get3A_335] {strides = array<i32>} : memref<16x1024xf32, #tpu.memory_space<vmem>>, vector<16xf32>,
            %mul3A_337 = arith.mulf %get3A_336, %gather3A_274 : vector<16xf32>
            %mul3A_338 = arith.constant 16 : i32
            %mul3A_339 = arith.muli %scan3A_329, %mul3A_338 : i32
            %swap3A_340 = arith.constant 3 : i32
            %swap3A_341 = arith.index_cast %swap3A_340 : i32 to index
            %swap3A_342 = arith.index_cast %scan3A_267 : i32 to index
            %swap3A_343 = arith.index_cast %mul3A_339 : i32 to index
            %swap3A_344 = tpu.vector_load %arg17[%swap3A_341, %swap3A_342, %swap3A_343] {strides = array<i32>} : memref<8x16x128xf32, #tpu.memory_space<vmem>>, vector<16xf32>,
            tpu.vector_store %arg17[%swap3A_341, %swap3A_342, %swap3A_343], %mul3A_337 {strides = array<i32>} : memref<8x16x128xf32, #tpu.memory_space<vmem>>, vector<16xf32>,
          }
          %scan3A_304 = arith.constant 8 : i32
          %scan3A_305 = arith.constant 0 : i32
          %scan3A_306 = arith.constant 0 : i32
          %scan3A_307 = arith.constant 8 : i32
          %scan3A_308 = arith.addi %scan3A_306, %scan3A_307 : i32
          %scan3A_309 = arith.constant 1 : i32
          scf.for %scan3A_329 = %scan3A_306 to %scan3A_308 step %scan3A_309  : i32 {
            %mul3A_330 = arith.constant 16 : i32
            %mul3A_331 = arith.muli %scan3A_329, %mul3A_330 : i32
            %add3A_332 = arith.constant 512 : i32
            %add3A_333 = arith.addi %add3A_332, %mul3A_331 : i32
            %get3A_334 = arith.index_cast %scan3A_267 : i32 to index
            %get3A_335 = arith.index_cast %add3A_333 : i32 to index
            %get3A_336 = tpu.vector_load %arg15[%get3A_334, %get3A_335] {strides = array<i32>} : memref<16x1024xf32, #tpu.memory_space<vmem>>, vector<16xf32>,
            %mul3A_337 = arith.mulf %get3A_336, %gather3A_277 : vector<16xf32>
            %mul3A_338 = arith.constant 16 : i32
            %mul3A_339 = arith.muli %scan3A_329, %mul3A_338 : i32
            %swap3A_340 = arith.constant 4 : i32
            %swap3A_341 = arith.index_cast %swap3A_340 : i32 to index
            %swap3A_342 = arith.index_cast %scan3A_267 : i32 to index
            %swap3A_343 = arith.index_cast %mul3A_339 : i32 to index
            %swap3A_344 = tpu.vector_load %arg17[%swap3A_341, %swap3A_342, %swap3A_343] {strides = array<i32>} : memref<8x16x128xf32, #tpu.memory_space<vmem>>, vector<16xf32>,
            tpu.vector_store %arg17[%swap3A_341, %swap3A_342, %swap3A_343], %mul3A_337 {strides = array<i32>} : memref<8x16x128xf32, #tpu.memory_space<vmem>>, vector<16xf32>,
          }
          %scan3A_310 = arith.constant 8 : i32
          %scan3A_311 = arith.constant 0 : i32
          %scan3A_312 = arith.constant 0 : i32
          %scan3A_313 = arith.constant 8 : i32
          %scan3A_314 = arith.addi %scan3A_312, %scan3A_313 : i32
          %scan3A_315 = arith.constant 1 : i32
          scf.for %scan3A_329 = %scan3A_312 to %scan3A_314 step %scan3A_315  : i32 {
            %mul3A_330 = arith.constant 16 : i32
            %mul3A_331 = arith.muli %scan3A_329, %mul3A_330 : i32
            %add3A_332 = arith.constant 640 : i32
            %add3A_333 = arith.addi %add3A_332, %mul3A_331 : i32
            %get3A_334 = arith.index_cast %scan3A_267 : i32 to index
            %get3A_335 = arith.index_cast %add3A_333 : i32 to index
            %get3A_336 = tpu.vector_load %arg15[%get3A_334, %get3A_335] {strides = array<i32>} : memref<16x1024xf32, #tpu.memory_space<vmem>>, vector<16xf32>,
            %mul3A_337 = arith.mulf %get3A_336, %gather3A_277 : vector<16xf32>
            %mul3A_338 = arith.constant 16 : i32
            %mul3A_339 = arith.muli %scan3A_329, %mul3A_338 : i32
            %swap3A_340 = arith.constant 5 : i32
            %swap3A_341 = arith.index_cast %swap3A_340 : i32 to index
            %swap3A_342 = arith.index_cast %scan3A_267 : i32 to index
            %swap3A_343 = arith.index_cast %mul3A_339 : i32 to index
            %swap3A_344 = tpu.vector_load %arg17[%swap3A_341, %swap3A_342, %swap3A_343] {strides = array<i32>} : memref<8x16x128xf32, #tpu.memory_space<vmem>>, vector<16xf32>,
            tpu.vector_store %arg17[%swap3A_341, %swap3A_342, %swap3A_343], %mul3A_337 {strides = array<i32>} : memref<8x16x128xf32, #tpu.memory_space<vmem>>, vector<16xf32>,
          }
          %scan3A_316 = arith.constant 8 : i32
          %scan3A_317 = arith.constant 0 : i32
          %scan3A_318 = arith.constant 0 : i32
          %scan3A_319 = arith.constant 8 : i32
          %scan3A_320 = arith.addi %scan3A_318, %scan3A_319 : i32
          %scan3A_321 = arith.constant 1 : i32
          scf.for %scan3A_329 = %scan3A_318 to %scan3A_320 step %scan3A_321  : i32 {
            %mul3A_330 = arith.constant 16 : i32
            %mul3A_331 = arith.muli %scan3A_329, %mul3A_330 : i32
            %add3A_332 = arith.constant 768 : i32
            %add3A_333 = arith.addi %add3A_332, %mul3A_331 : i32
            %get3A_334 = arith.index_cast %scan3A_267 : i32 to index
            %get3A_335 = arith.index_cast %add3A_333 : i32 to index
            %get3A_336 = tpu.vector_load %arg15[%get3A_334, %get3A_335] {strides = array<i32>} : memref<16x1024xf32, #tpu.memory_space<vmem>>, vector<16xf32>,
            %mul3A_337 = arith.mulf %get3A_336, %gather3A_280 : vector<16xf32>
            %mul3A_338 = arith.constant 16 : i32
            %mul3A_339 = arith.muli %scan3A_329, %mul3A_338 : i32
            %swap3A_340 = arith.constant 6 : i32
            %swap3A_341 = arith.index_cast %swap3A_340 : i32 to index
            %swap3A_342 = arith.index_cast %scan3A_267 : i32 to index
            %swap3A_343 = arith.index_cast %mul3A_339 : i32 to index
            %swap3A_344 = tpu.vector_load %arg17[%swap3A_341, %swap3A_342, %swap3A_343] {strides = array<i32>} : memref<8x16x128xf32, #tpu.memory_space<vmem>>, vector<16xf32>,
            tpu.vector_store %arg17[%swap3A_341, %swap3A_342, %swap3A_343], %mul3A_337 {strides = array<i32>} : memref<8x16x128xf32, #tpu.memory_space<vmem>>, vector<16xf32>,
          }
          %scan3A_322 = arith.constant 8 : i32
          %scan3A_323 = arith.constant 0 : i32
          %scan3A_324 = arith.constant 0 : i32
          %scan3A_325 = arith.constant 8 : i32
          %scan3A_326 = arith.addi %scan3A_324, %scan3A_325 : i32
          %scan3A_327 = arith.constant 1 : i32
          scf.for %scan3A_329 = %scan3A_324 to %scan3A_326 step %scan3A_327  : i32 {
            %mul3A_330 = arith.constant 16 : i32
            %mul3A_331 = arith.muli %scan3A_329, %mul3A_330 : i32
            %add3A_332 = arith.constant 896 : i32
            %add3A_333 = arith.addi %add3A_332, %mul3A_331 : i32
            %get3A_334 = arith.index_cast %scan3A_267 : i32 to index
            %get3A_335 = arith.index_cast %add3A_333 : i32 to index
            %get3A_336 = tpu.vector_load %arg15[%get3A_334, %get3A_335] {strides = array<i32>} : memref<16x1024xf32, #tpu.memory_space<vmem>>, vector<16xf32>,
            %mul3A_337 = arith.mulf %get3A_336, %gather3A_280 : vector<16xf32>
            %mul3A_338 = arith.constant 16 : i32
            %mul3A_339 = arith.muli %scan3A_329, %mul3A_338 : i32
            %swap3A_340 = arith.constant 7 : i32
            %swap3A_341 = arith.index_cast %swap3A_340 : i32 to index
            %swap3A_342 = arith.index_cast %scan3A_267 : i32 to index
            %swap3A_343 = arith.index_cast %mul3A_339 : i32 to index
            %swap3A_344 = tpu.vector_load %arg17[%swap3A_341, %swap3A_342, %swap3A_343] {strides = array<i32>} : memref<8x16x128xf32, #tpu.memory_space<vmem>>, vector<16xf32>,
            tpu.vector_store %arg17[%swap3A_341, %swap3A_342, %swap3A_343], %mul3A_337 {strides = array<i32>} : memref<8x16x128xf32, #tpu.memory_space<vmem>>, vector<16xf32>,
          }
          %scan3A_328 = arith.constant 8 : i32
        }
        %scan3A_218 = arith.constant 16 : i32
        %add3A_219 = arith.constant 0 : i32
        %add3A_220 = vector.broadcast %add3A_219 : i32 to vector<16xi32>
        %add3A_221 = arith.addi %select_n3A_191, %add3A_220 : vector<16xi32>
        %swap3A_222 = arith.constant 0 : index
        %swap3A_223 = tpu.vector_load %arg20[%swap3A_222] {strides = array<i32>} : memref<16xi32, #tpu.memory_space<vmem>>, vector<16xi32>,
        tpu.vector_store %arg20[%swap3A_222], %add3A_221 {strides = array<i32>} : memref<16xi32, #tpu.memory_space<vmem>>, vector<16xi32>,
        %run_scoped3A_224 = arith.constant 0 : i32
        "tpu.region"() ({
          %run_scoped3A_267 = tpu.sem_alloc : memref<!tpu.dma_semaphore, #tpu.memory_space<semaphore_mem>>
          %dma_start3A_268 = arith.constant 0 : i32
          %dma_start3A_269 = arith.constant 0 : i32
          %dma_start3A_270 = tpu.memref_slice %arg17[%run_scoped3A_224, %dma_start3A_268, %dma_start3A_269] : memref<8x16x128xf32, #tpu.memory_space<vmem>> -> memref<1x16x128xf32, #tpu.memory_space<vmem>>
          %dma_start3A_271 = tpu.memref_squeeze %dma_start3A_270 : memref<1x16x128xf32, #tpu.memory_space<vmem>> -> memref<16x128xf32, #tpu.memory_space<vmem>>
          %dma_start3A_272 = arith.constant 0 : i32
          %dma_start3A_273 = arith.constant 0 : i32
          %dma_start3A_274 = tpu.memref_slice %arg24[%dma_start3A_272, %dma_start3A_273] : memref<2176x128xf32, #tpu.memory_space<vmem_shared>> -> memref<2176x128xf32, #tpu.memory_space<vmem_shared>>
          tpu.enqueue_indirect_dma source(%dma_start3A_271 : memref<16x128xf32, #tpu.memory_space<vmem>>) target(%dma_start3A_274 : memref<2176x128xf32, #tpu.memory_space<vmem_shared>>) offsets(%arg20 : memref<16xi32, #tpu.memory_space<vmem>>) semaphore(%run_scoped3A_267 : memref<!tpu.dma_semaphore, #tpu.memory_space<semaphore_mem>>) {add = true}
          %dma_wait3A_275 = arith.constant 0 : i32
          %dma_wait3A_276 = arith.constant 0 : i32
          %dma_wait3A_277 = tpu.memref_slice %arg17[%run_scoped3A_224, %dma_wait3A_275, %dma_wait3A_276] : memref<8x16x128xf32, #tpu.memory_space<vmem>> -> memref<1x16x128xf32, #tpu.memory_space<vmem>>
          %dma_wait3A_278 = tpu.memref_squeeze %dma_wait3A_277 : memref<1x16x128xf32, #tpu.memory_space<vmem>> -> memref<16x128xf32, #tpu.memory_space<vmem>>
          %dma_wait3A_279 = arith.constant 0 : i32
          %dma_wait3A_280 = arith.constant 0 : i32
          %dma_wait3A_281 = tpu.memref_slice %arg24[%dma_wait3A_279, %dma_wait3A_280] : memref<2176x128xf32, #tpu.memory_space<vmem_shared>> -> memref<2176x128xf32, #tpu.memory_space<vmem_shared>>
          tpu.wait_indirect_dma semaphore(%run_scoped3A_267 : memref<!tpu.dma_semaphore, #tpu.memory_space<semaphore_mem>>) src(%dma_wait3A_278 : memref<16x128xf32, #tpu.memory_space<vmem>>) dst(%dma_wait3A_281 : memref<2176x128xf32, #tpu.memory_space<vmem_shared>>)
          tpu.yield
        }) : () -> ()
        %add3A_225 = arith.constant 272 : i32
        %add3A_226 = vector.broadcast %add3A_225 : i32 to vector<16xi32>
        %add3A_227 = arith.addi %select_n3A_191, %add3A_226 : vector<16xi32>
        %swap3A_228 = arith.constant 0 : index
        %swap3A_229 = tpu.vector_load %arg20[%swap3A_228] {strides = array<i32>} : memref<16xi32, #tpu.memory_space<vmem>>, vector<16xi32>,
        tpu.vector_store %arg20[%swap3A_228], %add3A_227 {strides = array<i32>} : memref<16xi32, #tpu.memory_space<vmem>>, vector<16xi32>,
        %run_scoped3A_230 = arith.constant 1 : i32
        "tpu.region"() ({
          %run_scoped3A_267 = tpu.sem_alloc : memref<!tpu.dma_semaphore, #tpu.memory_space<semaphore_mem>>
          %dma_start3A_268 = arith.constant 0 : i32
          %dma_start3A_269 = arith.constant 0 : i32
          %dma_start3A_270 = tpu.memref_slice %arg17[%run_scoped3A_230, %dma_start3A_268, %dma_start3A_269] : memref<8x16x128xf32, #tpu.memory_space<vmem>> -> memref<1x16x128xf32, #tpu.memory_space<vmem>>
          %dma_start3A_271 = tpu.memref_squeeze %dma_start3A_270 : memref<1x16x128xf32, #tpu.memory_space<vmem>> -> memref<16x128xf32, #tpu.memory_space<vmem>>
          %dma_start3A_272 = arith.constant 0 : i32
          %dma_start3A_273 = arith.constant 0 : i32
          %dma_start3A_274 = tpu.memref_slice %arg24[%dma_start3A_272, %dma_start3A_273] : memref<2176x128xf32, #tpu.memory_space<vmem_shared>> -> memref<2176x128xf32, #tpu.memory_space<vmem_shared>>
          tpu.enqueue_indirect_dma source(%dma_start3A_271 : memref<16x128xf32, #tpu.memory_space<vmem>>) target(%dma_start3A_274 : memref<2176x128xf32, #tpu.memory_space<vmem_shared>>) offsets(%arg20 : memref<16xi32, #tpu.memory_space<vmem>>) semaphore(%run_scoped3A_267 : memref<!tpu.dma_semaphore, #tpu.memory_space<semaphore_mem>>) {add = true}
          %dma_wait3A_275 = arith.constant 0 : i32
          %dma_wait3A_276 = arith.constant 0 : i32
          %dma_wait3A_277 = tpu.memref_slice %arg17[%run_scoped3A_230, %dma_wait3A_275, %dma_wait3A_276] : memref<8x16x128xf32, #tpu.memory_space<vmem>> -> memref<1x16x128xf32, #tpu.memory_space<vmem>>
          %dma_wait3A_278 = tpu.memref_squeeze %dma_wait3A_277 : memref<1x16x128xf32, #tpu.memory_space<vmem>> -> memref<16x128xf32, #tpu.memory_space<vmem>>
          %dma_wait3A_279 = arith.constant 0 : i32
          %dma_wait3A_280 = arith.constant 0 : i32
          %dma_wait3A_281 = tpu.memref_slice %arg24[%dma_wait3A_279, %dma_wait3A_280] : memref<2176x128xf32, #tpu.memory_space<vmem_shared>> -> memref<2176x128xf32, #tpu.memory_space<vmem_shared>>
          tpu.wait_indirect_dma semaphore(%run_scoped3A_267 : memref<!tpu.dma_semaphore, #tpu.memory_space<semaphore_mem>>) src(%dma_wait3A_278 : memref<16x128xf32, #tpu.memory_space<vmem>>) dst(%dma_wait3A_281 : memref<2176x128xf32, #tpu.memory_space<vmem_shared>>)
          tpu.yield
        }) : () -> ()
        %add3A_231 = arith.constant 544 : i32
        %add3A_232 = vector.broadcast %add3A_231 : i32 to vector<16xi32>
        %add3A_233 = arith.addi %select_n3A_191, %add3A_232 : vector<16xi32>
        %swap3A_234 = arith.constant 0 : index
        %swap3A_235 = tpu.vector_load %arg20[%swap3A_234] {strides = array<i32>} : memref<16xi32, #tpu.memory_space<vmem>>, vector<16xi32>,
        tpu.vector_store %arg20[%swap3A_234], %add3A_233 {strides = array<i32>} : memref<16xi32, #tpu.memory_space<vmem>>, vector<16xi32>,
        %run_scoped3A_236 = arith.constant 2 : i32
        "tpu.region"() ({
          %run_scoped3A_267 = tpu.sem_alloc : memref<!tpu.dma_semaphore, #tpu.memory_space<semaphore_mem>>
          %dma_start3A_268 = arith.constant 0 : i32
          %dma_start3A_269 = arith.constant 0 : i32
          %dma_start3A_270 = tpu.memref_slice %arg17[%run_scoped3A_236, %dma_start3A_268, %dma_start3A_269] : memref<8x16x128xf32, #tpu.memory_space<vmem>> -> memref<1x16x128xf32, #tpu.memory_space<vmem>>
          %dma_start3A_271 = tpu.memref_squeeze %dma_start3A_270 : memref<1x16x128xf32, #tpu.memory_space<vmem>> -> memref<16x128xf32, #tpu.memory_space<vmem>>
          %dma_start3A_272 = arith.constant 0 : i32
          %dma_start3A_273 = arith.constant 0 : i32
          %dma_start3A_274 = tpu.memref_slice %arg24[%dma_start3A_272, %dma_start3A_273] : memref<2176x128xf32, #tpu.memory_space<vmem_shared>> -> memref<2176x128xf32, #tpu.memory_space<vmem_shared>>
          tpu.enqueue_indirect_dma source(%dma_start3A_271 : memref<16x128xf32, #tpu.memory_space<vmem>>) target(%dma_start3A_274 : memref<2176x128xf32, #tpu.memory_space<vmem_shared>>) offsets(%arg20 : memref<16xi32, #tpu.memory_space<vmem>>) semaphore(%run_scoped3A_267 : memref<!tpu.dma_semaphore, #tpu.memory_space<semaphore_mem>>) {add = true}
          %dma_wait3A_275 = arith.constant 0 : i32
          %dma_wait3A_276 = arith.constant 0 : i32
          %dma_wait3A_277 = tpu.memref_slice %arg17[%run_scoped3A_236, %dma_wait3A_275, %dma_wait3A_276] : memref<8x16x128xf32, #tpu.memory_space<vmem>> -> memref<1x16x128xf32, #tpu.memory_space<vmem>>
          %dma_wait3A_278 = tpu.memref_squeeze %dma_wait3A_277 : memref<1x16x128xf32, #tpu.memory_space<vmem>> -> memref<16x128xf32, #tpu.memory_space<vmem>>
          %dma_wait3A_279 = arith.constant 0 : i32
          %dma_wait3A_280 = arith.constant 0 : i32
          %dma_wait3A_281 = tpu.memref_slice %arg24[%dma_wait3A_279, %dma_wait3A_280] : memref<2176x128xf32, #tpu.memory_space<vmem_shared>> -> memref<2176x128xf32, #tpu.memory_space<vmem_shared>>
          tpu.wait_indirect_dma semaphore(%run_scoped3A_267 : memref<!tpu.dma_semaphore, #tpu.memory_space<semaphore_mem>>) src(%dma_wait3A_278 : memref<16x128xf32, #tpu.memory_space<vmem>>) dst(%dma_wait3A_281 : memref<2176x128xf32, #tpu.memory_space<vmem_shared>>)
          tpu.yield
        }) : () -> ()
        %add3A_237 = arith.constant 816 : i32
        %add3A_238 = vector.broadcast %add3A_237 : i32 to vector<16xi32>
        %add3A_239 = arith.addi %select_n3A_191, %add3A_238 : vector<16xi32>
        %swap3A_240 = arith.constant 0 : index
        %swap3A_241 = tpu.vector_load %arg20[%swap3A_240] {strides = array<i32>} : memref<16xi32, #tpu.memory_space<vmem>>, vector<16xi32>,
        tpu.vector_store %arg20[%swap3A_240], %add3A_239 {strides = array<i32>} : memref<16xi32, #tpu.memory_space<vmem>>, vector<16xi32>,
        %run_scoped3A_242 = arith.constant 3 : i32
        "tpu.region"() ({
          %run_scoped3A_267 = tpu.sem_alloc : memref<!tpu.dma_semaphore, #tpu.memory_space<semaphore_mem>>
          %dma_start3A_268 = arith.constant 0 : i32
          %dma_start3A_269 = arith.constant 0 : i32
          %dma_start3A_270 = tpu.memref_slice %arg17[%run_scoped3A_242, %dma_start3A_268, %dma_start3A_269] : memref<8x16x128xf32, #tpu.memory_space<vmem>> -> memref<1x16x128xf32, #tpu.memory_space<vmem>>
          %dma_start3A_271 = tpu.memref_squeeze %dma_start3A_270 : memref<1x16x128xf32, #tpu.memory_space<vmem>> -> memref<16x128xf32, #tpu.memory_space<vmem>>
          %dma_start3A_272 = arith.constant 0 : i32
          %dma_start3A_273 = arith.constant 0 : i32
          %dma_start3A_274 = tpu.memref_slice %arg24[%dma_start3A_272, %dma_start3A_273] : memref<2176x128xf32, #tpu.memory_space<vmem_shared>> -> memref<2176x128xf32, #tpu.memory_space<vmem_shared>>
          tpu.enqueue_indirect_dma source(%dma_start3A_271 : memref<16x128xf32, #tpu.memory_space<vmem>>) target(%dma_start3A_274 : memref<2176x128xf32, #tpu.memory_space<vmem_shared>>) offsets(%arg20 : memref<16xi32, #tpu.memory_space<vmem>>) semaphore(%run_scoped3A_267 : memref<!tpu.dma_semaphore, #tpu.memory_space<semaphore_mem>>) {add = true}
          %dma_wait3A_275 = arith.constant 0 : i32
          %dma_wait3A_276 = arith.constant 0 : i32
          %dma_wait3A_277 = tpu.memref_slice %arg17[%run_scoped3A_242, %dma_wait3A_275, %dma_wait3A_276] : memref<8x16x128xf32, #tpu.memory_space<vmem>> -> memref<1x16x128xf32, #tpu.memory_space<vmem>>
          %dma_wait3A_278 = tpu.memref_squeeze %dma_wait3A_277 : memref<1x16x128xf32, #tpu.memory_space<vmem>> -> memref<16x128xf32, #tpu.memory_space<vmem>>
          %dma_wait3A_279 = arith.constant 0 : i32
          %dma_wait3A_280 = arith.constant 0 : i32
          %dma_wait3A_281 = tpu.memref_slice %arg24[%dma_wait3A_279, %dma_wait3A_280] : memref<2176x128xf32, #tpu.memory_space<vmem_shared>> -> memref<2176x128xf32, #tpu.memory_space<vmem_shared>>
          tpu.wait_indirect_dma semaphore(%run_scoped3A_267 : memref<!tpu.dma_semaphore, #tpu.memory_space<semaphore_mem>>) src(%dma_wait3A_278 : memref<16x128xf32, #tpu.memory_space<vmem>>) dst(%dma_wait3A_281 : memref<2176x128xf32, #tpu.memory_space<vmem_shared>>)
          tpu.yield
        }) : () -> ()
        %add3A_243 = arith.constant 1088 : i32
        %add3A_244 = vector.broadcast %add3A_243 : i32 to vector<16xi32>
        %add3A_245 = arith.addi %select_n3A_191, %add3A_244 : vector<16xi32>
        %swap3A_246 = arith.constant 0 : index
        %swap3A_247 = tpu.vector_load %arg20[%swap3A_246] {strides = array<i32>} : memref<16xi32, #tpu.memory_space<vmem>>, vector<16xi32>,
        tpu.vector_store %arg20[%swap3A_246], %add3A_245 {strides = array<i32>} : memref<16xi32, #tpu.memory_space<vmem>>, vector<16xi32>,
        %run_scoped3A_248 = arith.constant 4 : i32
        "tpu.region"() ({
          %run_scoped3A_267 = tpu.sem_alloc : memref<!tpu.dma_semaphore, #tpu.memory_space<semaphore_mem>>
          %dma_start3A_268 = arith.constant 0 : i32
          %dma_start3A_269 = arith.constant 0 : i32
          %dma_start3A_270 = tpu.memref_slice %arg17[%run_scoped3A_248, %dma_start3A_268, %dma_start3A_269] : memref<8x16x128xf32, #tpu.memory_space<vmem>> -> memref<1x16x128xf32, #tpu.memory_space<vmem>>
          %dma_start3A_271 = tpu.memref_squeeze %dma_start3A_270 : memref<1x16x128xf32, #tpu.memory_space<vmem>> -> memref<16x128xf32, #tpu.memory_space<vmem>>
          %dma_start3A_272 = arith.constant 0 : i32
          %dma_start3A_273 = arith.constant 0 : i32
          %dma_start3A_274 = tpu.memref_slice %arg24[%dma_start3A_272, %dma_start3A_273] : memref<2176x128xf32, #tpu.memory_space<vmem_shared>> -> memref<2176x128xf32, #tpu.memory_space<vmem_shared>>
          tpu.enqueue_indirect_dma source(%dma_start3A_271 : memref<16x128xf32, #tpu.memory_space<vmem>>) target(%dma_start3A_274 : memref<2176x128xf32, #tpu.memory_space<vmem_shared>>) offsets(%arg20 : memref<16xi32, #tpu.memory_space<vmem>>) semaphore(%run_scoped3A_267 : memref<!tpu.dma_semaphore, #tpu.memory_space<semaphore_mem>>) {add = true}
          %dma_wait3A_275 = arith.constant 0 : i32
          %dma_wait3A_276 = arith.constant 0 : i32
          %dma_wait3A_277 = tpu.memref_slice %arg17[%run_scoped3A_248, %dma_wait3A_275, %dma_wait3A_276] : memref<8x16x128xf32, #tpu.memory_space<vmem>> -> memref<1x16x128xf32, #tpu.memory_space<vmem>>
          %dma_wait3A_278 = tpu.memref_squeeze %dma_wait3A_277 : memref<1x16x128xf32, #tpu.memory_space<vmem>> -> memref<16x128xf32, #tpu.memory_space<vmem>>
          %dma_wait3A_279 = arith.constant 0 : i32
          %dma_wait3A_280 = arith.constant 0 : i32
          %dma_wait3A_281 = tpu.memref_slice %arg24[%dma_wait3A_279, %dma_wait3A_280] : memref<2176x128xf32, #tpu.memory_space<vmem_shared>> -> memref<2176x128xf32, #tpu.memory_space<vmem_shared>>
          tpu.wait_indirect_dma semaphore(%run_scoped3A_267 : memref<!tpu.dma_semaphore, #tpu.memory_space<semaphore_mem>>) src(%dma_wait3A_278 : memref<16x128xf32, #tpu.memory_space<vmem>>) dst(%dma_wait3A_281 : memref<2176x128xf32, #tpu.memory_space<vmem_shared>>)
          tpu.yield
        }) : () -> ()
        %add3A_249 = arith.constant 1360 : i32
        %add3A_250 = vector.broadcast %add3A_249 : i32 to vector<16xi32>
        %add3A_251 = arith.addi %select_n3A_191, %add3A_250 : vector<16xi32>
        %swap3A_252 = arith.constant 0 : index
        %swap3A_253 = tpu.vector_load %arg20[%swap3A_252] {strides = array<i32>} : memref<16xi32, #tpu.memory_space<vmem>>, vector<16xi32>,
        tpu.vector_store %arg20[%swap3A_252], %add3A_251 {strides = array<i32>} : memref<16xi32, #tpu.memory_space<vmem>>, vector<16xi32>,
        %run_scoped3A_254 = arith.constant 5 : i32
        "tpu.region"() ({
          %run_scoped3A_267 = tpu.sem_alloc : memref<!tpu.dma_semaphore, #tpu.memory_space<semaphore_mem>>
          %dma_start3A_268 = arith.constant 0 : i32
          %dma_start3A_269 = arith.constant 0 : i32
          %dma_start3A_270 = tpu.memref_slice %arg17[%run_scoped3A_254, %dma_start3A_268, %dma_start3A_269] : memref<8x16x128xf32, #tpu.memory_space<vmem>> -> memref<1x16x128xf32, #tpu.memory_space<vmem>>
          %dma_start3A_271 = tpu.memref_squeeze %dma_start3A_270 : memref<1x16x128xf32, #tpu.memory_space<vmem>> -> memref<16x128xf32, #tpu.memory_space<vmem>>
          %dma_start3A_272 = arith.constant 0 : i32
          %dma_start3A_273 = arith.constant 0 : i32
          %dma_start3A_274 = tpu.memref_slice %arg24[%dma_start3A_272, %dma_start3A_273] : memref<2176x128xf32, #tpu.memory_space<vmem_shared>> -> memref<2176x128xf32, #tpu.memory_space<vmem_shared>>
          tpu.enqueue_indirect_dma source(%dma_start3A_271 : memref<16x128xf32, #tpu.memory_space<vmem>>) target(%dma_start3A_274 : memref<2176x128xf32, #tpu.memory_space<vmem_shared>>) offsets(%arg20 : memref<16xi32, #tpu.memory_space<vmem>>) semaphore(%run_scoped3A_267 : memref<!tpu.dma_semaphore, #tpu.memory_space<semaphore_mem>>) {add = true}
          %dma_wait3A_275 = arith.constant 0 : i32
          %dma_wait3A_276 = arith.constant 0 : i32
          %dma_wait3A_277 = tpu.memref_slice %arg17[%run_scoped3A_254, %dma_wait3A_275, %dma_wait3A_276] : memref<8x16x128xf32, #tpu.memory_space<vmem>> -> memref<1x16x128xf32, #tpu.memory_space<vmem>>
          %dma_wait3A_278 = tpu.memref_squeeze %dma_wait3A_277 : memref<1x16x128xf32, #tpu.memory_space<vmem>> -> memref<16x128xf32, #tpu.memory_space<vmem>>
          %dma_wait3A_279 = arith.constant 0 : i32
          %dma_wait3A_280 = arith.constant 0 : i32
          %dma_wait3A_281 = tpu.memref_slice %arg24[%dma_wait3A_279, %dma_wait3A_280] : memref<2176x128xf32, #tpu.memory_space<vmem_shared>> -> memref<2176x128xf32, #tpu.memory_space<vmem_shared>>
          tpu.wait_indirect_dma semaphore(%run_scoped3A_267 : memref<!tpu.dma_semaphore, #tpu.memory_space<semaphore_mem>>) src(%dma_wait3A_278 : memref<16x128xf32, #tpu.memory_space<vmem>>) dst(%dma_wait3A_281 : memref<2176x128xf32, #tpu.memory_space<vmem_shared>>)
          tpu.yield
        }) : () -> ()
        %add3A_255 = arith.constant 1632 : i32
        %add3A_256 = vector.broadcast %add3A_255 : i32 to vector<16xi32>
        %add3A_257 = arith.addi %select_n3A_191, %add3A_256 : vector<16xi32>
        %swap3A_258 = arith.constant 0 : index
        %swap3A_259 = tpu.vector_load %arg20[%swap3A_258] {strides = array<i32>} : memref<16xi32, #tpu.memory_space<vmem>>, vector<16xi32>,
        tpu.vector_store %arg20[%swap3A_258], %add3A_257 {strides = array<i32>} : memref<16xi32, #tpu.memory_space<vmem>>, vector<16xi32>,
        %run_scoped3A_260 = arith.constant 6 : i32
        "tpu.region"() ({
          %run_scoped3A_267 = tpu.sem_alloc : memref<!tpu.dma_semaphore, #tpu.memory_space<semaphore_mem>>
          %dma_start3A_268 = arith.constant 0 : i32
          %dma_start3A_269 = arith.constant 0 : i32
          %dma_start3A_270 = tpu.memref_slice %arg17[%run_scoped3A_260, %dma_start3A_268, %dma_start3A_269] : memref<8x16x128xf32, #tpu.memory_space<vmem>> -> memref<1x16x128xf32, #tpu.memory_space<vmem>>
          %dma_start3A_271 = tpu.memref_squeeze %dma_start3A_270 : memref<1x16x128xf32, #tpu.memory_space<vmem>> -> memref<16x128xf32, #tpu.memory_space<vmem>>
          %dma_start3A_272 = arith.constant 0 : i32
          %dma_start3A_273 = arith.constant 0 : i32
          %dma_start3A_274 = tpu.memref_slice %arg24[%dma_start3A_272, %dma_start3A_273] : memref<2176x128xf32, #tpu.memory_space<vmem_shared>> -> memref<2176x128xf32, #tpu.memory_space<vmem_shared>>
          tpu.enqueue_indirect_dma source(%dma_start3A_271 : memref<16x128xf32, #tpu.memory_space<vmem>>) target(%dma_start3A_274 : memref<2176x128xf32, #tpu.memory_space<vmem_shared>>) offsets(%arg20 : memref<16xi32, #tpu.memory_space<vmem>>) semaphore(%run_scoped3A_267 : memref<!tpu.dma_semaphore, #tpu.memory_space<semaphore_mem>>) {add = true}
          %dma_wait3A_275 = arith.constant 0 : i32
          %dma_wait3A_276 = arith.constant 0 : i32
          %dma_wait3A_277 = tpu.memref_slice %arg17[%run_scoped3A_260, %dma_wait3A_275, %dma_wait3A_276] : memref<8x16x128xf32, #tpu.memory_space<vmem>> -> memref<1x16x128xf32, #tpu.memory_space<vmem>>
          %dma_wait3A_278 = tpu.memref_squeeze %dma_wait3A_277 : memref<1x16x128xf32, #tpu.memory_space<vmem>> -> memref<16x128xf32, #tpu.memory_space<vmem>>
          %dma_wait3A_279 = arith.constant 0 : i32
          %dma_wait3A_280 = arith.constant 0 : i32
          %dma_wait3A_281 = tpu.memref_slice %arg24[%dma_wait3A_279, %dma_wait3A_280] : memref<2176x128xf32, #tpu.memory_space<vmem_shared>> -> memref<2176x128xf32, #tpu.memory_space<vmem_shared>>
          tpu.wait_indirect_dma semaphore(%run_scoped3A_267 : memref<!tpu.dma_semaphore, #tpu.memory_space<semaphore_mem>>) src(%dma_wait3A_278 : memref<16x128xf32, #tpu.memory_space<vmem>>) dst(%dma_wait3A_281 : memref<2176x128xf32, #tpu.memory_space<vmem_shared>>)
          tpu.yield
        }) : () -> ()
        %add3A_261 = arith.constant 1904 : i32
        %add3A_262 = vector.broadcast %add3A_261 : i32 to vector<16xi32>
        %add3A_263 = arith.addi %select_n3A_191, %add3A_262 : vector<16xi32>
        %swap3A_264 = arith.constant 0 : index
        %swap3A_265 = tpu.vector_load %arg20[%swap3A_264] {strides = array<i32>} : memref<16xi32, #tpu.memory_space<vmem>>, vector<16xi32>,
        tpu.vector_store %arg20[%swap3A_264], %add3A_263 {strides = array<i32>} : memref<16xi32, #tpu.memory_space<vmem>>, vector<16xi32>,
        %run_scoped3A_266 = arith.constant 7 : i32
        "tpu.region"() ({
          %run_scoped3A_267 = tpu.sem_alloc : memref<!tpu.dma_semaphore, #tpu.memory_space<semaphore_mem>>
          %dma_start3A_268 = arith.constant 0 : i32
          %dma_start3A_269 = arith.constant 0 : i32
          %dma_start3A_270 = tpu.memref_slice %arg17[%run_scoped3A_266, %dma_start3A_268, %dma_start3A_269] : memref<8x16x128xf32, #tpu.memory_space<vmem>> -> memref<1x16x128xf32, #tpu.memory_space<vmem>>
          %dma_start3A_271 = tpu.memref_squeeze %dma_start3A_270 : memref<1x16x128xf32, #tpu.memory_space<vmem>> -> memref<16x128xf32, #tpu.memory_space<vmem>>
          %dma_start3A_272 = arith.constant 0 : i32
          %dma_start3A_273 = arith.constant 0 : i32
          %dma_start3A_274 = tpu.memref_slice %arg24[%dma_start3A_272, %dma_start3A_273] : memref<2176x128xf32, #tpu.memory_space<vmem_shared>> -> memref<2176x128xf32, #tpu.memory_space<vmem_shared>>
          tpu.enqueue_indirect_dma source(%dma_start3A_271 : memref<16x128xf32, #tpu.memory_space<vmem>>) target(%dma_start3A_274 : memref<2176x128xf32, #tpu.memory_space<vmem_shared>>) offsets(%arg20 : memref<16xi32, #tpu.memory_space<vmem>>) semaphore(%run_scoped3A_267 : memref<!tpu.dma_semaphore, #tpu.memory_space<semaphore_mem>>) {add = true}
          %dma_wait3A_275 = arith.constant 0 : i32
          %dma_wait3A_276 = arith.constant 0 : i32
          %dma_wait3A_277 = tpu.memref_slice %arg17[%run_scoped3A_266, %dma_wait3A_275, %dma_wait3A_276] : memref<8x16x128xf32, #tpu.memory_space<vmem>> -> memref<1x16x128xf32, #tpu.memory_space<vmem>>
          %dma_wait3A_278 = tpu.memref_squeeze %dma_wait3A_277 : memref<1x16x128xf32, #tpu.memory_space<vmem>> -> memref<16x128xf32, #tpu.memory_space<vmem>>
          %dma_wait3A_279 = arith.constant 0 : i32
          %dma_wait3A_280 = arith.constant 0 : i32
          %dma_wait3A_281 = tpu.memref_slice %arg24[%dma_wait3A_279, %dma_wait3A_280] : memref<2176x128xf32, #tpu.memory_space<vmem_shared>> -> memref<2176x128xf32, #tpu.memory_space<vmem_shared>>
          tpu.wait_indirect_dma semaphore(%run_scoped3A_267 : memref<!tpu.dma_semaphore, #tpu.memory_space<semaphore_mem>>) src(%dma_wait3A_278 : memref<16x128xf32, #tpu.memory_space<vmem>>) dst(%dma_wait3A_281 : memref<2176x128xf32, #tpu.memory_space<vmem_shared>>)
          tpu.yield
        }) : () -> ()
      }
      %while3A_109 = arith.constant 1 : i32
      scf.for %while3A_175 = %while3A_107 to %while3A_103 step %while3A_109  : i32 {
        %mul3A_176 = arith.constant 16 : i32
        %mul3A_177 = arith.muli %while3A_175, %mul3A_176 : i32
        %add3A_178 = vector.broadcast %mul3A_177 : i32 to vector<16xi32>
        %add3A_179 = arith.addi %add3A_178, %iota3A : vector<16xi32>
        %lt3A = vector.broadcast %scan3A_79 : i32 to vector<16xi32>
        %lt3A_180 = arith.cmpi slt, %add3A_179, %lt3A : vector<16xi32>
        %get3A = arith.index_cast %mul3A_177 : i32 to index
        %get3A_181 = tpu.vector_load %arg14[%get3A] {strides = array<i32>} : memref<5040xi32, #tpu.memory_space<vmem>>, vector<16xi32>,
        %gather3A = tpu.vector_load_idx %arg11[%get3A_181] : memref<5008xi32, #tpu.memory_space<vmem>>[vector<16xi32>], vector<16xi32>,
        %gather3A_182 = tpu.vector_load_idx %arg12[%get3A_181] : memref<5008xi32, #tpu.memory_space<vmem>>[vector<16xi32>], vector<16xi32>,
        %sub3A_183 = vector.broadcast %mul3A_40 : i32 to vector<16xi32>
        %sub3A_184 = arith.subi %gather3A_182, %sub3A_183 : vector<16xi32>
        %max3A = arith.constant 0 : i32
        %max3A_185 = vector.broadcast %max3A : i32 to vector<16xi32>
        %max3A_186 = arith.maxsi %sub3A_184, %max3A_185 : vector<16xi32>
        %min3A = arith.constant 256 : i32
        %min3A_187 = vector.broadcast %min3A : i32 to vector<16xi32>
        %min3A_188 = arith.minsi %max3A_186, %min3A_187 : vector<16xi32>
        %jit3A_189 = arith.constant 256 : i32
        %broadcast_in_dim3A_190 = vector.broadcast %jit3A_189 : i32 to vector<16xi32>
        %select_n3A_191 = arith.select %lt3A_180, %min3A_188, %broadcast_in_dim3A_190 : vector<16xi1>, vector<16xi32>
        %swap3A = arith.constant 0 : index
        %swap3A_192 = tpu.vector_load %arg19[%swap3A] {strides = array<i32>} : memref<16xi32, #tpu.memory_space<vmem>>, vector<16xi32>,
        tpu.vector_store %arg19[%swap3A], %gather3A {strides = array<i32>} : memref<16xi32, #tpu.memory_space<vmem>>, vector<16xi32>,
        %add3A_193 = arith.constant 0 : i32
        %add3A_194 = vector.broadcast %add3A_193 : i32 to vector<16xi32>
        %add3A_195 = arith.addi %add3A_194, %get3A_181 : vector<16xi32>
        %gather3A_196 = tpu.vector_load_idx %arg13[%add3A_195] : memref<20032xf32, #tpu.memory_space<vmem>>[vector<16xi32>], vector<16xf32>,
        %add3A_197 = arith.constant 5008 : i32
        %add3A_198 = vector.broadcast %add3A_197 : i32 to vector<16xi32>
        %add3A_199 = arith.addi %add3A_198, %get3A_181 : vector<16xi32>
        %gather3A_200 = tpu.vector_load_idx %arg13[%add3A_199] : memref<20032xf32, #tpu.memory_space<vmem>>[vector<16xi32>], vector<16xf32>,
        %add3A_201 = arith.constant 10016 : i32
        %add3A_202 = vector.broadcast %add3A_201 : i32 to vector<16xi32>
        %add3A_203 = arith.addi %add3A_202, %get3A_181 : vector<16xi32>
        %gather3A_204 = tpu.vector_load_idx %arg13[%add3A_203] : memref<20032xf32, #tpu.memory_space<vmem>>[vector<16xi32>], vector<16xf32>,
        %add3A_205 = arith.constant 15024 : i32
        %add3A_206 = vector.broadcast %add3A_205 : i32 to vector<16xi32>
        %add3A_207 = arith.addi %add3A_206, %get3A_181 : vector<16xi32>
        %gather3A_208 = tpu.vector_load_idx %arg13[%add3A_207] : memref<20032xf32, #tpu.memory_space<vmem>>[vector<16xi32>], vector<16xf32>,
        %dma_start3A = arith.constant 0 : i32
        %dma_start3A_209 = arith.constant 0 : i32
        %dma_start3A_210 = tpu.memref_slice %arg2[%dma_start3A, %dma_start3A_209] : memref<10000x1024xf32, #tpu.memory_space<hbm>> -> memref<10000x1024xf32, #tpu.memory_space<hbm>>
        tpu.enqueue_indirect_dma source(%dma_start3A_210 : memref<10000x1024xf32, #tpu.memory_space<hbm>>) target(%arg15 : memref<16x1024xf32, #tpu.memory_space<vmem>>) offsets(%arg19 : memref<16xi32, #tpu.memory_space<vmem>>) semaphore(%arg22 : memref<!tpu.dma_semaphore, #tpu.memory_space<semaphore_mem>>)
        %dma_wait3A = arith.constant 0 : i32
        %dma_wait3A_211 = arith.constant 0 : i32
        %dma_wait3A_212 = tpu.memref_slice %arg2[%dma_wait3A, %dma_wait3A_211] : memref<10000x1024xf32, #tpu.memory_space<hbm>> -> memref<10000x1024xf32, #tpu.memory_space<hbm>>
        tpu.wait_indirect_dma semaphore(%arg22 : memref<!tpu.dma_semaphore, #tpu.memory_space<semaphore_mem>>) src(%dma_wait3A_212 : memref<10000x1024xf32, #tpu.memory_space<hbm>>) dst(%arg15 : memref<16x1024xf32, #tpu.memory_space<vmem>>)
        %scan3A_213 = arith.constant 0 : i32
        %scan3A_214 = arith.constant 0 : i32
        %scan3A_215 = arith.constant 16 : i32
        %scan3A_216 = arith.addi %scan3A_214, %scan3A_215 : i32
        %scan3A_217 = arith.constant 1 : i32
        scf.for %scan3A_267 = %scan3A_214 to %scan3A_216 step %scan3A_217  : i32 {
          %broadcast_in_dim3A_268 = vector.broadcast %scan3A_267 : i32 to vector<16xi32>
          %broadcast_in_dim3A_269 = vector.shape_cast %broadcast_in_dim3A_268 : vector<16xi32> to vector<16x1xi32>
          %gather3A_270 = vector.shape_cast %broadcast_in_dim3A_269 : vector<16x1xi32> to vector<16xi32>
          %gather3A_271 = tpu.dynamic_gather %gather3A_196[%gather3A_270] in [0] : vector<16xf32>, vector<16xi32> -> vector<16xf32>
          %broadcast_in_dim3A_272 = vector.shape_cast %broadcast_in_dim3A_268 : vector<16xi32> to vector<16x1xi32>
          %gather3A_273 = vector.shape_cast %broadcast_in_dim3A_272 : vector<16x1xi32> to vector<16xi32>
          %gather3A_274 = tpu.dynamic_gather %gather3A_200[%gather3A_273] in [0] : vector<16xf32>, vector<16xi32> -> vector<16xf32>
          %broadcast_in_dim3A_275 = vector.shape_cast %broadcast_in_dim3A_268 : vector<16xi32> to vector<16x1xi32>
          %gather3A_276 = vector.shape_cast %broadcast_in_dim3A_275 : vector<16x1xi32> to vector<16xi32>
          %gather3A_277 = tpu.dynamic_gather %gather3A_204[%gather3A_276] in [0] : vector<16xf32>, vector<16xi32> -> vector<16xf32>
          %broadcast_in_dim3A_278 = vector.shape_cast %broadcast_in_dim3A_268 : vector<16xi32> to vector<16x1xi32>
          %gather3A_279 = vector.shape_cast %broadcast_in_dim3A_278 : vector<16x1xi32> to vector<16xi32>
          %gather3A_280 = tpu.dynamic_gather %gather3A_208[%gather3A_279] in [0] : vector<16xf32>, vector<16xi32> -> vector<16xf32>
          %scan3A_281 = arith.constant 0 : i32
          %scan3A_282 = arith.constant 0 : i32
          %scan3A_283 = arith.constant 8 : i32
          %scan3A_284 = arith.addi %scan3A_282, %scan3A_283 : i32
          %scan3A_285 = arith.constant 1 : i32
          scf.for %scan3A_329 = %scan3A_282 to %scan3A_284 step %scan3A_285  : i32 {
            %mul3A_330 = arith.constant 16 : i32
            %mul3A_331 = arith.muli %scan3A_329, %mul3A_330 : i32
            %add3A_332 = arith.constant 0 : i32
            %add3A_333 = arith.addi %add3A_332, %mul3A_331 : i32
            %get3A_334 = arith.index_cast %scan3A_267 : i32 to index
            %get3A_335 = arith.index_cast %add3A_333 : i32 to index
            %get3A_336 = tpu.vector_load %arg15[%get3A_334, %get3A_335] {strides = array<i32>} : memref<16x1024xf32, #tpu.memory_space<vmem>>, vector<16xf32>,
            %mul3A_337 = arith.mulf %get3A_336, %gather3A_271 : vector<16xf32>
            %mul3A_338 = arith.constant 16 : i32
            %mul3A_339 = arith.muli %scan3A_329, %mul3A_338 : i32
            %swap3A_340 = arith.constant 0 : i32
            %swap3A_341 = arith.index_cast %swap3A_340 : i32 to index
            %swap3A_342 = arith.index_cast %scan3A_267 : i32 to index
            %swap3A_343 = arith.index_cast %mul3A_339 : i32 to index
            %swap3A_344 = tpu.vector_load %arg17[%swap3A_341, %swap3A_342, %swap3A_343] {strides = array<i32>} : memref<8x16x128xf32, #tpu.memory_space<vmem>>, vector<16xf32>,
            tpu.vector_store %arg17[%swap3A_341, %swap3A_342, %swap3A_343], %mul3A_337 {strides = array<i32>} : memref<8x16x128xf32, #tpu.memory_space<vmem>>, vector<16xf32>,
          }
          %scan3A_286 = arith.constant 8 : i32
          %scan3A_287 = arith.constant 0 : i32
          %scan3A_288 = arith.constant 0 : i32
          %scan3A_289 = arith.constant 8 : i32
          %scan3A_290 = arith.addi %scan3A_288, %scan3A_289 : i32
          %scan3A_291 = arith.constant 1 : i32
          scf.for %scan3A_329 = %scan3A_288 to %scan3A_290 step %scan3A_291  : i32 {
            %mul3A_330 = arith.constant 16 : i32
            %mul3A_331 = arith.muli %scan3A_329, %mul3A_330 : i32
            %add3A_332 = arith.constant 128 : i32
            %add3A_333 = arith.addi %add3A_332, %mul3A_331 : i32
            %get3A_334 = arith.index_cast %scan3A_267 : i32 to index
            %get3A_335 = arith.index_cast %add3A_333 : i32 to index
            %get3A_336 = tpu.vector_load %arg15[%get3A_334, %get3A_335] {strides = array<i32>} : memref<16x1024xf32, #tpu.memory_space<vmem>>, vector<16xf32>,
            %mul3A_337 = arith.mulf %get3A_336, %gather3A_271 : vector<16xf32>
            %mul3A_338 = arith.constant 16 : i32
            %mul3A_339 = arith.muli %scan3A_329, %mul3A_338 : i32
            %swap3A_340 = arith.constant 1 : i32
            %swap3A_341 = arith.index_cast %swap3A_340 : i32 to index
            %swap3A_342 = arith.index_cast %scan3A_267 : i32 to index
            %swap3A_343 = arith.index_cast %mul3A_339 : i32 to index
            %swap3A_344 = tpu.vector_load %arg17[%swap3A_341, %swap3A_342, %swap3A_343] {strides = array<i32>} : memref<8x16x128xf32, #tpu.memory_space<vmem>>, vector<16xf32>,
            tpu.vector_store %arg17[%swap3A_341, %swap3A_342, %swap3A_343], %mul3A_337 {strides = array<i32>} : memref<8x16x128xf32, #tpu.memory_space<vmem>>, vector<16xf32>,
          }
          %scan3A_292 = arith.constant 8 : i32
          %scan3A_293 = arith.constant 0 : i32
          %scan3A_294 = arith.constant 0 : i32
          %scan3A_295 = arith.constant 8 : i32
          %scan3A_296 = arith.addi %scan3A_294, %scan3A_295 : i32
          %scan3A_297 = arith.constant 1 : i32
          scf.for %scan3A_329 = %scan3A_294 to %scan3A_296 step %scan3A_297  : i32 {
            %mul3A_330 = arith.constant 16 : i32
            %mul3A_331 = arith.muli %scan3A_329, %mul3A_330 : i32
            %add3A_332 = arith.constant 256 : i32
            %add3A_333 = arith.addi %add3A_332, %mul3A_331 : i32
            %get3A_334 = arith.index_cast %scan3A_267 : i32 to index
            %get3A_335 = arith.index_cast %add3A_333 : i32 to index
            %get3A_336 = tpu.vector_load %arg15[%get3A_334, %get3A_335] {strides = array<i32>} : memref<16x1024xf32, #tpu.memory_space<vmem>>, vector<16xf32>,
            %mul3A_337 = arith.mulf %get3A_336, %gather3A_274 : vector<16xf32>
            %mul3A_338 = arith.constant 16 : i32
            %mul3A_339 = arith.muli %scan3A_329, %mul3A_338 : i32
            %swap3A_340 = arith.constant 2 : i32
            %swap3A_341 = arith.index_cast %swap3A_340 : i32 to index
            %swap3A_342 = arith.index_cast %scan3A_267 : i32 to index
            %swap3A_343 = arith.index_cast %mul3A_339 : i32 to index
            %swap3A_344 = tpu.vector_load %arg17[%swap3A_341, %swap3A_342, %swap3A_343] {strides = array<i32>} : memref<8x16x128xf32, #tpu.memory_space<vmem>>, vector<16xf32>,
            tpu.vector_store %arg17[%swap3A_341, %swap3A_342, %swap3A_343], %mul3A_337 {strides = array<i32>} : memref<8x16x128xf32, #tpu.memory_space<vmem>>, vector<16xf32>,
          }
          %scan3A_298 = arith.constant 8 : i32
          %scan3A_299 = arith.constant 0 : i32
          %scan3A_300 = arith.constant 0 : i32
          %scan3A_301 = arith.constant 8 : i32
          %scan3A_302 = arith.addi %scan3A_300, %scan3A_301 : i32
          %scan3A_303 = arith.constant 1 : i32
          scf.for %scan3A_329 = %scan3A_300 to %scan3A_302 step %scan3A_303  : i32 {
            %mul3A_330 = arith.constant 16 : i32
            %mul3A_331 = arith.muli %scan3A_329, %mul3A_330 : i32
            %add3A_332 = arith.constant 384 : i32
            %add3A_333 = arith.addi %add3A_332, %mul3A_331 : i32
            %get3A_334 = arith.index_cast %scan3A_267 : i32 to index
            %get3A_335 = arith.index_cast %add3A_333 : i32 to index
            %get3A_336 = tpu.vector_load %arg15[%get3A_334, %get3A_335] {strides = array<i32>} : memref<16x1024xf32, #tpu.memory_space<vmem>>, vector<16xf32>,
            %mul3A_337 = arith.mulf %get3A_336, %gather3A_274 : vector<16xf32>
            %mul3A_338 = arith.constant 16 : i32
            %mul3A_339 = arith.muli %scan3A_329, %mul3A_338 : i32
            %swap3A_340 = arith.constant 3 : i32
            %swap3A_341 = arith.index_cast %swap3A_340 : i32 to index
            %swap3A_342 = arith.index_cast %scan3A_267 : i32 to index
            %swap3A_343 = arith.index_cast %mul3A_339 : i32 to index
            %swap3A_344 = tpu.vector_load %arg17[%swap3A_341, %swap3A_342, %swap3A_343] {strides = array<i32>} : memref<8x16x128xf32, #tpu.memory_space<vmem>>, vector<16xf32>,
            tpu.vector_store %arg17[%swap3A_341, %swap3A_342, %swap3A_343], %mul3A_337 {strides = array<i32>} : memref<8x16x128xf32, #tpu.memory_space<vmem>>, vector<16xf32>,
          }
          %scan3A_304 = arith.constant 8 : i32
          %scan3A_305 = arith.constant 0 : i32
          %scan3A_306 = arith.constant 0 : i32
          %scan3A_307 = arith.constant 8 : i32
          %scan3A_308 = arith.addi %scan3A_306, %scan3A_307 : i32
          %scan3A_309 = arith.constant 1 : i32
          scf.for %scan3A_329 = %scan3A_306 to %scan3A_308 step %scan3A_309  : i32 {
            %mul3A_330 = arith.constant 16 : i32
            %mul3A_331 = arith.muli %scan3A_329, %mul3A_330 : i32
            %add3A_332 = arith.constant 512 : i32
            %add3A_333 = arith.addi %add3A_332, %mul3A_331 : i32
            %get3A_334 = arith.index_cast %scan3A_267 : i32 to index
            %get3A_335 = arith.index_cast %add3A_333 : i32 to index
            %get3A_336 = tpu.vector_load %arg15[%get3A_334, %get3A_335] {strides = array<i32>} : memref<16x1024xf32, #tpu.memory_space<vmem>>, vector<16xf32>,
            %mul3A_337 = arith.mulf %get3A_336, %gather3A_277 : vector<16xf32>
            %mul3A_338 = arith.constant 16 : i32
            %mul3A_339 = arith.muli %scan3A_329, %mul3A_338 : i32
            %swap3A_340 = arith.constant 4 : i32
            %swap3A_341 = arith.index_cast %swap3A_340 : i32 to index
            %swap3A_342 = arith.index_cast %scan3A_267 : i32 to index
            %swap3A_343 = arith.index_cast %mul3A_339 : i32 to index
            %swap3A_344 = tpu.vector_load %arg17[%swap3A_341, %swap3A_342, %swap3A_343] {strides = array<i32>} : memref<8x16x128xf32, #tpu.memory_space<vmem>>, vector<16xf32>,
            tpu.vector_store %arg17[%swap3A_341, %swap3A_342, %swap3A_343], %mul3A_337 {strides = array<i32>} : memref<8x16x128xf32, #tpu.memory_space<vmem>>, vector<16xf32>,
          }
          %scan3A_310 = arith.constant 8 : i32
          %scan3A_311 = arith.constant 0 : i32
          %scan3A_312 = arith.constant 0 : i32
          %scan3A_313 = arith.constant 8 : i32
          %scan3A_314 = arith.addi %scan3A_312, %scan3A_313 : i32
          %scan3A_315 = arith.constant 1 : i32
          scf.for %scan3A_329 = %scan3A_312 to %scan3A_314 step %scan3A_315  : i32 {
            %mul3A_330 = arith.constant 16 : i32
            %mul3A_331 = arith.muli %scan3A_329, %mul3A_330 : i32
            %add3A_332 = arith.constant 640 : i32
            %add3A_333 = arith.addi %add3A_332, %mul3A_331 : i32
            %get3A_334 = arith.index_cast %scan3A_267 : i32 to index
            %get3A_335 = arith.index_cast %add3A_333 : i32 to index
            %get3A_336 = tpu.vector_load %arg15[%get3A_334, %get3A_335] {strides = array<i32>} : memref<16x1024xf32, #tpu.memory_space<vmem>>, vector<16xf32>,
            %mul3A_337 = arith.mulf %get3A_336, %gather3A_277 : vector<16xf32>
            %mul3A_338 = arith.constant 16 : i32
            %mul3A_339 = arith.muli %scan3A_329, %mul3A_338 : i32
            %swap3A_340 = arith.constant 5 : i32
            %swap3A_341 = arith.index_cast %swap3A_340 : i32 to index
            %swap3A_342 = arith.index_cast %scan3A_267 : i32 to index
            %swap3A_343 = arith.index_cast %mul3A_339 : i32 to index
            %swap3A_344 = tpu.vector_load %arg17[%swap3A_341, %swap3A_342, %swap3A_343] {strides = array<i32>} : memref<8x16x128xf32, #tpu.memory_space<vmem>>, vector<16xf32>,
            tpu.vector_store %arg17[%swap3A_341, %swap3A_342, %swap3A_343], %mul3A_337 {strides = array<i32>} : memref<8x16x128xf32, #tpu.memory_space<vmem>>, vector<16xf32>,
          }
          %scan3A_316 = arith.constant 8 : i32
          %scan3A_317 = arith.constant 0 : i32
          %scan3A_318 = arith.constant 0 : i32
          %scan3A_319 = arith.constant 8 : i32
          %scan3A_320 = arith.addi %scan3A_318, %scan3A_319 : i32
          %scan3A_321 = arith.constant 1 : i32
          scf.for %scan3A_329 = %scan3A_318 to %scan3A_320 step %scan3A_321  : i32 {
            %mul3A_330 = arith.constant 16 : i32
            %mul3A_331 = arith.muli %scan3A_329, %mul3A_330 : i32
            %add3A_332 = arith.constant 768 : i32
            %add3A_333 = arith.addi %add3A_332, %mul3A_331 : i32
            %get3A_334 = arith.index_cast %scan3A_267 : i32 to index
            %get3A_335 = arith.index_cast %add3A_333 : i32 to index
            %get3A_336 = tpu.vector_load %arg15[%get3A_334, %get3A_335] {strides = array<i32>} : memref<16x1024xf32, #tpu.memory_space<vmem>>, vector<16xf32>,
            %mul3A_337 = arith.mulf %get3A_336, %gather3A_280 : vector<16xf32>
            %mul3A_338 = arith.constant 16 : i32
            %mul3A_339 = arith.muli %scan3A_329, %mul3A_338 : i32
            %swap3A_340 = arith.constant 6 : i32
            %swap3A_341 = arith.index_cast %swap3A_340 : i32 to index
            %swap3A_342 = arith.index_cast %scan3A_267 : i32 to index
            %swap3A_343 = arith.index_cast %mul3A_339 : i32 to index
            %swap3A_344 = tpu.vector_load %arg17[%swap3A_341, %swap3A_342, %swap3A_343] {strides = array<i32>} : memref<8x16x128xf32, #tpu.memory_space<vmem>>, vector<16xf32>,
            tpu.vector_store %arg17[%swap3A_341, %swap3A_342, %swap3A_343], %mul3A_337 {strides = array<i32>} : memref<8x16x128xf32, #tpu.memory_space<vmem>>, vector<16xf32>,
          }
          %scan3A_322 = arith.constant 8 : i32
          %scan3A_323 = arith.constant 0 : i32
          %scan3A_324 = arith.constant 0 : i32
          %scan3A_325 = arith.constant 8 : i32
          %scan3A_326 = arith.addi %scan3A_324, %scan3A_325 : i32
          %scan3A_327 = arith.constant 1 : i32
          scf.for %scan3A_329 = %scan3A_324 to %scan3A_326 step %scan3A_327  : i32 {
            %mul3A_330 = arith.constant 16 : i32
            %mul3A_331 = arith.muli %scan3A_329, %mul3A_330 : i32
            %add3A_332 = arith.constant 896 : i32
            %add3A_333 = arith.addi %add3A_332, %mul3A_331 : i32
            %get3A_334 = arith.index_cast %scan3A_267 : i32 to index
            %get3A_335 = arith.index_cast %add3A_333 : i32 to index
            %get3A_336 = tpu.vector_load %arg15[%get3A_334, %get3A_335] {strides = array<i32>} : memref<16x1024xf32, #tpu.memory_space<vmem>>, vector<16xf32>,
            %mul3A_337 = arith.mulf %get3A_336, %gather3A_280 : vector<16xf32>
            %mul3A_338 = arith.constant 16 : i32
            %mul3A_339 = arith.muli %scan3A_329, %mul3A_338 : i32
            %swap3A_340 = arith.constant 7 : i32
            %swap3A_341 = arith.index_cast %swap3A_340 : i32 to index
            %swap3A_342 = arith.index_cast %scan3A_267 : i32 to index
            %swap3A_343 = arith.index_cast %mul3A_339 : i32 to index
            %swap3A_344 = tpu.vector_load %arg17[%swap3A_341, %swap3A_342, %swap3A_343] {strides = array<i32>} : memref<8x16x128xf32, #tpu.memory_space<vmem>>, vector<16xf32>,
            tpu.vector_store %arg17[%swap3A_341, %swap3A_342, %swap3A_343], %mul3A_337 {strides = array<i32>} : memref<8x16x128xf32, #tpu.memory_space<vmem>>, vector<16xf32>,
          }
          %scan3A_328 = arith.constant 8 : i32
        }
        %scan3A_218 = arith.constant 16 : i32
        %add3A_219 = arith.constant 0 : i32
        %add3A_220 = vector.broadcast %add3A_219 : i32 to vector<16xi32>
        %add3A_221 = arith.addi %select_n3A_191, %add3A_220 : vector<16xi32>
        %swap3A_222 = arith.constant 0 : index
        %swap3A_223 = tpu.vector_load %arg20[%swap3A_222] {strides = array<i32>} : memref<16xi32, #tpu.memory_space<vmem>>, vector<16xi32>,
        tpu.vector_store %arg20[%swap3A_222], %add3A_221 {strides = array<i32>} : memref<16xi32, #tpu.memory_space<vmem>>, vector<16xi32>,
        %run_scoped3A_224 = arith.constant 0 : i32
        "tpu.region"() ({
          %run_scoped3A_267 = tpu.sem_alloc : memref<!tpu.dma_semaphore, #tpu.memory_space<semaphore_mem>>
          %dma_start3A_268 = arith.constant 0 : i32
          %dma_start3A_269 = arith.constant 0 : i32
          %dma_start3A_270 = tpu.memref_slice %arg17[%run_scoped3A_224, %dma_start3A_268, %dma_start3A_269] : memref<8x16x128xf32, #tpu.memory_space<vmem>> -> memref<1x16x128xf32, #tpu.memory_space<vmem>>
          %dma_start3A_271 = tpu.memref_squeeze %dma_start3A_270 : memref<1x16x128xf32, #tpu.memory_space<vmem>> -> memref<16x128xf32, #tpu.memory_space<vmem>>
          %dma_start3A_272 = arith.constant 0 : i32
          %dma_start3A_273 = arith.constant 0 : i32
          %dma_start3A_274 = tpu.memref_slice %arg24[%dma_start3A_272, %dma_start3A_273] : memref<2176x128xf32, #tpu.memory_space<vmem_shared>> -> memref<2176x128xf32, #tpu.memory_space<vmem_shared>>
          tpu.enqueue_indirect_dma source(%dma_start3A_271 : memref<16x128xf32, #tpu.memory_space<vmem>>) target(%dma_start3A_274 : memref<2176x128xf32, #tpu.memory_space<vmem_shared>>) offsets(%arg20 : memref<16xi32, #tpu.memory_space<vmem>>) semaphore(%run_scoped3A_267 : memref<!tpu.dma_semaphore, #tpu.memory_space<semaphore_mem>>) {add = true}
          %dma_wait3A_275 = arith.constant 0 : i32
          %dma_wait3A_276 = arith.constant 0 : i32
          %dma_wait3A_277 = tpu.memref_slice %arg17[%run_scoped3A_224, %dma_wait3A_275, %dma_wait3A_276] : memref<8x16x128xf32, #tpu.memory_space<vmem>> -> memref<1x16x128xf32, #tpu.memory_space<vmem>>
          %dma_wait3A_278 = tpu.memref_squeeze %dma_wait3A_277 : memref<1x16x128xf32, #tpu.memory_space<vmem>> -> memref<16x128xf32, #tpu.memory_space<vmem>>
          %dma_wait3A_279 = arith.constant 0 : i32
          %dma_wait3A_280 = arith.constant 0 : i32
          %dma_wait3A_281 = tpu.memref_slice %arg24[%dma_wait3A_279, %dma_wait3A_280] : memref<2176x128xf32, #tpu.memory_space<vmem_shared>> -> memref<2176x128xf32, #tpu.memory_space<vmem_shared>>
          tpu.wait_indirect_dma semaphore(%run_scoped3A_267 : memref<!tpu.dma_semaphore, #tpu.memory_space<semaphore_mem>>) src(%dma_wait3A_278 : memref<16x128xf32, #tpu.memory_space<vmem>>) dst(%dma_wait3A_281 : memref<2176x128xf32, #tpu.memory_space<vmem_shared>>)
          tpu.yield
        }) : () -> ()
        %add3A_225 = arith.constant 272 : i32
        %add3A_226 = vector.broadcast %add3A_225 : i32 to vector<16xi32>
        %add3A_227 = arith.addi %select_n3A_191, %add3A_226 : vector<16xi32>
        %swap3A_228 = arith.constant 0 : index
        %swap3A_229 = tpu.vector_load %arg20[%swap3A_228] {strides = array<i32>} : memref<16xi32, #tpu.memory_space<vmem>>, vector<16xi32>,
        tpu.vector_store %arg20[%swap3A_228], %add3A_227 {strides = array<i32>} : memref<16xi32, #tpu.memory_space<vmem>>, vector<16xi32>,
        %run_scoped3A_230 = arith.constant 1 : i32
        "tpu.region"() ({
          %run_scoped3A_267 = tpu.sem_alloc : memref<!tpu.dma_semaphore, #tpu.memory_space<semaphore_mem>>
          %dma_start3A_268 = arith.constant 0 : i32
          %dma_start3A_269 = arith.constant 0 : i32
          %dma_start3A_270 = tpu.memref_slice %arg17[%run_scoped3A_230, %dma_start3A_268, %dma_start3A_269] : memref<8x16x128xf32, #tpu.memory_space<vmem>> -> memref<1x16x128xf32, #tpu.memory_space<vmem>>
          %dma_start3A_271 = tpu.memref_squeeze %dma_start3A_270 : memref<1x16x128xf32, #tpu.memory_space<vmem>> -> memref<16x128xf32, #tpu.memory_space<vmem>>
          %dma_start3A_272 = arith.constant 0 : i32
          %dma_start3A_273 = arith.constant 0 : i32
          %dma_start3A_274 = tpu.memref_slice %arg24[%dma_start3A_272, %dma_start3A_273] : memref<2176x128xf32, #tpu.memory_space<vmem_shared>> -> memref<2176x128xf32, #tpu.memory_space<vmem_shared>>
          tpu.enqueue_indirect_dma source(%dma_start3A_271 : memref<16x128xf32, #tpu.memory_space<vmem>>) target(%dma_start3A_274 : memref<2176x128xf32, #tpu.memory_space<vmem_shared>>) offsets(%arg20 : memref<16xi32, #tpu.memory_space<vmem>>) semaphore(%run_scoped3A_267 : memref<!tpu.dma_semaphore, #tpu.memory_space<semaphore_mem>>) {add = true}
          %dma_wait3A_275 = arith.constant 0 : i32
          %dma_wait3A_276 = arith.constant 0 : i32
          %dma_wait3A_277 = tpu.memref_slice %arg17[%run_scoped3A_230, %dma_wait3A_275, %dma_wait3A_276] : memref<8x16x128xf32, #tpu.memory_space<vmem>> -> memref<1x16x128xf32, #tpu.memory_space<vmem>>
          %dma_wait3A_278 = tpu.memref_squeeze %dma_wait3A_277 : memref<1x16x128xf32, #tpu.memory_space<vmem>> -> memref<16x128xf32, #tpu.memory_space<vmem>>
          %dma_wait3A_279 = arith.constant 0 : i32
          %dma_wait3A_280 = arith.constant 0 : i32
          %dma_wait3A_281 = tpu.memref_slice %arg24[%dma_wait3A_279, %dma_wait3A_280] : memref<2176x128xf32, #tpu.memory_space<vmem_shared>> -> memref<2176x128xf32, #tpu.memory_space<vmem_shared>>
          tpu.wait_indirect_dma semaphore(%run_scoped3A_267 : memref<!tpu.dma_semaphore, #tpu.memory_space<semaphore_mem>>) src(%dma_wait3A_278 : memref<16x128xf32, #tpu.memory_space<vmem>>) dst(%dma_wait3A_281 : memref<2176x128xf32, #tpu.memory_space<vmem_shared>>)
          tpu.yield
        }) : () -> ()
        %add3A_231 = arith.constant 544 : i32
        %add3A_232 = vector.broadcast %add3A_231 : i32 to vector<16xi32>
        %add3A_233 = arith.addi %select_n3A_191, %add3A_232 : vector<16xi32>
        %swap3A_234 = arith.constant 0 : index
        %swap3A_235 = tpu.vector_load %arg20[%swap3A_234] {strides = array<i32>} : memref<16xi32, #tpu.memory_space<vmem>>, vector<16xi32>,
        tpu.vector_store %arg20[%swap3A_234], %add3A_233 {strides = array<i32>} : memref<16xi32, #tpu.memory_space<vmem>>, vector<16xi32>,
        %run_scoped3A_236 = arith.constant 2 : i32
        "tpu.region"() ({
          %run_scoped3A_267 = tpu.sem_alloc : memref<!tpu.dma_semaphore, #tpu.memory_space<semaphore_mem>>
          %dma_start3A_268 = arith.constant 0 : i32
          %dma_start3A_269 = arith.constant 0 : i32
          %dma_start3A_270 = tpu.memref_slice %arg17[%run_scoped3A_236, %dma_start3A_268, %dma_start3A_269] : memref<8x16x128xf32, #tpu.memory_space<vmem>> -> memref<1x16x128xf32, #tpu.memory_space<vmem>>
          %dma_start3A_271 = tpu.memref_squeeze %dma_start3A_270 : memref<1x16x128xf32, #tpu.memory_space<vmem>> -> memref<16x128xf32, #tpu.memory_space<vmem>>
          %dma_start3A_272 = arith.constant 0 : i32
          %dma_start3A_273 = arith.constant 0 : i32
          %dma_start3A_274 = tpu.memref_slice %arg24[%dma_start3A_272, %dma_start3A_273] : memref<2176x128xf32, #tpu.memory_space<vmem_shared>> -> memref<2176x128xf32, #tpu.memory_space<vmem_shared>>
          tpu.enqueue_indirect_dma source(%dma_start3A_271 : memref<16x128xf32, #tpu.memory_space<vmem>>) target(%dma_start3A_274 : memref<2176x128xf32, #tpu.memory_space<vmem_shared>>) offsets(%arg20 : memref<16xi32, #tpu.memory_space<vmem>>) semaphore(%run_scoped3A_267 : memref<!tpu.dma_semaphore, #tpu.memory_space<semaphore_mem>>) {add = true}
          %dma_wait3A_275 = arith.constant 0 : i32
          %dma_wait3A_276 = arith.constant 0 : i32
          %dma_wait3A_277 = tpu.memref_slice %arg17[%run_scoped3A_236, %dma_wait3A_275, %dma_wait3A_276] : memref<8x16x128xf32, #tpu.memory_space<vmem>> -> memref<1x16x128xf32, #tpu.memory_space<vmem>>
          %dma_wait3A_278 = tpu.memref_squeeze %dma_wait3A_277 : memref<1x16x128xf32, #tpu.memory_space<vmem>> -> memref<16x128xf32, #tpu.memory_space<vmem>>
          %dma_wait3A_279 = arith.constant 0 : i32
          %dma_wait3A_280 = arith.constant 0 : i32
          %dma_wait3A_281 = tpu.memref_slice %arg24[%dma_wait3A_279, %dma_wait3A_280] : memref<2176x128xf32, #tpu.memory_space<vmem_shared>> -> memref<2176x128xf32, #tpu.memory_space<vmem_shared>>
          tpu.wait_indirect_dma semaphore(%run_scoped3A_267 : memref<!tpu.dma_semaphore, #tpu.memory_space<semaphore_mem>>) src(%dma_wait3A_278 : memref<16x128xf32, #tpu.memory_space<vmem>>) dst(%dma_wait3A_281 : memref<2176x128xf32, #tpu.memory_space<vmem_shared>>)
          tpu.yield
        }) : () -> ()
        %add3A_237 = arith.constant 816 : i32
        %add3A_238 = vector.broadcast %add3A_237 : i32 to vector<16xi32>
        %add3A_239 = arith.addi %select_n3A_191, %add3A_238 : vector<16xi32>
        %swap3A_240 = arith.constant 0 : index
        %swap3A_241 = tpu.vector_load %arg20[%swap3A_240] {strides = array<i32>} : memref<16xi32, #tpu.memory_space<vmem>>, vector<16xi32>,
        tpu.vector_store %arg20[%swap3A_240], %add3A_239 {strides = array<i32>} : memref<16xi32, #tpu.memory_space<vmem>>, vector<16xi32>,
        %run_scoped3A_242 = arith.constant 3 : i32
        "tpu.region"() ({
          %run_scoped3A_267 = tpu.sem_alloc : memref<!tpu.dma_semaphore, #tpu.memory_space<semaphore_mem>>
          %dma_start3A_268 = arith.constant 0 : i32
          %dma_start3A_269 = arith.constant 0 : i32
          %dma_start3A_270 = tpu.memref_slice %arg17[%run_scoped3A_242, %dma_start3A_268, %dma_start3A_269] : memref<8x16x128xf32, #tpu.memory_space<vmem>> -> memref<1x16x128xf32, #tpu.memory_space<vmem>>
          %dma_start3A_271 = tpu.memref_squeeze %dma_start3A_270 : memref<1x16x128xf32, #tpu.memory_space<vmem>> -> memref<16x128xf32, #tpu.memory_space<vmem>>
          %dma_start3A_272 = arith.constant 0 : i32
          %dma_start3A_273 = arith.constant 0 : i32
          %dma_start3A_274 = tpu.memref_slice %arg24[%dma_start3A_272, %dma_start3A_273] : memref<2176x128xf32, #tpu.memory_space<vmem_shared>> -> memref<2176x128xf32, #tpu.memory_space<vmem_shared>>
          tpu.enqueue_indirect_dma source(%dma_start3A_271 : memref<16x128xf32, #tpu.memory_space<vmem>>) target(%dma_start3A_274 : memref<2176x128xf32, #tpu.memory_space<vmem_shared>>) offsets(%arg20 : memref<16xi32, #tpu.memory_space<vmem>>) semaphore(%run_scoped3A_267 : memref<!tpu.dma_semaphore, #tpu.memory_space<semaphore_mem>>) {add = true}
          %dma_wait3A_275 = arith.constant 0 : i32
          %dma_wait3A_276 = arith.constant 0 : i32
          %dma_wait3A_277 = tpu.memref_slice %arg17[%run_scoped3A_242, %dma_wait3A_275, %dma_wait3A_276] : memref<8x16x128xf32, #tpu.memory_space<vmem>> -> memref<1x16x128xf32, #tpu.memory_space<vmem>>
          %dma_wait3A_278 = tpu.memref_squeeze %dma_wait3A_277 : memref<1x16x128xf32, #tpu.memory_space<vmem>> -> memref<16x128xf32, #tpu.memory_space<vmem>>
          %dma_wait3A_279 = arith.constant 0 : i32
          %dma_wait3A_280 = arith.constant 0 : i32
          %dma_wait3A_281 = tpu.memref_slice %arg24[%dma_wait3A_279, %dma_wait3A_280] : memref<2176x128xf32, #tpu.memory_space<vmem_shared>> -> memref<2176x128xf32, #tpu.memory_space<vmem_shared>>
          tpu.wait_indirect_dma semaphore(%run_scoped3A_267 : memref<!tpu.dma_semaphore, #tpu.memory_space<semaphore_mem>>) src(%dma_wait3A_278 : memref<16x128xf32, #tpu.memory_space<vmem>>) dst(%dma_wait3A_281 : memref<2176x128xf32, #tpu.memory_space<vmem_shared>>)
          tpu.yield
        }) : () -> ()
        %add3A_243 = arith.constant 1088 : i32
        %add3A_244 = vector.broadcast %add3A_243 : i32 to vector<16xi32>
        %add3A_245 = arith.addi %select_n3A_191, %add3A_244 : vector<16xi32>
        %swap3A_246 = arith.constant 0 : index
        %swap3A_247 = tpu.vector_load %arg20[%swap3A_246] {strides = array<i32>} : memref<16xi32, #tpu.memory_space<vmem>>, vector<16xi32>,
        tpu.vector_store %arg20[%swap3A_246], %add3A_245 {strides = array<i32>} : memref<16xi32, #tpu.memory_space<vmem>>, vector<16xi32>,
        %run_scoped3A_248 = arith.constant 4 : i32
        "tpu.region"() ({
          %run_scoped3A_267 = tpu.sem_alloc : memref<!tpu.dma_semaphore, #tpu.memory_space<semaphore_mem>>
          %dma_start3A_268 = arith.constant 0 : i32
          %dma_start3A_269 = arith.constant 0 : i32
          %dma_start3A_270 = tpu.memref_slice %arg17[%run_scoped3A_248, %dma_start3A_268, %dma_start3A_269] : memref<8x16x128xf32, #tpu.memory_space<vmem>> -> memref<1x16x128xf32, #tpu.memory_space<vmem>>
          %dma_start3A_271 = tpu.memref_squeeze %dma_start3A_270 : memref<1x16x128xf32, #tpu.memory_space<vmem>> -> memref<16x128xf32, #tpu.memory_space<vmem>>
          %dma_start3A_272 = arith.constant 0 : i32
          %dma_start3A_273 = arith.constant 0 : i32
          %dma_start3A_274 = tpu.memref_slice %arg24[%dma_start3A_272, %dma_start3A_273] : memref<2176x128xf32, #tpu.memory_space<vmem_shared>> -> memref<2176x128xf32, #tpu.memory_space<vmem_shared>>
          tpu.enqueue_indirect_dma source(%dma_start3A_271 : memref<16x128xf32, #tpu.memory_space<vmem>>) target(%dma_start3A_274 : memref<2176x128xf32, #tpu.memory_space<vmem_shared>>) offsets(%arg20 : memref<16xi32, #tpu.memory_space<vmem>>) semaphore(%run_scoped3A_267 : memref<!tpu.dma_semaphore, #tpu.memory_space<semaphore_mem>>) {add = true}
          %dma_wait3A_275 = arith.constant 0 : i32
          %dma_wait3A_276 = arith.constant 0 : i32
          %dma_wait3A_277 = tpu.memref_slice %arg17[%run_scoped3A_248, %dma_wait3A_275, %dma_wait3A_276] : memref<8x16x128xf32, #tpu.memory_space<vmem>> -> memref<1x16x128xf32, #tpu.memory_space<vmem>>
          %dma_wait3A_278 = tpu.memref_squeeze %dma_wait3A_277 : memref<1x16x128xf32, #tpu.memory_space<vmem>> -> memref<16x128xf32, #tpu.memory_space<vmem>>
          %dma_wait3A_279 = arith.constant 0 : i32
          %dma_wait3A_280 = arith.constant 0 : i32
          %dma_wait3A_281 = tpu.memref_slice %arg24[%dma_wait3A_279, %dma_wait3A_280] : memref<2176x128xf32, #tpu.memory_space<vmem_shared>> -> memref<2176x128xf32, #tpu.memory_space<vmem_shared>>
          tpu.wait_indirect_dma semaphore(%run_scoped3A_267 : memref<!tpu.dma_semaphore, #tpu.memory_space<semaphore_mem>>) src(%dma_wait3A_278 : memref<16x128xf32, #tpu.memory_space<vmem>>) dst(%dma_wait3A_281 : memref<2176x128xf32, #tpu.memory_space<vmem_shared>>)
          tpu.yield
        }) : () -> ()
        %add3A_249 = arith.constant 1360 : i32
        %add3A_250 = vector.broadcast %add3A_249 : i32 to vector<16xi32>
        %add3A_251 = arith.addi %select_n3A_191, %add3A_250 : vector<16xi32>
        %swap3A_252 = arith.constant 0 : index
        %swap3A_253 = tpu.vector_load %arg20[%swap3A_252] {strides = array<i32>} : memref<16xi32, #tpu.memory_space<vmem>>, vector<16xi32>,
        tpu.vector_store %arg20[%swap3A_252], %add3A_251 {strides = array<i32>} : memref<16xi32, #tpu.memory_space<vmem>>, vector<16xi32>,
        %run_scoped3A_254 = arith.constant 5 : i32
        "tpu.region"() ({
          %run_scoped3A_267 = tpu.sem_alloc : memref<!tpu.dma_semaphore, #tpu.memory_space<semaphore_mem>>
          %dma_start3A_268 = arith.constant 0 : i32
          %dma_start3A_269 = arith.constant 0 : i32
          %dma_start3A_270 = tpu.memref_slice %arg17[%run_scoped3A_254, %dma_start3A_268, %dma_start3A_269] : memref<8x16x128xf32, #tpu.memory_space<vmem>> -> memref<1x16x128xf32, #tpu.memory_space<vmem>>
          %dma_start3A_271 = tpu.memref_squeeze %dma_start3A_270 : memref<1x16x128xf32, #tpu.memory_space<vmem>> -> memref<16x128xf32, #tpu.memory_space<vmem>>
          %dma_start3A_272 = arith.constant 0 : i32
          %dma_start3A_273 = arith.constant 0 : i32
          %dma_start3A_274 = tpu.memref_slice %arg24[%dma_start3A_272, %dma_start3A_273] : memref<2176x128xf32, #tpu.memory_space<vmem_shared>> -> memref<2176x128xf32, #tpu.memory_space<vmem_shared>>
          tpu.enqueue_indirect_dma source(%dma_start3A_271 : memref<16x128xf32, #tpu.memory_space<vmem>>) target(%dma_start3A_274 : memref<2176x128xf32, #tpu.memory_space<vmem_shared>>) offsets(%arg20 : memref<16xi32, #tpu.memory_space<vmem>>) semaphore(%run_scoped3A_267 : memref<!tpu.dma_semaphore, #tpu.memory_space<semaphore_mem>>) {add = true}
          %dma_wait3A_275 = arith.constant 0 : i32
          %dma_wait3A_276 = arith.constant 0 : i32
          %dma_wait3A_277 = tpu.memref_slice %arg17[%run_scoped3A_254, %dma_wait3A_275, %dma_wait3A_276] : memref<8x16x128xf32, #tpu.memory_space<vmem>> -> memref<1x16x128xf32, #tpu.memory_space<vmem>>
          %dma_wait3A_278 = tpu.memref_squeeze %dma_wait3A_277 : memref<1x16x128xf32, #tpu.memory_space<vmem>> -> memref<16x128xf32, #tpu.memory_space<vmem>>
          %dma_wait3A_279 = arith.constant 0 : i32
          %dma_wait3A_280 = arith.constant 0 : i32
          %dma_wait3A_281 = tpu.memref_slice %arg24[%dma_wait3A_279, %dma_wait3A_280] : memref<2176x128xf32, #tpu.memory_space<vmem_shared>> -> memref<2176x128xf32, #tpu.memory_space<vmem_shared>>
          tpu.wait_indirect_dma semaphore(%run_scoped3A_267 : memref<!tpu.dma_semaphore, #tpu.memory_space<semaphore_mem>>) src(%dma_wait3A_278 : memref<16x128xf32, #tpu.memory_space<vmem>>) dst(%dma_wait3A_281 : memref<2176x128xf32, #tpu.memory_space<vmem_shared>>)
          tpu.yield
        }) : () -> ()
        %add3A_255 = arith.constant 1632 : i32
        %add3A_256 = vector.broadcast %add3A_255 : i32 to vector<16xi32>
        %add3A_257 = arith.addi %select_n3A_191, %add3A_256 : vector<16xi32>
        %swap3A_258 = arith.constant 0 : index
        %swap3A_259 = tpu.vector_load %arg20[%swap3A_258] {strides = array<i32>} : memref<16xi32, #tpu.memory_space<vmem>>, vector<16xi32>,
        tpu.vector_store %arg20[%swap3A_258], %add3A_257 {strides = array<i32>} : memref<16xi32, #tpu.memory_space<vmem>>, vector<16xi32>,
        %run_scoped3A_260 = arith.constant 6 : i32
        "tpu.region"() ({
          %run_scoped3A_267 = tpu.sem_alloc : memref<!tpu.dma_semaphore, #tpu.memory_space<semaphore_mem>>
          %dma_start3A_268 = arith.constant 0 : i32
          %dma_start3A_269 = arith.constant 0 : i32
          %dma_start3A_270 = tpu.memref_slice %arg17[%run_scoped3A_260, %dma_start3A_268, %dma_start3A_269] : memref<8x16x128xf32, #tpu.memory_space<vmem>> -> memref<1x16x128xf32, #tpu.memory_space<vmem>>
          %dma_start3A_271 = tpu.memref_squeeze %dma_start3A_270 : memref<1x16x128xf32, #tpu.memory_space<vmem>> -> memref<16x128xf32, #tpu.memory_space<vmem>>
          %dma_start3A_272 = arith.constant 0 : i32
          %dma_start3A_273 = arith.constant 0 : i32
          %dma_start3A_274 = tpu.memref_slice %arg24[%dma_start3A_272, %dma_start3A_273] : memref<2176x128xf32, #tpu.memory_space<vmem_shared>> -> memref<2176x128xf32, #tpu.memory_space<vmem_shared>>
          tpu.enqueue_indirect_dma source(%dma_start3A_271 : memref<16x128xf32, #tpu.memory_space<vmem>>) target(%dma_start3A_274 : memref<2176x128xf32, #tpu.memory_space<vmem_shared>>) offsets(%arg20 : memref<16xi32, #tpu.memory_space<vmem>>) semaphore(%run_scoped3A_267 : memref<!tpu.dma_semaphore, #tpu.memory_space<semaphore_mem>>) {add = true}
          %dma_wait3A_275 = arith.constant 0 : i32
          %dma_wait3A_276 = arith.constant 0 : i32
          %dma_wait3A_277 = tpu.memref_slice %arg17[%run_scoped3A_260, %dma_wait3A_275, %dma_wait3A_276] : memref<8x16x128xf32, #tpu.memory_space<vmem>> -> memref<1x16x128xf32, #tpu.memory_space<vmem>>
          %dma_wait3A_278 = tpu.memref_squeeze %dma_wait3A_277 : memref<1x16x128xf32, #tpu.memory_space<vmem>> -> memref<16x128xf32, #tpu.memory_space<vmem>>
          %dma_wait3A_279 = arith.constant 0 : i32
          %dma_wait3A_280 = arith.constant 0 : i32
          %dma_wait3A_281 = tpu.memref_slice %arg24[%dma_wait3A_279, %dma_wait3A_280] : memref<2176x128xf32, #tpu.memory_space<vmem_shared>> -> memref<2176x128xf32, #tpu.memory_space<vmem_shared>>
          tpu.wait_indirect_dma semaphore(%run_scoped3A_267 : memref<!tpu.dma_semaphore, #tpu.memory_space<semaphore_mem>>) src(%dma_wait3A_278 : memref<16x128xf32, #tpu.memory_space<vmem>>) dst(%dma_wait3A_281 : memref<2176x128xf32, #tpu.memory_space<vmem_shared>>)
          tpu.yield
        }) : () -> ()
        %add3A_261 = arith.constant 1904 : i32
        %add3A_262 = vector.broadcast %add3A_261 : i32 to vector<16xi32>
        %add3A_263 = arith.addi %select_n3A_191, %add3A_262 : vector<16xi32>
        %swap3A_264 = arith.constant 0 : index
        %swap3A_265 = tpu.vector_load %arg20[%swap3A_264] {strides = array<i32>} : memref<16xi32, #tpu.memory_space<vmem>>, vector<16xi32>,
        tpu.vector_store %arg20[%swap3A_264], %add3A_263 {strides = array<i32>} : memref<16xi32, #tpu.memory_space<vmem>>, vector<16xi32>,
        %run_scoped3A_266 = arith.constant 7 : i32
        "tpu.region"() ({
          %run_scoped3A_267 = tpu.sem_alloc : memref<!tpu.dma_semaphore, #tpu.memory_space<semaphore_mem>>
          %dma_start3A_268 = arith.constant 0 : i32
          %dma_start3A_269 = arith.constant 0 : i32
          %dma_start3A_270 = tpu.memref_slice %arg17[%run_scoped3A_266, %dma_start3A_268, %dma_start3A_269] : memref<8x16x128xf32, #tpu.memory_space<vmem>> -> memref<1x16x128xf32, #tpu.memory_space<vmem>>
          %dma_start3A_271 = tpu.memref_squeeze %dma_start3A_270 : memref<1x16x128xf32, #tpu.memory_space<vmem>> -> memref<16x128xf32, #tpu.memory_space<vmem>>
          %dma_start3A_272 = arith.constant 0 : i32
          %dma_start3A_273 = arith.constant 0 : i32
          %dma_start3A_274 = tpu.memref_slice %arg24[%dma_start3A_272, %dma_start3A_273] : memref<2176x128xf32, #tpu.memory_space<vmem_shared>> -> memref<2176x128xf32, #tpu.memory_space<vmem_shared>>
          tpu.enqueue_indirect_dma source(%dma_start3A_271 : memref<16x128xf32, #tpu.memory_space<vmem>>) target(%dma_start3A_274 : memref<2176x128xf32, #tpu.memory_space<vmem_shared>>) offsets(%arg20 : memref<16xi32, #tpu.memory_space<vmem>>) semaphore(%run_scoped3A_267 : memref<!tpu.dma_semaphore, #tpu.memory_space<semaphore_mem>>) {add = true}
          %dma_wait3A_275 = arith.constant 0 : i32
          %dma_wait3A_276 = arith.constant 0 : i32
          %dma_wait3A_277 = tpu.memref_slice %arg17[%run_scoped3A_266, %dma_wait3A_275, %dma_wait3A_276] : memref<8x16x128xf32, #tpu.memory_space<vmem>> -> memref<1x16x128xf32, #tpu.memory_space<vmem>>
          %dma_wait3A_278 = tpu.memref_squeeze %dma_wait3A_277 : memref<1x16x128xf32, #tpu.memory_space<vmem>> -> memref<16x128xf32, #tpu.memory_space<vmem>>
          %dma_wait3A_279 = arith.constant 0 : i32
          %dma_wait3A_280 = arith.constant 0 : i32
          %dma_wait3A_281 = tpu.memref_slice %arg24[%dma_wait3A_279, %dma_wait3A_280] : memref<2176x128xf32, #tpu.memory_space<vmem_shared>> -> memref<2176x128xf32, #tpu.memory_space<vmem_shared>>
          tpu.wait_indirect_dma semaphore(%run_scoped3A_267 : memref<!tpu.dma_semaphore, #tpu.memory_space<semaphore_mem>>) src(%dma_wait3A_278 : memref<16x128xf32, #tpu.memory_space<vmem>>) dst(%dma_wait3A_281 : memref<2176x128xf32, #tpu.memory_space<vmem_shared>>)
          tpu.yield
        }) : () -> ()
      }
      %barrier3A_110 = arith.constant 0 : index
      tpu.barrier barrier_id(%barrier3A_110)
      %mul3A_111 = arith.constant 16 : i32
      %mul3A_112 = arith.muli %arg1, %mul3A_111 : i32
      %add3A_113 = arith.constant 0 : i32
      %add3A_114 = arith.addi %add3A_113, %mul3A_112 : i32
      %mul3A_115 = arith.constant 16 : i32
      %mul3A_116 = arith.muli %arg1, %mul3A_115 : i32
      %add3A_117 = arith.addi %mul3A_40, %mul3A_116 : i32
      %run_scoped3A = arith.constant 0 : i32
      "tpu.region"() ({
        %run_scoped3A_175 = tpu.sem_alloc : memref<!tpu.dma_semaphore, #tpu.memory_space<semaphore_mem>>
        %dma_start3A = arith.constant 0 : i32
        %dma_start3A_176 = tpu.memref_slice %arg9[%arg0, %run_scoped3A, %add3A_117, %dma_start3A] : memref<2x8x10240x128xf32, #tpu.memory_space<hbm>> -> memref<1x1x16x128xf32, #tpu.memory_space<hbm>>
        %dma_start3A_177 = tpu.memref_squeeze %dma_start3A_176 : memref<1x1x16x128xf32, #tpu.memory_space<hbm>> -> memref<16x128xf32, #tpu.memory_space<hbm>>
        %dma_start3A_178 = arith.constant 0 : i32
        %dma_start3A_179 = tpu.memref_slice %arg24[%add3A_114, %dma_start3A_178] : memref<2176x128xf32, #tpu.memory_space<vmem_shared>> -> memref<16x128xf32, #tpu.memory_space<vmem_shared>>
        tpu.enqueue_dma source(%dma_start3A_179 : memref<16x128xf32, #tpu.memory_space<vmem_shared>>) target(%dma_start3A_177 : memref<16x128xf32, #tpu.memory_space<hbm>>) target_semaphore(%run_scoped3A_175 : memref<!tpu.dma_semaphore, #tpu.memory_space<semaphore_mem>>)
        %dma_wait3A = arith.constant 0 : i32
        %dma_wait3A_180 = tpu.memref_slice %arg9[%arg0, %run_scoped3A, %add3A_117, %dma_wait3A] : memref<2x8x10240x128xf32, #tpu.memory_space<hbm>> -> memref<1x1x16x128xf32, #tpu.memory_space<hbm>>
        %dma_wait3A_181 = tpu.memref_squeeze %dma_wait3A_180 : memref<1x1x16x128xf32, #tpu.memory_space<hbm>> -> memref<16x128xf32, #tpu.memory_space<hbm>>
        %dma_wait3A_182 = arith.constant 0 : i32
        %dma_wait3A_183 = tpu.memref_slice %arg24[%add3A_114, %dma_wait3A_182] : memref<2176x128xf32, #tpu.memory_space<vmem_shared>> -> memref<16x128xf32, #tpu.memory_space<vmem_shared>>
        tpu.wait_dma2 semaphore(%run_scoped3A_175 : memref<!tpu.dma_semaphore, #tpu.memory_space<semaphore_mem>>) src(%dma_wait3A_183 : memref<16x128xf32, #tpu.memory_space<vmem_shared>>) dst(%dma_wait3A_181 : memref<16x128xf32, #tpu.memory_space<hbm>>)
        tpu.yield
      }) : () -> ()
      %mul3A_118 = arith.constant 16 : i32
      %mul3A_119 = arith.muli %arg1, %mul3A_118 : i32
      %add3A_120 = arith.constant 272 : i32
      %add3A_121 = arith.addi %add3A_120, %mul3A_119 : i32
      %mul3A_122 = arith.constant 16 : i32
      %mul3A_123 = arith.muli %arg1, %mul3A_122 : i32
      %add3A_124 = arith.addi %mul3A_40, %mul3A_123 : i32
      %run_scoped3A_125 = arith.constant 1 : i32
      "tpu.region"() ({
        %run_scoped3A_175 = tpu.sem_alloc : memref<!tpu.dma_semaphore, #tpu.memory_space<semaphore_mem>>
        %dma_start3A = arith.constant 0 : i32
        %dma_start3A_176 = tpu.memref_slice %arg9[%arg0, %run_scoped3A_125, %add3A_124, %dma_start3A] : memref<2x8x10240x128xf32, #tpu.memory_space<hbm>> -> memref<1x1x16x128xf32, #tpu.memory_space<hbm>>
        %dma_start3A_177 = tpu.memref_squeeze %dma_start3A_176 : memref<1x1x16x128xf32, #tpu.memory_space<hbm>> -> memref<16x128xf32, #tpu.memory_space<hbm>>
        %dma_start3A_178 = arith.constant 0 : i32
        %dma_start3A_179 = tpu.memref_slice %arg24[%add3A_121, %dma_start3A_178] : memref<2176x128xf32, #tpu.memory_space<vmem_shared>> -> memref<16x128xf32, #tpu.memory_space<vmem_shared>>
        tpu.enqueue_dma source(%dma_start3A_179 : memref<16x128xf32, #tpu.memory_space<vmem_shared>>) target(%dma_start3A_177 : memref<16x128xf32, #tpu.memory_space<hbm>>) target_semaphore(%run_scoped3A_175 : memref<!tpu.dma_semaphore, #tpu.memory_space<semaphore_mem>>)
        %dma_wait3A = arith.constant 0 : i32
        %dma_wait3A_180 = tpu.memref_slice %arg9[%arg0, %run_scoped3A_125, %add3A_124, %dma_wait3A] : memref<2x8x10240x128xf32, #tpu.memory_space<hbm>> -> memref<1x1x16x128xf32, #tpu.memory_space<hbm>>
        %dma_wait3A_181 = tpu.memref_squeeze %dma_wait3A_180 : memref<1x1x16x128xf32, #tpu.memory_space<hbm>> -> memref<16x128xf32, #tpu.memory_space<hbm>>
        %dma_wait3A_182 = arith.constant 0 : i32
        %dma_wait3A_183 = tpu.memref_slice %arg24[%add3A_121, %dma_wait3A_182] : memref<2176x128xf32, #tpu.memory_space<vmem_shared>> -> memref<16x128xf32, #tpu.memory_space<vmem_shared>>
        tpu.wait_dma2 semaphore(%run_scoped3A_175 : memref<!tpu.dma_semaphore, #tpu.memory_space<semaphore_mem>>) src(%dma_wait3A_183 : memref<16x128xf32, #tpu.memory_space<vmem_shared>>) dst(%dma_wait3A_181 : memref<16x128xf32, #tpu.memory_space<hbm>>)
        tpu.yield
      }) : () -> ()
      %mul3A_126 = arith.constant 16 : i32
      %mul3A_127 = arith.muli %arg1, %mul3A_126 : i32
      %add3A_128 = arith.constant 544 : i32
      %add3A_129 = arith.addi %add3A_128, %mul3A_127 : i32
      %mul3A_130 = arith.constant 16 : i32
      %mul3A_131 = arith.muli %arg1, %mul3A_130 : i32
      %add3A_132 = arith.addi %mul3A_40, %mul3A_131 : i32
      %run_scoped3A_133 = arith.constant 2 : i32
      "tpu.region"() ({
        %run_scoped3A_175 = tpu.sem_alloc : memref<!tpu.dma_semaphore, #tpu.memory_space<semaphore_mem>>
        %dma_start3A = arith.constant 0 : i32
        %dma_start3A_176 = tpu.memref_slice %arg9[%arg0, %run_scoped3A_133, %add3A_132, %dma_start3A] : memref<2x8x10240x128xf32, #tpu.memory_space<hbm>> -> memref<1x1x16x128xf32, #tpu.memory_space<hbm>>
        %dma_start3A_177 = tpu.memref_squeeze %dma_start3A_176 : memref<1x1x16x128xf32, #tpu.memory_space<hbm>> -> memref<16x128xf32, #tpu.memory_space<hbm>>
        %dma_start3A_178 = arith.constant 0 : i32
        %dma_start3A_179 = tpu.memref_slice %arg24[%add3A_129, %dma_start3A_178] : memref<2176x128xf32, #tpu.memory_space<vmem_shared>> -> memref<16x128xf32, #tpu.memory_space<vmem_shared>>
        tpu.enqueue_dma source(%dma_start3A_179 : memref<16x128xf32, #tpu.memory_space<vmem_shared>>) target(%dma_start3A_177 : memref<16x128xf32, #tpu.memory_space<hbm>>) target_semaphore(%run_scoped3A_175 : memref<!tpu.dma_semaphore, #tpu.memory_space<semaphore_mem>>)
        %dma_wait3A = arith.constant 0 : i32
        %dma_wait3A_180 = tpu.memref_slice %arg9[%arg0, %run_scoped3A_133, %add3A_132, %dma_wait3A] : memref<2x8x10240x128xf32, #tpu.memory_space<hbm>> -> memref<1x1x16x128xf32, #tpu.memory_space<hbm>>
        %dma_wait3A_181 = tpu.memref_squeeze %dma_wait3A_180 : memref<1x1x16x128xf32, #tpu.memory_space<hbm>> -> memref<16x128xf32, #tpu.memory_space<hbm>>
        %dma_wait3A_182 = arith.constant 0 : i32
        %dma_wait3A_183 = tpu.memref_slice %arg24[%add3A_129, %dma_wait3A_182] : memref<2176x128xf32, #tpu.memory_space<vmem_shared>> -> memref<16x128xf32, #tpu.memory_space<vmem_shared>>
        tpu.wait_dma2 semaphore(%run_scoped3A_175 : memref<!tpu.dma_semaphore, #tpu.memory_space<semaphore_mem>>) src(%dma_wait3A_183 : memref<16x128xf32, #tpu.memory_space<vmem_shared>>) dst(%dma_wait3A_181 : memref<16x128xf32, #tpu.memory_space<hbm>>)
        tpu.yield
      }) : () -> ()
      %mul3A_134 = arith.constant 16 : i32
      %mul3A_135 = arith.muli %arg1, %mul3A_134 : i32
      %add3A_136 = arith.constant 816 : i32
      %add3A_137 = arith.addi %add3A_136, %mul3A_135 : i32
      %mul3A_138 = arith.constant 16 : i32
      %mul3A_139 = arith.muli %arg1, %mul3A_138 : i32
      %add3A_140 = arith.addi %mul3A_40, %mul3A_139 : i32
      %run_scoped3A_141 = arith.constant 3 : i32
      "tpu.region"() ({
        %run_scoped3A_175 = tpu.sem_alloc : memref<!tpu.dma_semaphore, #tpu.memory_space<semaphore_mem>>
        %dma_start3A = arith.constant 0 : i32
        %dma_start3A_176 = tpu.memref_slice %arg9[%arg0, %run_scoped3A_141, %add3A_140, %dma_start3A] : memref<2x8x10240x128xf32, #tpu.memory_space<hbm>> -> memref<1x1x16x128xf32, #tpu.memory_space<hbm>>
        %dma_start3A_177 = tpu.memref_squeeze %dma_start3A_176 : memref<1x1x16x128xf32, #tpu.memory_space<hbm>> -> memref<16x128xf32, #tpu.memory_space<hbm>>
        %dma_start3A_178 = arith.constant 0 : i32
        %dma_start3A_179 = tpu.memref_slice %arg24[%add3A_137, %dma_start3A_178] : memref<2176x128xf32, #tpu.memory_space<vmem_shared>> -> memref<16x128xf32, #tpu.memory_space<vmem_shared>>
        tpu.enqueue_dma source(%dma_start3A_179 : memref<16x128xf32, #tpu.memory_space<vmem_shared>>) target(%dma_start3A_177 : memref<16x128xf32, #tpu.memory_space<hbm>>) target_semaphore(%run_scoped3A_175 : memref<!tpu.dma_semaphore, #tpu.memory_space<semaphore_mem>>)
        %dma_wait3A = arith.constant 0 : i32
        %dma_wait3A_180 = tpu.memref_slice %arg9[%arg0, %run_scoped3A_141, %add3A_140, %dma_wait3A] : memref<2x8x10240x128xf32, #tpu.memory_space<hbm>> -> memref<1x1x16x128xf32, #tpu.memory_space<hbm>>
        %dma_wait3A_181 = tpu.memref_squeeze %dma_wait3A_180 : memref<1x1x16x128xf32, #tpu.memory_space<hbm>> -> memref<16x128xf32, #tpu.memory_space<hbm>>
        %dma_wait3A_182 = arith.constant 0 : i32
        %dma_wait3A_183 = tpu.memref_slice %arg24[%add3A_137, %dma_wait3A_182] : memref<2176x128xf32, #tpu.memory_space<vmem_shared>> -> memref<16x128xf32, #tpu.memory_space<vmem_shared>>
        tpu.wait_dma2 semaphore(%run_scoped3A_175 : memref<!tpu.dma_semaphore, #tpu.memory_space<semaphore_mem>>) src(%dma_wait3A_183 : memref<16x128xf32, #tpu.memory_space<vmem_shared>>) dst(%dma_wait3A_181 : memref<16x128xf32, #tpu.memory_space<hbm>>)
        tpu.yield
      }) : () -> ()
      %mul3A_142 = arith.constant 16 : i32
      %mul3A_143 = arith.muli %arg1, %mul3A_142 : i32
      %add3A_144 = arith.constant 1088 : i32
      %add3A_145 = arith.addi %add3A_144, %mul3A_143 : i32
      %mul3A_146 = arith.constant 16 : i32
      %mul3A_147 = arith.muli %arg1, %mul3A_146 : i32
      %add3A_148 = arith.addi %mul3A_40, %mul3A_147 : i32
      %run_scoped3A_149 = arith.constant 4 : i32
      "tpu.region"() ({
        %run_scoped3A_175 = tpu.sem_alloc : memref<!tpu.dma_semaphore, #tpu.memory_space<semaphore_mem>>
        %dma_start3A = arith.constant 0 : i32
        %dma_start3A_176 = tpu.memref_slice %arg9[%arg0, %run_scoped3A_149, %add3A_148, %dma_start3A] : memref<2x8x10240x128xf32, #tpu.memory_space<hbm>> -> memref<1x1x16x128xf32, #tpu.memory_space<hbm>>
        %dma_start3A_177 = tpu.memref_squeeze %dma_start3A_176 : memref<1x1x16x128xf32, #tpu.memory_space<hbm>> -> memref<16x128xf32, #tpu.memory_space<hbm>>
        %dma_start3A_178 = arith.constant 0 : i32
        %dma_start3A_179 = tpu.memref_slice %arg24[%add3A_145, %dma_start3A_178] : memref<2176x128xf32, #tpu.memory_space<vmem_shared>> -> memref<16x128xf32, #tpu.memory_space<vmem_shared>>
        tpu.enqueue_dma source(%dma_start3A_179 : memref<16x128xf32, #tpu.memory_space<vmem_shared>>) target(%dma_start3A_177 : memref<16x128xf32, #tpu.memory_space<hbm>>) target_semaphore(%run_scoped3A_175 : memref<!tpu.dma_semaphore, #tpu.memory_space<semaphore_mem>>)
        %dma_wait3A = arith.constant 0 : i32
        %dma_wait3A_180 = tpu.memref_slice %arg9[%arg0, %run_scoped3A_149, %add3A_148, %dma_wait3A] : memref<2x8x10240x128xf32, #tpu.memory_space<hbm>> -> memref<1x1x16x128xf32, #tpu.memory_space<hbm>>
        %dma_wait3A_181 = tpu.memref_squeeze %dma_wait3A_180 : memref<1x1x16x128xf32, #tpu.memory_space<hbm>> -> memref<16x128xf32, #tpu.memory_space<hbm>>
        %dma_wait3A_182 = arith.constant 0 : i32
        %dma_wait3A_183 = tpu.memref_slice %arg24[%add3A_145, %dma_wait3A_182] : memref<2176x128xf32, #tpu.memory_space<vmem_shared>> -> memref<16x128xf32, #tpu.memory_space<vmem_shared>>
        tpu.wait_dma2 semaphore(%run_scoped3A_175 : memref<!tpu.dma_semaphore, #tpu.memory_space<semaphore_mem>>) src(%dma_wait3A_183 : memref<16x128xf32, #tpu.memory_space<vmem_shared>>) dst(%dma_wait3A_181 : memref<16x128xf32, #tpu.memory_space<hbm>>)
        tpu.yield
      }) : () -> ()
      %mul3A_150 = arith.constant 16 : i32
      %mul3A_151 = arith.muli %arg1, %mul3A_150 : i32
      %add3A_152 = arith.constant 1360 : i32
      %add3A_153 = arith.addi %add3A_152, %mul3A_151 : i32
      %mul3A_154 = arith.constant 16 : i32
      %mul3A_155 = arith.muli %arg1, %mul3A_154 : i32
      %add3A_156 = arith.addi %mul3A_40, %mul3A_155 : i32
      %run_scoped3A_157 = arith.constant 5 : i32
      "tpu.region"() ({
        %run_scoped3A_175 = tpu.sem_alloc : memref<!tpu.dma_semaphore, #tpu.memory_space<semaphore_mem>>
        %dma_start3A = arith.constant 0 : i32
        %dma_start3A_176 = tpu.memref_slice %arg9[%arg0, %run_scoped3A_157, %add3A_156, %dma_start3A] : memref<2x8x10240x128xf32, #tpu.memory_space<hbm>> -> memref<1x1x16x128xf32, #tpu.memory_space<hbm>>
        %dma_start3A_177 = tpu.memref_squeeze %dma_start3A_176 : memref<1x1x16x128xf32, #tpu.memory_space<hbm>> -> memref<16x128xf32, #tpu.memory_space<hbm>>
        %dma_start3A_178 = arith.constant 0 : i32
        %dma_start3A_179 = tpu.memref_slice %arg24[%add3A_153, %dma_start3A_178] : memref<2176x128xf32, #tpu.memory_space<vmem_shared>> -> memref<16x128xf32, #tpu.memory_space<vmem_shared>>
        tpu.enqueue_dma source(%dma_start3A_179 : memref<16x128xf32, #tpu.memory_space<vmem_shared>>) target(%dma_start3A_177 : memref<16x128xf32, #tpu.memory_space<hbm>>) target_semaphore(%run_scoped3A_175 : memref<!tpu.dma_semaphore, #tpu.memory_space<semaphore_mem>>)
        %dma_wait3A = arith.constant 0 : i32
        %dma_wait3A_180 = tpu.memref_slice %arg9[%arg0, %run_scoped3A_157, %add3A_156, %dma_wait3A] : memref<2x8x10240x128xf32, #tpu.memory_space<hbm>> -> memref<1x1x16x128xf32, #tpu.memory_space<hbm>>
        %dma_wait3A_181 = tpu.memref_squeeze %dma_wait3A_180 : memref<1x1x16x128xf32, #tpu.memory_space<hbm>> -> memref<16x128xf32, #tpu.memory_space<hbm>>
        %dma_wait3A_182 = arith.constant 0 : i32
        %dma_wait3A_183 = tpu.memref_slice %arg24[%add3A_153, %dma_wait3A_182] : memref<2176x128xf32, #tpu.memory_space<vmem_shared>> -> memref<16x128xf32, #tpu.memory_space<vmem_shared>>
        tpu.wait_dma2 semaphore(%run_scoped3A_175 : memref<!tpu.dma_semaphore, #tpu.memory_space<semaphore_mem>>) src(%dma_wait3A_183 : memref<16x128xf32, #tpu.memory_space<vmem_shared>>) dst(%dma_wait3A_181 : memref<16x128xf32, #tpu.memory_space<hbm>>)
        tpu.yield
      }) : () -> ()
      %mul3A_158 = arith.constant 16 : i32
      %mul3A_159 = arith.muli %arg1, %mul3A_158 : i32
      %add3A_160 = arith.constant 1632 : i32
      %add3A_161 = arith.addi %add3A_160, %mul3A_159 : i32
      %mul3A_162 = arith.constant 16 : i32
      %mul3A_163 = arith.muli %arg1, %mul3A_162 : i32
      %add3A_164 = arith.addi %mul3A_40, %mul3A_163 : i32
      %run_scoped3A_165 = arith.constant 6 : i32
      "tpu.region"() ({
        %run_scoped3A_175 = tpu.sem_alloc : memref<!tpu.dma_semaphore, #tpu.memory_space<semaphore_mem>>
        %dma_start3A = arith.constant 0 : i32
        %dma_start3A_176 = tpu.memref_slice %arg9[%arg0, %run_scoped3A_165, %add3A_164, %dma_start3A] : memref<2x8x10240x128xf32, #tpu.memory_space<hbm>> -> memref<1x1x16x128xf32, #tpu.memory_space<hbm>>
        %dma_start3A_177 = tpu.memref_squeeze %dma_start3A_176 : memref<1x1x16x128xf32, #tpu.memory_space<hbm>> -> memref<16x128xf32, #tpu.memory_space<hbm>>
        %dma_start3A_178 = arith.constant 0 : i32
        %dma_start3A_179 = tpu.memref_slice %arg24[%add3A_161, %dma_start3A_178] : memref<2176x128xf32, #tpu.memory_space<vmem_shared>> -> memref<16x128xf32, #tpu.memory_space<vmem_shared>>
        tpu.enqueue_dma source(%dma_start3A_179 : memref<16x128xf32, #tpu.memory_space<vmem_shared>>) target(%dma_start3A_177 : memref<16x128xf32, #tpu.memory_space<hbm>>) target_semaphore(%run_scoped3A_175 : memref<!tpu.dma_semaphore, #tpu.memory_space<semaphore_mem>>)
        %dma_wait3A = arith.constant 0 : i32
        %dma_wait3A_180 = tpu.memref_slice %arg9[%arg0, %run_scoped3A_165, %add3A_164, %dma_wait3A] : memref<2x8x10240x128xf32, #tpu.memory_space<hbm>> -> memref<1x1x16x128xf32, #tpu.memory_space<hbm>>
        %dma_wait3A_181 = tpu.memref_squeeze %dma_wait3A_180 : memref<1x1x16x128xf32, #tpu.memory_space<hbm>> -> memref<16x128xf32, #tpu.memory_space<hbm>>
        %dma_wait3A_182 = arith.constant 0 : i32
        %dma_wait3A_183 = tpu.memref_slice %arg24[%add3A_161, %dma_wait3A_182] : memref<2176x128xf32, #tpu.memory_space<vmem_shared>> -> memref<16x128xf32, #tpu.memory_space<vmem_shared>>
        tpu.wait_dma2 semaphore(%run_scoped3A_175 : memref<!tpu.dma_semaphore, #tpu.memory_space<semaphore_mem>>) src(%dma_wait3A_183 : memref<16x128xf32, #tpu.memory_space<vmem_shared>>) dst(%dma_wait3A_181 : memref<16x128xf32, #tpu.memory_space<hbm>>)
        tpu.yield
      }) : () -> ()
      %mul3A_166 = arith.constant 16 : i32
      %mul3A_167 = arith.muli %arg1, %mul3A_166 : i32
      %add3A_168 = arith.constant 1904 : i32
      %add3A_169 = arith.addi %add3A_168, %mul3A_167 : i32
      %mul3A_170 = arith.constant 16 : i32
      %mul3A_171 = arith.muli %arg1, %mul3A_170 : i32
      %add3A_172 = arith.addi %mul3A_40, %mul3A_171 : i32
      %run_scoped3A_173 = arith.constant 7 : i32
      "tpu.region"() ({
        %run_scoped3A_175 = tpu.sem_alloc : memref<!tpu.dma_semaphore, #tpu.memory_space<semaphore_mem>>
        %dma_start3A = arith.constant 0 : i32
        %dma_start3A_176 = tpu.memref_slice %arg9[%arg0, %run_scoped3A_173, %add3A_172, %dma_start3A] : memref<2x8x10240x128xf32, #tpu.memory_space<hbm>> -> memref<1x1x16x128xf32, #tpu.memory_space<hbm>>
        %dma_start3A_177 = tpu.memref_squeeze %dma_start3A_176 : memref<1x1x16x128xf32, #tpu.memory_space<hbm>> -> memref<16x128xf32, #tpu.memory_space<hbm>>
        %dma_start3A_178 = arith.constant 0 : i32
        %dma_start3A_179 = tpu.memref_slice %arg24[%add3A_169, %dma_start3A_178] : memref<2176x128xf32, #tpu.memory_space<vmem_shared>> -> memref<16x128xf32, #tpu.memory_space<vmem_shared>>
        tpu.enqueue_dma source(%dma_start3A_179 : memref<16x128xf32, #tpu.memory_space<vmem_shared>>) target(%dma_start3A_177 : memref<16x128xf32, #tpu.memory_space<hbm>>) target_semaphore(%run_scoped3A_175 : memref<!tpu.dma_semaphore, #tpu.memory_space<semaphore_mem>>)
        %dma_wait3A = arith.constant 0 : i32
        %dma_wait3A_180 = tpu.memref_slice %arg9[%arg0, %run_scoped3A_173, %add3A_172, %dma_wait3A] : memref<2x8x10240x128xf32, #tpu.memory_space<hbm>> -> memref<1x1x16x128xf32, #tpu.memory_space<hbm>>
        %dma_wait3A_181 = tpu.memref_squeeze %dma_wait3A_180 : memref<1x1x16x128xf32, #tpu.memory_space<hbm>> -> memref<16x128xf32, #tpu.memory_space<hbm>>
        %dma_wait3A_182 = arith.constant 0 : i32
        %dma_wait3A_183 = tpu.memref_slice %arg24[%add3A_169, %dma_wait3A_182] : memref<2176x128xf32, #tpu.memory_space<vmem_shared>> -> memref<16x128xf32, #tpu.memory_space<vmem_shared>>
        tpu.wait_dma2 semaphore(%run_scoped3A_175 : memref<!tpu.dma_semaphore, #tpu.memory_space<semaphore_mem>>) src(%dma_wait3A_183 : memref<16x128xf32, #tpu.memory_space<vmem_shared>>) dst(%dma_wait3A_181 : memref<16x128xf32, #tpu.memory_space<hbm>>)
        tpu.yield
      }) : () -> ()
      %barrier3A_174 = arith.constant 0 : index
      tpu.barrier barrier_id(%barrier3A_174)
    }
    %scan3A_37 = arith.constant 40 : i32
    return
  }
}

module attributes {stable_mosaic.version = 14 : i64} {
  func.func @_mm1_body(%arg0: i32, %arg1: i32, %arg2: memref<256x256xf32, #tpu.memory_space<vmem>>, %arg3: memref<256x256xf32, #tpu.memory_space<vmem>>, %arg4: memref<256xf32, #tpu.memory_space<vmem>>, %arg5: memref<1x256x256xf32, #tpu.memory_space<vmem>>) attributes {dimension_semantics = [#tpu.dimension_semantics<arbitrary>, #tpu.dimension_semantics<arbitrary>], iteration_bounds = array<i64: 40, 8>, scalar_prefetch = 0 : i64, scratch_operands = 0 : i64, tpu.core_type = #tpu.core_type<tc>, window_params = [{transform_indices = @transform_0, window_bounds = array<i64: 256, 256>}, {transform_indices = @transform_1, window_bounds = array<i64: 256, 256>}, {transform_indices = @transform_2, window_bounds = array<i64: 256>}, {transform_indices = @transform_3, window_bounds = array<i64: 1, 256, 256>}]} {
    %get3A = arith.constant 0 : index
    %get3A_0 = arith.constant 0 : index
    %get3A_1 = vector.load %arg2[%get3A, %get3A_0] : memref<256x256xf32, #tpu.memory_space<vmem>>, vector<256x256xf32>
    %get3A_2 = arith.constant 0 : index
    %get3A_3 = arith.constant 0 : index
    %get3A_4 = vector.load %arg3[%get3A_2, %get3A_3] : memref<256x256xf32, #tpu.memory_space<vmem>>, vector<256x256xf32>
    %dot_general3A = arith.constant dense<0.000000e+00> : vector<256x256xf32>
    %dot_general3A_5 = tpu.matmul %get3A_1, %get3A_4, %dot_general3A {dimension_numbers = #tpu.dot_dimension_numbers<[1], [0], [0], [1], [0, 0, 1, 1], [], []>, transpose_lhs_hint = false} : vector<256x256xf32>, vector<256x256xf32>, vector<256x256xf32> -> vector<256x256xf32>
    %get3A_6 = arith.constant 0 : index
    %get3A_7 = vector.load %arg4[%get3A_6] : memref<256xf32, #tpu.memory_space<vmem>>, vector<256xf32>
    %broadcast_in_dim3A = vector.shape_cast %get3A_7 : vector<256xf32> to vector<1x256xf32>
    %add3A = vector.broadcast %broadcast_in_dim3A : vector<1x256xf32> to vector<256x256xf32>
    %add3A_8 = arith.addf %dot_general3A_5, %add3A : vector<256x256xf32>
    %broadcast_in_dim3A_9 = vector.shape_cast %add3A_8 : vector<256x256xf32> to vector<1x256x256xf32>
    %swap3A = arith.constant 0 : index
    %swap3A_10 = arith.constant 0 : index
    %swap3A_11 = arith.constant 0 : index
    %swap3A_12 = vector.load %arg5[%swap3A, %swap3A_10, %swap3A_11] : memref<1x256x256xf32, #tpu.memory_space<vmem>>, vector<1x256x256xf32>
    tpu.vector_store %arg5[%swap3A, %swap3A_10, %swap3A_11], %broadcast_in_dim3A_9 {strides = array<i32>} : memref<1x256x256xf32, #tpu.memory_space<vmem>>, vector<1x256x256xf32>,
    return
  }
  func.func @transform_0(%arg0: i32, %arg1: i32) -> (i32, i32) {
    %c0_i32 = arith.constant 0 : i32
    %c0_i32_0 = arith.constant 0 : i32
    return %arg0, %c0_i32 : i32, i32
  }
  func.func @transform_1(%arg0: i32, %arg1: i32) -> (i32, i32) {
    %c0_i32 = arith.constant 0 : i32
    %c0_i32_0 = arith.constant 0 : i32
    return %c0_i32, %arg1 : i32, i32
  }
  func.func @transform_2(%arg0: i32, %arg1: i32) -> i32 {
    %c0_i32 = arith.constant 0 : i32
    return %arg1 : i32
  }
  func.func @transform_3(%arg0: i32, %arg1: i32) -> (i32, i32, i32) {
    %jit3A = arith.constant 4 : i32
    %div3A = arith.divsi %arg1, %jit3A : i32
    %sign3A = arith.constant 0 : i32
    %sign3A_0 = arith.cmpi sgt, %arg1, %sign3A : i32
    %sign3A_1 = arith.extui %sign3A_0 : i1 to i32
    %sign3A_2 = arith.constant 0 : i32
    %sign3A_3 = arith.cmpi slt, %arg1, %sign3A_2 : i32
    %sign3A_4 = arith.extui %sign3A_3 : i1 to i32
    %sign3A_5 = arith.subi %sign3A_1, %sign3A_4 : i32
    %sign3A_6 = arith.constant 0 : i32
    %sign3A_7 = arith.cmpi sgt, %jit3A, %sign3A_6 : i32
    %sign3A_8 = arith.extui %sign3A_7 : i1 to i32
    %sign3A_9 = arith.constant 0 : i32
    %sign3A_10 = arith.cmpi slt, %jit3A, %sign3A_9 : i32
    %sign3A_11 = arith.extui %sign3A_10 : i1 to i32
    %sign3A_12 = arith.subi %sign3A_8, %sign3A_11 : i32
    %ne3A = arith.cmpi ne, %sign3A_5, %sign3A_12 : i32
    %rem3A = arith.remsi %arg1, %jit3A : i32
    %ne3A_13 = arith.constant 0 : i32
    %ne3A_14 = arith.cmpi ne, %rem3A, %ne3A_13 : i32
    %and3A = arith.andi %ne3A, %ne3A_14 : i1
    %sub3A = arith.constant 1 : i32
    %sub3A_15 = arith.subi %div3A, %sub3A : i32
    %select_n3A = arith.select %and3A, %sub3A_15, %div3A : i32
    %jit3A_16 = arith.constant 4 : i32
    %eq3A = arith.constant 0 : i32
    %eq3A_17 = arith.cmpi eq, %jit3A_16, %eq3A : i32
    %jit3A_18 = arith.constant 1 : i32
    %select_n3A_19 = arith.select %eq3A_17, %jit3A_18, %jit3A_16 : i32
    %rem3A_20 = arith.remsi %arg1, %select_n3A_19 : i32
    %ne3A_21 = arith.constant 0 : i32
    %ne3A_22 = arith.cmpi ne, %rem3A_20, %ne3A_21 : i32
    %lt3A = arith.constant 0 : i32
    %lt3A_23 = arith.cmpi slt, %rem3A_20, %lt3A : i32
    %lt3A_24 = arith.constant 0 : i32
    %lt3A_25 = arith.cmpi slt, %select_n3A_19, %lt3A_24 : i32
    %ne3A_26 = arith.xori %lt3A_23, %lt3A_25 : i1
    %and3A_27 = arith.andi %ne3A_26, %ne3A_22 : i1
    %add3A = arith.addi %rem3A_20, %select_n3A_19 : i32
    %select_n3A_28 = arith.select %and3A_27, %add3A, %rem3A_20 : i32
    %c0_i32 = arith.constant 0 : i32
    return %select_n3A, %arg0, %select_n3A_28 : i32, i32, i32
  }
}

module attributes {stable_mosaic.version = 14 : i64} {
  func.func @_tc2_body(%arg0: i32, %arg1: memref<2x8x256x128xf32, #tpu.memory_space<vmem>>, %arg2: memref<2x256x16xf32, #tpu.memory_space<vmem>>, %arg3: memref<256x256xf32, #tpu.memory_space<vmem>>, %arg4: memref<256x1024xf32, #tpu.memory_space<vmem>>, %arg5: memref<1024xf32, #tpu.memory_space<vmem>>, %arg6: memref<1024x256xf32, #tpu.memory_space<vmem>>, %arg7: memref<256xf32, #tpu.memory_space<vmem>>, %arg8: memref<256x256xf32, #tpu.memory_space<vmem>>) attributes {dimension_semantics = [#tpu.dimension_semantics<arbitrary>], iteration_bounds = array<i64: 40>, scalar_prefetch = 0 : i64, scratch_operands = 0 : i64, tpu.core_type = #tpu.core_type<tc>, window_params = [{transform_indices = @transform_0, window_bounds = array<i64: 2, 8, 256, 128>}, {transform_indices = @transform_1, window_bounds = array<i64: 2, 256, 16>}, {transform_indices = @transform_2, window_bounds = array<i64: 256, 256>}, {pipeline_mode = #tpu.pipeline_mode<synchronous>, transform_indices = @transform_3, window_bounds = array<i64: 256, 1024>}, {pipeline_mode = #tpu.pipeline_mode<synchronous>, transform_indices = @transform_4, window_bounds = array<i64: 1024>}, {pipeline_mode = #tpu.pipeline_mode<synchronous>, transform_indices = @transform_5, window_bounds = array<i64: 1024, 256>}, {pipeline_mode = #tpu.pipeline_mode<synchronous>, transform_indices = @transform_6, window_bounds = array<i64: 256>}, {transform_indices = @transform_7, window_bounds = array<i64: 256, 256>}]} {
    %get3A = arith.constant 0 : index
    %get3A_0 = arith.constant 0 : index
    %get3A_1 = arith.constant 0 : index
    %get3A_2 = arith.constant 0 : index
    %get3A_3 = vector.load %arg1[%get3A, %get3A_0, %get3A_1, %get3A_2] : memref<2x8x256x128xf32, #tpu.memory_space<vmem>>, vector<1x1x256x128xf32>
    %get3A_4 = vector.shape_cast %get3A_3 : vector<1x1x256x128xf32> to vector<256x128xf32>
    %get3A_5 = arith.constant 1 : index
    %get3A_6 = arith.constant 0 : index
    %get3A_7 = arith.constant 0 : index
    %get3A_8 = arith.constant 0 : index
    %get3A_9 = vector.load %arg1[%get3A_5, %get3A_6, %get3A_7, %get3A_8] : memref<2x8x256x128xf32, #tpu.memory_space<vmem>>, vector<1x1x256x128xf32>
    %get3A_10 = vector.shape_cast %get3A_9 : vector<1x1x256x128xf32> to vector<256x128xf32>
    %add3A = arith.addf %get3A_4, %get3A_10 : vector<256x128xf32>
    %get3A_11 = arith.constant 0 : index
    %get3A_12 = arith.constant 1 : index
    %get3A_13 = arith.constant 0 : index
    %get3A_14 = arith.constant 0 : index
    %get3A_15 = vector.load %arg1[%get3A_11, %get3A_12, %get3A_13, %get3A_14] : memref<2x8x256x128xf32, #tpu.memory_space<vmem>>, vector<1x1x256x128xf32>
    %get3A_16 = vector.shape_cast %get3A_15 : vector<1x1x256x128xf32> to vector<256x128xf32>
    %get3A_17 = arith.constant 1 : index
    %get3A_18 = arith.constant 1 : index
    %get3A_19 = arith.constant 0 : index
    %get3A_20 = arith.constant 0 : index
    %get3A_21 = vector.load %arg1[%get3A_17, %get3A_18, %get3A_19, %get3A_20] : memref<2x8x256x128xf32, #tpu.memory_space<vmem>>, vector<1x1x256x128xf32>
    %get3A_22 = vector.shape_cast %get3A_21 : vector<1x1x256x128xf32> to vector<256x128xf32>
    %add3A_23 = arith.addf %get3A_16, %get3A_22 : vector<256x128xf32>
    %get3A_24 = arith.constant 0 : index
    %get3A_25 = arith.constant 2 : index
    %get3A_26 = arith.constant 0 : index
    %get3A_27 = arith.constant 0 : index
    %get3A_28 = vector.load %arg1[%get3A_24, %get3A_25, %get3A_26, %get3A_27] : memref<2x8x256x128xf32, #tpu.memory_space<vmem>>, vector<1x1x256x128xf32>
    %get3A_29 = vector.shape_cast %get3A_28 : vector<1x1x256x128xf32> to vector<256x128xf32>
    %get3A_30 = arith.constant 1 : index
    %get3A_31 = arith.constant 2 : index
    %get3A_32 = arith.constant 0 : index
    %get3A_33 = arith.constant 0 : index
    %get3A_34 = vector.load %arg1[%get3A_30, %get3A_31, %get3A_32, %get3A_33] : memref<2x8x256x128xf32, #tpu.memory_space<vmem>>, vector<1x1x256x128xf32>
    %get3A_35 = vector.shape_cast %get3A_34 : vector<1x1x256x128xf32> to vector<256x128xf32>
    %add3A_36 = arith.addf %get3A_29, %get3A_35 : vector<256x128xf32>
    %get3A_37 = arith.constant 0 : index
    %get3A_38 = arith.constant 3 : index
    %get3A_39 = arith.constant 0 : index
    %get3A_40 = arith.constant 0 : index
    %get3A_41 = vector.load %arg1[%get3A_37, %get3A_38, %get3A_39, %get3A_40] : memref<2x8x256x128xf32, #tpu.memory_space<vmem>>, vector<1x1x256x128xf32>
    %get3A_42 = vector.shape_cast %get3A_41 : vector<1x1x256x128xf32> to vector<256x128xf32>
    %get3A_43 = arith.constant 1 : index
    %get3A_44 = arith.constant 3 : index
    %get3A_45 = arith.constant 0 : index
    %get3A_46 = arith.constant 0 : index
    %get3A_47 = vector.load %arg1[%get3A_43, %get3A_44, %get3A_45, %get3A_46] : memref<2x8x256x128xf32, #tpu.memory_space<vmem>>, vector<1x1x256x128xf32>
    %get3A_48 = vector.shape_cast %get3A_47 : vector<1x1x256x128xf32> to vector<256x128xf32>
    %add3A_49 = arith.addf %get3A_42, %get3A_48 : vector<256x128xf32>
    %get3A_50 = arith.constant 0 : index
    %get3A_51 = arith.constant 4 : index
    %get3A_52 = arith.constant 0 : index
    %get3A_53 = arith.constant 0 : index
    %get3A_54 = vector.load %arg1[%get3A_50, %get3A_51, %get3A_52, %get3A_53] : memref<2x8x256x128xf32, #tpu.memory_space<vmem>>, vector<1x1x256x128xf32>
    %get3A_55 = vector.shape_cast %get3A_54 : vector<1x1x256x128xf32> to vector<256x128xf32>
    %get3A_56 = arith.constant 1 : index
    %get3A_57 = arith.constant 4 : index
    %get3A_58 = arith.constant 0 : index
    %get3A_59 = arith.constant 0 : index
    %get3A_60 = vector.load %arg1[%get3A_56, %get3A_57, %get3A_58, %get3A_59] : memref<2x8x256x128xf32, #tpu.memory_space<vmem>>, vector<1x1x256x128xf32>
    %get3A_61 = vector.shape_cast %get3A_60 : vector<1x1x256x128xf32> to vector<256x128xf32>
    %add3A_62 = arith.addf %get3A_55, %get3A_61 : vector<256x128xf32>
    %get3A_63 = arith.constant 0 : index
    %get3A_64 = arith.constant 5 : index
    %get3A_65 = arith.constant 0 : index
    %get3A_66 = arith.constant 0 : index
    %get3A_67 = vector.load %arg1[%get3A_63, %get3A_64, %get3A_65, %get3A_66] : memref<2x8x256x128xf32, #tpu.memory_space<vmem>>, vector<1x1x256x128xf32>
    %get3A_68 = vector.shape_cast %get3A_67 : vector<1x1x256x128xf32> to vector<256x128xf32>
    %get3A_69 = arith.constant 1 : index
    %get3A_70 = arith.constant 5 : index
    %get3A_71 = arith.constant 0 : index
    %get3A_72 = arith.constant 0 : index
    %get3A_73 = vector.load %arg1[%get3A_69, %get3A_70, %get3A_71, %get3A_72] : memref<2x8x256x128xf32, #tpu.memory_space<vmem>>, vector<1x1x256x128xf32>
    %get3A_74 = vector.shape_cast %get3A_73 : vector<1x1x256x128xf32> to vector<256x128xf32>
    %add3A_75 = arith.addf %get3A_68, %get3A_74 : vector<256x128xf32>
    %get3A_76 = arith.constant 0 : index
    %get3A_77 = arith.constant 6 : index
    %get3A_78 = arith.constant 0 : index
    %get3A_79 = arith.constant 0 : index
    %get3A_80 = vector.load %arg1[%get3A_76, %get3A_77, %get3A_78, %get3A_79] : memref<2x8x256x128xf32, #tpu.memory_space<vmem>>, vector<1x1x256x128xf32>
    %get3A_81 = vector.shape_cast %get3A_80 : vector<1x1x256x128xf32> to vector<256x128xf32>
    %get3A_82 = arith.constant 1 : index
    %get3A_83 = arith.constant 6 : index
    %get3A_84 = arith.constant 0 : index
    %get3A_85 = arith.constant 0 : index
    %get3A_86 = vector.load %arg1[%get3A_82, %get3A_83, %get3A_84, %get3A_85] : memref<2x8x256x128xf32, #tpu.memory_space<vmem>>, vector<1x1x256x128xf32>
    %get3A_87 = vector.shape_cast %get3A_86 : vector<1x1x256x128xf32> to vector<256x128xf32>
    %add3A_88 = arith.addf %get3A_81, %get3A_87 : vector<256x128xf32>
    %get3A_89 = arith.constant 0 : index
    %get3A_90 = arith.constant 7 : index
    %get3A_91 = arith.constant 0 : index
    %get3A_92 = arith.constant 0 : index
    %get3A_93 = vector.load %arg1[%get3A_89, %get3A_90, %get3A_91, %get3A_92] : memref<2x8x256x128xf32, #tpu.memory_space<vmem>>, vector<1x1x256x128xf32>
    %get3A_94 = vector.shape_cast %get3A_93 : vector<1x1x256x128xf32> to vector<256x128xf32>
    %get3A_95 = arith.constant 1 : index
    %get3A_96 = arith.constant 7 : index
    %get3A_97 = arith.constant 0 : index
    %get3A_98 = arith.constant 0 : index
    %get3A_99 = vector.load %arg1[%get3A_95, %get3A_96, %get3A_97, %get3A_98] : memref<2x8x256x128xf32, #tpu.memory_space<vmem>>, vector<1x1x256x128xf32>
    %get3A_100 = vector.shape_cast %get3A_99 : vector<1x1x256x128xf32> to vector<256x128xf32>
    %add3A_101 = arith.addf %get3A_94, %get3A_100 : vector<256x128xf32>
    %concatenate3A = tpu.concatenate %add3A, %add3A_23, %add3A_36, %add3A_49, %add3A_62, %add3A_75, %add3A_88, %add3A_101 in 1 : vector<256x128xf32>, vector<256x128xf32>, vector<256x128xf32>, vector<256x128xf32>, vector<256x128xf32>, vector<256x128xf32>, vector<256x128xf32>, vector<256x128xf32> -> vector<256x1024xf32>
    %get3A_102 = arith.constant 0 : index
    %get3A_103 = arith.constant 0 : index
    %get3A_104 = arith.constant 0 : index
    %get3A_105 = vector.load %arg2[%get3A_102, %get3A_103, %get3A_104] : memref<2x256x16xf32, #tpu.memory_space<vmem>>, vector<1x256x4xf32>
    %get3A_106 = vector.shape_cast %get3A_105 : vector<1x256x4xf32> to vector<256x4xf32>
    %get3A_107 = arith.constant 1 : index
    %get3A_108 = arith.constant 0 : index
    %get3A_109 = arith.constant 0 : index
    %get3A_110 = vector.load %arg2[%get3A_107, %get3A_108, %get3A_109] : memref<2x256x16xf32, #tpu.memory_space<vmem>>, vector<1x256x4xf32>
    %get3A_111 = vector.shape_cast %get3A_110 : vector<1x256x4xf32> to vector<256x4xf32>
    %add3A_112 = arith.addf %get3A_106, %get3A_111 : vector<256x4xf32>
    %add3A_113 = arith.constant 9.99999971E-10 : f32
    %add3A_114 = vector.broadcast %add3A_113 : f32 to vector<256x4xf32>
    %add3A_115 = arith.addf %add3A_112, %add3A_114 : vector<256x4xf32>
    %div3A = arith.constant 1.000000e+00 : f32
    %div3A_116 = vector.broadcast %div3A : f32 to vector<256x4xf32>
    %div3A_117 = arith.divf %div3A_116, %add3A_115 : vector<256x4xf32>
    %get3A_118 = arith.constant 0 : index
    %get3A_119 = arith.constant 0 : index
    %get3A_120 = vector.load %arg3[%get3A_118, %get3A_119] : memref<256x256xf32, #tpu.memory_space<vmem>>, vector<256x256xf32>
    %get3A_121 = arith.constant 0 : index
    %get3A_122 = arith.constant 0 : index
    %get3A_123 = vector.load %arg4[%get3A_121, %get3A_122] : memref<256x1024xf32, #tpu.memory_space<vmem>>, vector<256x1024xf32>
    %dot_general3A = arith.constant dense<0.000000e+00> : vector<256x1024xf32>
    %dot_general3A_124 = tpu.matmul %get3A_120, %get3A_123, %dot_general3A {dimension_numbers = #tpu.dot_dimension_numbers<[1], [0], [0], [1], [0, 0, 1, 1], [], []>, transpose_lhs_hint = false} : vector<256x256xf32>, vector<256x1024xf32>, vector<256x1024xf32> -> vector<256x1024xf32>
    %get3A_125 = arith.constant 0 : index
    %get3A_126 = vector.load %arg5[%get3A_125] : memref<1024xf32, #tpu.memory_space<vmem>>, vector<1024xf32>
    %broadcast_in_dim3A = vector.shape_cast %get3A_126 : vector<1024xf32> to vector<1x1024xf32>
    %add3A_127 = vector.broadcast %broadcast_in_dim3A : vector<1x1024xf32> to vector<256x1024xf32>
    %add3A_128 = arith.addf %dot_general3A_124, %add3A_127 : vector<256x1024xf32>
    %slice3A = vector.extract_strided_slice %concatenate3A {offsets = [0, 0], sizes = [256, 256], strides = [1, 1]} : vector<256x1024xf32> to vector<256x256xf32>
    %slice3A_129 = vector.extract_strided_slice %div3A_117 {offsets = [0, 0], sizes = [256, 1], strides = [1, 1]} : vector<256x4xf32> to vector<256x1xf32>
    %mul3A = vector.broadcast %slice3A_129 : vector<256x1xf32> to vector<256x256xf32>
    %mul3A_130 = arith.mulf %slice3A, %mul3A : vector<256x256xf32>
    %slice3A_131 = vector.extract_strided_slice %concatenate3A {offsets = [0, 256], sizes = [256, 256], strides = [1, 1]} : vector<256x1024xf32> to vector<256x256xf32>
    %slice3A_132 = vector.extract_strided_slice %div3A_117 {offsets = [0, 1], sizes = [256, 1], strides = [1, 1]} : vector<256x4xf32> to vector<256x1xf32>
    %mul3A_133 = vector.broadcast %slice3A_132 : vector<256x1xf32> to vector<256x256xf32>
    %mul3A_134 = arith.mulf %slice3A_131, %mul3A_133 : vector<256x256xf32>
    %slice3A_135 = vector.extract_strided_slice %concatenate3A {offsets = [0, 512], sizes = [256, 256], strides = [1, 1]} : vector<256x1024xf32> to vector<256x256xf32>
    %slice3A_136 = vector.extract_strided_slice %div3A_117 {offsets = [0, 2], sizes = [256, 1], strides = [1, 1]} : vector<256x4xf32> to vector<256x1xf32>
    %mul3A_137 = vector.broadcast %slice3A_136 : vector<256x1xf32> to vector<256x256xf32>
    %mul3A_138 = arith.mulf %slice3A_135, %mul3A_137 : vector<256x256xf32>
    %slice3A_139 = vector.extract_strided_slice %concatenate3A {offsets = [0, 768], sizes = [256, 256], strides = [1, 1]} : vector<256x1024xf32> to vector<256x256xf32>
    %slice3A_140 = vector.extract_strided_slice %div3A_117 {offsets = [0, 3], sizes = [256, 1], strides = [1, 1]} : vector<256x4xf32> to vector<256x1xf32>
    %mul3A_141 = vector.broadcast %slice3A_140 : vector<256x1xf32> to vector<256x256xf32>
    %mul3A_142 = arith.mulf %slice3A_139, %mul3A_141 : vector<256x256xf32>
    %concatenate3A_143 = tpu.concatenate %mul3A_130, %mul3A_134, %mul3A_138, %mul3A_142 in 1 : vector<256x256xf32>, vector<256x256xf32>, vector<256x256xf32>, vector<256x256xf32> -> vector<256x1024xf32>
    %add3A_144 = arith.addf %concatenate3A_143, %add3A_128 : vector<256x1024xf32>
    %get3A_145 = arith.constant 0 : index
    %get3A_146 = arith.constant 0 : index
    %get3A_147 = vector.load %arg6[%get3A_145, %get3A_146] : memref<1024x256xf32, #tpu.memory_space<vmem>>, vector<1024x256xf32>
    %dot_general3A_148 = arith.constant dense<0.000000e+00> : vector<256x256xf32>
    %dot_general3A_149 = tpu.matmul %add3A_144, %get3A_147, %dot_general3A_148 {dimension_numbers = #tpu.dot_dimension_numbers<[1], [0], [0], [1], [0, 0, 1, 1], [], []>, transpose_lhs_hint = false} : vector<256x1024xf32>, vector<1024x256xf32>, vector<256x256xf32> -> vector<256x256xf32>
    %get3A_150 = arith.constant 0 : index
    %get3A_151 = vector.load %arg7[%get3A_150] : memref<256xf32, #tpu.memory_space<vmem>>, vector<256xf32>
    %broadcast_in_dim3A_152 = vector.shape_cast %get3A_151 : vector<256xf32> to vector<1x256xf32>
    %add3A_153 = vector.broadcast %broadcast_in_dim3A_152 : vector<1x256xf32> to vector<256x256xf32>
    %add3A_154 = arith.addf %dot_general3A_149, %add3A_153 : vector<256x256xf32>
    %max3A = arith.constant 0.000000e+00 : f32
    %max3A_155 = vector.broadcast %max3A : f32 to vector<256x256xf32>
    %max3A_156 = arith.maximumf %add3A_154, %max3A_155 : vector<256x256xf32>
    %swap3A = arith.constant 0 : index
    %swap3A_157 = arith.constant 0 : index
    %swap3A_158 = vector.load %arg8[%swap3A, %swap3A_157] : memref<256x256xf32, #tpu.memory_space<vmem>>, vector<256x256xf32>
    tpu.vector_store %arg8[%swap3A, %swap3A_157], %max3A_156 {strides = array<i32>} : memref<256x256xf32, #tpu.memory_space<vmem>>, vector<256x256xf32>,
    return
  }
  func.func @transform_0(%arg0: i32) -> (i32, i32, i32, i32) {
    %c0_i32 = arith.constant 0 : i32
    %c0_i32_0 = arith.constant 0 : i32
    %c0_i32_1 = arith.constant 0 : i32
    %c0_i32_2 = arith.constant 0 : i32
    return %c0_i32, %c0_i32_0, %arg0, %c0_i32_1 : i32, i32, i32, i32
  }
  func.func @transform_1(%arg0: i32) -> (i32, i32, i32) {
    %c0_i32 = arith.constant 0 : i32
    %c0_i32_0 = arith.constant 0 : i32
    %c0_i32_1 = arith.constant 0 : i32
    return %c0_i32, %arg0, %c0_i32_0 : i32, i32, i32
  }
  func.func @transform_2(%arg0: i32) -> (i32, i32) {
    %c0_i32 = arith.constant 0 : i32
    %c0_i32_0 = arith.constant 0 : i32
    return %arg0, %c0_i32 : i32, i32
  }
  func.func @transform_3(%arg0: i32) -> (i32, i32) {
    %c0_i32 = arith.constant 0 : i32
    %c0_i32_0 = arith.constant 0 : i32
    %c0_i32_1 = arith.constant 0 : i32
    return %c0_i32, %c0_i32_0 : i32, i32
  }
  func.func @transform_4(%arg0: i32) -> i32 {
    %c0_i32 = arith.constant 0 : i32
    %c0_i32_0 = arith.constant 0 : i32
    return %c0_i32 : i32
  }
  func.func @transform_5(%arg0: i32) -> (i32, i32) {
    %c0_i32 = arith.constant 0 : i32
    %c0_i32_0 = arith.constant 0 : i32
    %c0_i32_1 = arith.constant 0 : i32
    return %c0_i32, %c0_i32_0 : i32, i32
  }
  func.func @transform_6(%arg0: i32) -> i32 {
    %c0_i32 = arith.constant 0 : i32
    %c0_i32_0 = arith.constant 0 : i32
    return %c0_i32 : i32
  }
  func.func @transform_7(%arg0: i32) -> (i32, i32) {
    %c0_i32 = arith.constant 0 : i32
    %c0_i32_0 = arith.constant 0 : i32
    return %arg0, %c0_i32 : i32, i32
  }
}

</mosaic_0001>

<sc_bundles>
// kernel: kernel.5.cloned.1.call-start
scs
__scs_entry_jumppad:
0x0: {  	(pc) =	sbr.rel $0x88, $3  }
0x1: {  	(tag) =	ssettag $0x0;
	lr =	simm.s32 $0x1  }
0x2: {  	[smem:$0x3F96] =	sst lr;
	_ =	strace $0xD0000000  }
0x3: {  	_ = 	snop  }
0x4: {  	_ = 	snop  }
0x5: {  	_ = 	snop  }
0x6: {  	_ = 	snop  }
0x7: {  	_ = 	snop  }
__scs_overlays_trampoline_lowered:
0x8: {  	[smem:$0x3FA5] =	sst s0  }
0x9: {  	[smem:$0x3FA6] =	sst s1  }
0xa: {  	[smem:$0x3FA7] =	sst s2  }
0xb: {  	[smem:$0x3FA8] =	sst s3  }
0xc: {  	[smem:$0x3FA9] =	sst s4  }
0xd: {  	[smem:$0x3FAA] =	sst s5  }
0xe: {  	[smem:$0x3FAB] =	sst s6  }
0xf: {  	[smem:$0x3FAC] =	sst s7  }
0x10: {  	[smem:$0x3FAD] =	sst s8  }
0x11: {  	[smem:$0x3FAE] =	sst s9;
	s0 =	simm.s32 @!p0 $0x0  }
0x12: {  	s1 =	sld [smem:$0x3F94];
	s0 =	simm.s32 @p0 $0x1  }
0x13: {  	[smem:$0x3FAF] =	sst s0;
	s0 =	simm.s32 @!p1 $0x0  }
0x14: {  	s2 =	sld [smem:$0x3F93];
	s0 =	simm.s32 @p1 $0x1  }
0x15: {  	[smem:$0x3FB0] =	sst s0;
	s0 =	simm.s32 @!p2 $0x0  }
0x16: {  	s3 =	sld [smem:$0x3FDB];
	s0 =	simm.s32 @p2 $0x1  }
0x17: {  	s4 =	simm.s32 $0x1BF5;
	[smem:$0x3FB2] =	sst s0  }
0x18: {  	s0 =	sld [smem:$0x3F95];
	_ =	swait.ge [sflag:s4], $0x0  }
0x19: {  	s7 =	sld [smem:$0x3F96]  }
0x1a: {  	s8 =	sadd.s32 $0xFFFFE003, lr  }
0x1b: {  	s9 =	sadd.s32 $0xFFFFFEF7, lr;
	s5 =	simm.s32 $0xFFFFFFFF;
	p2 =	slt.u32 s8, $0xFFFFF086  }
0x1c: {  	p1 =	slt.u32 s9, $0xF7A;
	s5 =	simm.s32 @!p2 $0x0  }
0x1d: {  	s5 =	simm.s32 @p1 $0x1;
	p0 =	seq.s32 s7, s2  }
0x1e: {  	s7 =	smul.u32 @!p0 $0xF7A, s2;
	p2 =	seq.s32 @!p0 s5, $0x0  }
0x1f: {  	s9 =	smul.u32 $0xF7A, s1;
	s8 =	simm.s32 @!p0 $0x1BF5;
	p2 =	por !p2, p0  }
0x20: {  	[sflag:s8] =	ssyncset.s32 @!p0 $0xFFFFF086;
	s6 =	sadd.s32 @!p0 s3, s7;
	s7 =	simm.s32 @!p0 $0x108  }
0x21: {  	s3 =	sadd.s32 s3, s9;
	s6 =	sadd.s32 @!p0 $0x88, s6;
	s7 =	simm.s32 @p2 $0x1082  }
0x22: {  	[simem:s7], [sflag:s8] =	dma.local @!p0 [hbm:s6], $0xF7A  }
0x23: {  	s9 =	sor.u32 $0xD0000000, s2;
	s6 =	simm.s32 $0x108;
	_ =	swait.ge @!p0 [sflag:s8], $0x0  }
0x24: {  	s3 =	sadd.s32 $0x88, s3;
	s6 =	simm.s32 @!p1 $0x1082;
	[sflag:s4] =	ssyncset.s32 $0xFFFFF086  }
0x25: {  	[simem:s6], [sflag:s4] =	dma.local [hbm:s3], $0xF7A  }
0x26: {  	[smem:$0x3F96] =	sst s1;
	(tag) =	ssettag s2;
	_ =	strace s9  }
0x27: {  	s1 =	sld [smem:$0x3FA6]  }
0x28: {  	s2 =	sld [smem:$0x3FA7]  }
0x29: {  	s4 =	sld [smem:$0x3FA9]  }
0x2a: {  	p0 =	seq.s32 s5, $0x0;
	s5 =	sld [smem:$0x3FAA]  }
0x2b: {  	s6 =	sld [smem:$0x3FAB]  }
0x2c: {  	s7 =	sld [smem:$0x3FAC]  }
0x2d: {  	s3 =	simm.s32 $0x108;
	s8 =	sld [smem:$0x3FAD]  }
0x2e: {  	s3 =	simm.s32 @!p0 $0x1082;
	s9 =	sld [smem:$0x3FAE]  }
0x2f: {  	lr =	sadd.s32 s0, s3;
	s0 =	sld [smem:$0x3FA5]  }
0x30: {  	s3 =	sld [smem:$0x3FA8]  }
0x31: {  	[smem:$0x3FB1] =	sst s10  }
0x32: {  	s10 =	sld [smem:$0x3FAF];
	_ =	sdelay $0x3  }
0x33: {  	p0 =	seq.s32 s10, $0x1;
	s10 =	sld [smem:$0x3FB1];
	_ =	sdelay $0x3  }
0x34: {  	[smem:$0x3FB1] =	sst s10  }
0x35: {  	s10 =	sld [smem:$0x3FB0];
	_ =	sdelay $0x3  }
0x36: {  	p1 =	seq.s32 s10, $0x1;
	s10 =	sld [smem:$0x3FB1];
	_ =	sdelay $0x3  }
0x37: {  	[smem:$0x3FB1] =	sst s10  }
0x38: {  	s10 =	sld [smem:$0x3FB2]  }
0x39: {  	_ = 	snop;
	(pc) =	sbr.ind lr, $3  }
0x3a: {  	_ = 	snop  }
0x3b: {  	_ = 	snop  }
0x3c: {  	p2 =	seq.s32 s10, $0x1;
	s10 =	sld [smem:$0x3FB1]  }
0x3d: {  	_ =	shalt  }
0x3e: {  	_ =	shalt  }
0x3f: {  	_ =	shalt  }
0x40: {  	_ =	shalt  }
0x41: {  	_ =	shalt  }
0x42: {  	_ =	shalt  }
0x43: {  	_ =	shalt  }
0x44: {  	_ =	shalt  }
0x45: {  	_ =	shalt  }
0x46: {  	_ =	shalt  }
0x47: {  	_ =	shalt  }
0x48: {  	_ =	shalt  }
0x49: {  	_ =	shalt  }
0x4a: {  	_ =	shalt  }
0x4b: {  	_ =	shalt  }
0x4c: {  	_ =	shalt  }
0x4d: {  	_ =	shalt  }
0x4e: {  	_ =	shalt  }
0x4f: {  	_ =	shalt  }
0x50: {  	_ =	shalt  }
0x51: {  	_ =	shalt  }
0x52: {  	_ =	shalt  }
0x53: {  	_ =	shalt  }
0x54: {  	_ =	shalt  }
0x55: {  	_ =	shalt  }
0x56: {  	_ =	shalt  }
0x57: {  	_ =	shalt  }
0x58: {  	_ =	shalt  }
0x59: {  	_ =	shalt  }
0x5a: {  	_ =	shalt  }
0x5b: {  	_ =	shalt  }
0x5c: {  	_ =	shalt  }
0x5d: {  	_ =	shalt  }
0x5e: {  	_ =	shalt  }
0x5f: {  	_ =	shalt  }
0x60: {  	_ =	shalt  }
0x61: {  	_ =	shalt  }
0x62: {  	_ =	shalt  }
0x63: {  	_ =	shalt  }
0x64: {  	_ =	shalt  }
0x65: {  	_ =	shalt  }
0x66: {  	_ =	shalt  }
0x67: {  	_ =	shalt  }
0x68: {  	_ =	shalt  }
0x69: {  	_ =	shalt  }
0x6a: {  	_ =	shalt  }
0x6b: {  	_ =	shalt  }
0x6c: {  	_ =	shalt  }
0x6d: {  	_ =	shalt  }
0x6e: {  	_ =	shalt  }
0x6f: {  	_ =	shalt  }
0x70: {  	_ =	shalt  }
0x71: {  	_ =	shalt  }
0x72: {  	_ =	shalt  }
0x73: {  	_ =	shalt  }
0x74: {  	_ =	shalt  }
0x75: {  	_ =	shalt  }
0x76: {  	_ =	shalt  }
0x77: {  	_ =	shalt  }
0x78: {  	_ =	shalt  }
0x79: {  	_ =	shalt  }
0x7a: {  	_ =	shalt  }
0x7b: {  	_ =	shalt  }
0x7c: {  	_ =	shalt  }
0x7d: {  	_ =	shalt  }
0x7e: {  	_ =	shalt  }
0x7f: {  	_ =	shalt  }
0x80: {  	_ =	shalt  }
0x81: {  	_ =	shalt  }
0x82: {  	_ =	shalt  }
0x83: {  	_ =	shalt  }
0x84: {  	_ =	shalt  }
0x85: {  	_ =	shalt  }
0x86: {  	_ =	shalt  }
0x87: {  	_ =	shalt  }
.Lfunc_end0:
.L_simem_size_0:
called_computation_lowered:
.L_overlay_start_0:
0x88: {  	s2 =	sld [smem:$0x3FD9]  }
0x89: {  	s3 =	sld [smem:$0x3FFE];
	_ =	sdelay $0x1  }
0x8a: {  	s1 =	srdreg.scid  }
0x8b: {  	s0 =	sand.u32 $0x1, s1  }
0x8c: {  	s17 =	sshll.u32 s0, $0xA;
	s2 =	sadd.s32 s3, s2  }
0x8d: {  	s2 =	sadd.s32 s2, s17  }
0x8e: {  	[smem:$0x3FBD] =	sst s2  }
0x8f: {  	_ = 	snop  }
0x90: {  	s2 =	sld [smem:$0x3FD0];
	(tm) =	ssettm $0x1  }
0x91: {  	s18 =	sld [smem:$0x3FFB];
	_ =	sdelay $0x3  }
0x92: {  	_ =	strace s18  }
0x93: {  	s3 =	sld [smem:$0x3FFC];
	_ =	sdelay $0x3  }
0x94: {  	_ =	strace s3  }
0x95: {  	s3 =	sld [smem:$0x3FFD];
	_ =	sdelay $0x3  }
0x96: {  	_ =	strace s3  }
0x97: {  	_ =	strace $0x8FFFFFFF  }
0x98: {  	s19 =	sld [smem:$0x3FDB];
	_ =	sdelay $0x1  }
0x99: {  	s4 =	simm.s32 $_scs_section_size  }
0x9a: {  	s5 =	simm.s32 $_size__tile_overlayer_lowered;
	s6 =	simm.s32 $_tile_overlayer_lowered  }
0x9b: {  	s22 =	simm.s32 $0x1BFF;
	s21 =	sshll.u32 s6, $0x1;
	s3 =	sadd.s32 s4, s19  }
0x9c: {  	s7 =	simm.s32 $0x0;
	s20 =	sshll.u32 s5, $0x1;
	s5 =	sadd.s32 s21, s3  }
0x9d: {  	[timem:s7], [sflag:s22] =	dma.local [hbm:s5], s20  }
0x9e: {  	_ =	swait.ge [sflag:s22], s20  }
0x9f: {  	s4 =	ssub.s32 $0x0, s20;
	[sflag:s22] =	ssyncset.done $0x0  }
0xa0: {  	[sflag:s22] =	ssyncadd.s32 s4;
	_ =	sdelay $0x1  }
0xa1: {  	s23 =	simm.s32 $0x1B8B  }
0xa2: {  	_ =	swait.ge [sflag:s23], $0x1  }
0xa3: {  	[sflag:s23] =	ssyncset.done $0x0  }
0xa4: {  	s25 =	simm.s32 $0x1B8E;
	s24 =	sld [smem:$0x3FFE];
	[sflag:s23] =	ssyncadd.s32 $0xFFFFFFFF  }
0xa5: {  	s26 =	simm.s32 $execute0_lowered;
	[smem:$0x3FD2] =	sst s25  }
0xa6: {  	s5 =	sshll.u32 s26, $0x1;
	_ =	strace $0x80000046;
	[dreg:$0x1] =	wrdreg $0xFFFFFFFF  }
0xa7: {  	s28 =	simm.s32 $_size_execute0_lowered;
	s3 =	sadd.s32 s3, s5;
	[dreg:$0x0] =	wrdreg $0x0  }
0xa8: {  	s5 =	sshll.u32 s28, $0x1;
	[dreg:$0x2] =	wrdreg s3  }
0xa9: {  	[dreg:$0x3] =	wrdreg s5  }
0xaa: {  	[dreg:$0x4] =	wrdreg $0xC0  }
0xab: {  	_ =	task [dreg:s7], $0x5FFFF  }
0xac: {  	[dreg:$0x1] =	wrdreg $0xFFFFFFFF  }
0xad: {  	[dreg:$0x0] =	wrdreg $0x60  }
0xae: {  	[dreg:$0x2] =	wrdreg s24  }
0xaf: {  	[dreg:$0x3] =	wrdreg s2  }
0xb0: {  	[dreg:$0x4] =	wrdreg $0x192300  }
0xb1: {  	[dreg:$0x5] =	wrdreg $0x14E300  }
0xb2: {  	[dreg:$0x6] =	wrdreg $0x9  }
0xb3: {  	_ =	task.clear_ibuf [dreg:s7], $0x7FFFF;
	_ =	strace $0x90000046  }
0xb4: {  	s29 =	simm.s32 $0x9;
	_ =	strace $0x80000048  }
0xb5: {  	_ =	swait.ge [sflag:s29], $0x1  }
0xb6: {  	[sflag:s29] =	ssyncadd.s32 $0xFFFFFFFF  }
0xb7: {  	_ =	strace $0x90000048  }
0xb8: {  	_ =	sfence  }
0xb9: {  	s30 =	sld [smem:$0x0];
	_ =	sdelay $0x2  }
0xba: {  	s31 =	sshll.u32 s1, $0xD;
	s1 =	sshrl.u32 s1, $0x2  }
0xbb: {  	s3 =	sand.u32 $0x4000, s31;
	s1 =	sadd.s32 s1, s30  }
0xbc: {  	s0 =	sor.u32 s3, s0;
	s1 =	sshll.u32 s1, $0x11  }
0xbd: {  	s0 =	sor.u32 s1, s0  }
0xbe: {  	s0 =	sadd.s32 $0x8F2B, s0  }
0xbf: {  	[sflag:s0] =	ssyncadd.remote.s32 $0x1  }
0xc0: {  	_ =	sfence.sel $0xFFFF  }
0xc1: {  	[dreg:$0x0] =	wrdreg $0xFFFFFFFF;
	(pc) =	sbr.abs _section_cstart, $3  }
0xc2: {  	[dreg:$0x1] =	wrdreg $0xFFFFFFFF  }
0xc3: {  	_ =	task.clear_ibuf [dreg:s7], $0x2FFFF;
	_ =	strace $0x9FFFFFFF  }
0xc4: {  	(tm) =	ssettm $0x7FFFFFFF  }
0xc5: {  	_ =	shalt  }
tec
execute0_lowered:
.L_overlay_start_1:
0x0: {  	(tag) =	ssettag $0x1  }
0x1: {  	s0 =	rddreg [dreg:$0x0]  }
0x2: {  	s1 =	rddreg [dreg:$0x1]  }
0x3: {  	s29 =	rddreg [dreg:$0x2]  }
0x4: {  	s2 =	srdreg.scid;
	s11 =	stileid.u32  }
0x5: {  	s3 =	rddreg [dreg:$0x3];
	s5 =	simm.s32 $0x0;
	s31 =	simm.s32 $0x2  }
0x6: {  	s28 =	simm.s32 $0x11110;
	s2 =	sand.u32 $0x1, s2;
	s4 =	sshll.u32 s11, $0x1  }
0x7: {  	[smem:$0x7FF] =	sst s5;
	s5 =	sadd.s32 $0x13A400, s0;
	s30 =	sadd.s32 $0x1C00, s0  }
0x8: {  	s6 =	sadd.s32 $0x1A00, s0;
	s8 =	sadd.s32 $0x27CE00, s0;
	s10 =	smul.u32 $0x2800, s11  }
0x9: {  	s9 =	sadd.s32 $0x27CC00, s0;
	s16 =	smul.u32 $0xA000, s11;
	s19 =	sshll.u32 s11, $0xB  }
0xa: {  	s4 =	sor.u32 s2, s4;
	_ =	strace $0x80000047;
	[dreg:$0x6] =	wrdreg s6  }
0xb: {  	s13 =	ssub.s32 $0x2, s2;
	s7 =	smul.u32 $0x28000, s2;
	[dreg:$0x7] =	wrdreg s9  }
0xc: {  	s2 =	smul.u32 $0xA00000, s2;
	s11 =	sadd.s32 s19, s3;
	s9 =	simm.s32 $0x12910  }
0xd: {  	[dreg:$0x5] =	wrdreg s30;
	s4 =	smul.u32 $0x272, s4;
	s14 =	sshrl.u32 s13, $0x1  }
0xe: {  	s6 =	sshrl.u32 s16, $0x2;
	s20 =	sadd.s32 s10, s29;
	[dreg:$0xd] =	wrdreg s11  }
0xf: {  	s15 =	ssub.s32 s13, s14;
	s18 =	sadd.s32 s10, s7;
	s12 =	sadd.s32 s6, s29  }
0x10: {  	s10 =	simm.s32 $0x14110;
	s4 =	sadd.s32 s4, s0;
	s0 =	sadd.s32 $0x27D000, s0  }
0x11: {  	s21 =	sadd.s32 $0x400, s12;
	s22 =	sadd.s32 $0x800, s12;
	[dreg:$0xb] =	wrdreg s12  }
0x12: {  	s23 =	sadd.s32 $0xC00, s12;
	[dreg:$0x8] =	wrdreg s0;
	s17 =	sadd.s32 $0x277C00, s4  }
0x13: {  	s6 =	sadd.s32 $0x1000, s12;
	s4 =	sadd.s32 $0x272C00, s4;
	[dreg:$0x9] =	wrdreg s17  }
0x14: {  	s24 =	sadd.s32 $0x1400, s12;
	s0 =	smax.u32 s15, $0x1;
	[dreg:$0xa] =	wrdreg s4  }
0x15: {  	s25 =	sadd.s32 $0x1800, s12;
	s13 =	sshrl.u32 s6, $0x3;
	[dreg:$0xf] =	wrdreg s0  }
0x16: {  	s26 =	sadd.s32 $0x1C00, s12;
	s14 =	sshrl.u32 s24, $0x3;
	[dreg:$0x13] =	wrdreg s13  }
0x17: {  	s16 =	sadd.s32 $0x2000, s12;
	s15 =	sshrl.u32 s25, $0x3;
	[dreg:$0x14] =	wrdreg s14  }
0x18: {  	s24 =	sadd.s32 $0x2A800, s11;
	s25 =	sadd.s32 $0x33000, s11;
	[dreg:$0x15] =	wrdreg s15  }
0x19: {  	s6 =	simm.s32 $0x13910;
	s4 =	sshrl.u32 s18, $0x3;
	[dreg:$0x1e] =	wrdreg s24  }
0x1a: {  	s0 =	sshrl.u32 s21, $0x3;
	s17 =	sshrl.u32 s26, $0x3;
	[dreg:$0x1f] =	wrdreg s25  }
0x1b: {  	s18 =	sadd.s32 $0x2400, s12;
	s21 =	sadd.s32 $0x11000, s11;
	[dreg:$0x10] =	wrdreg s0  }
0x1c: {  	v0 =	vimm.s32 $0xFEDCBA98;
	v2 =	vimm.s32 $0x76543210;
	s26 =	sadd.s32 $0x3B800, s11;
	s12 =	simm.s32 $0x3;
	[dreg:$0x16] =	wrdreg s17  }
0x1d: {  	v4 =	vimm.s32 $0xBA98FEDC;
	v5 =	vimm.s32 $0x32107654;
	s14 =	simm.s32 $0x1390;
	s24 =	simm.s32 $0x2720;
	[dreg:$0x1b] =	wrdreg s21  }
0x1e: {  	v6 =	vimm.s32 $0xDCFE98BA;
	v7 =	vimm.s32 $0x54761032;
	s25 =	simm.s32 $0x8910;
	s1 =	sadd.s32 s1, s4;
	[smem:$0x7FD] =	sst s26  }
0x1f: {  	v8 =	vimm.s32 $0xEFCDAB89;
	v9 =	vimm.s32 $0x67452301;
	v1 =	vunpack.c.l.s4.s8 v0;
	s13 =	simm.s32 $0x11910;
	s0 =	sshrl.u32 s16, $0x3;
	[dreg:$0xc] =	wrdreg s1  }
0x20: {  	v0 =	vimm.f32 $0.0e+00;
	v2 =	vunpack.c.l.s4.s8 v2;
	v4 =	vunpack.c.l.s4.s8 v4;
	s17 =	simm.s32 $0x10;
	s1 =	sor.u32 s2, s19;
	[dreg:$0x17] =	wrdreg s0  }
0x21: {  	v5 =	vunpack.c.l.s4.s8 v5;
	v6 =	vunpack.c.l.s4.s8 v6;
	v7 =	vunpack.c.l.s4.s8 v7;
	s26 =	simm.s32 $0x10910;
	s2 =	sshrl.u32 s23, $0x3;
	[dreg:$0xe] =	wrdreg s1  }
0x22: {  	v8 =	vunpack.c.l.s4.s8 v8;
	v9 =	vunpack.c.l.s4.s8 v9;
	v3 =	vunpack.c.0.s8.s32 v1;
	s4 =	simm.s32 $0x12110;
	s0 =	sshrl.u32 s18, $0x3;
	[dreg:$0x12] =	wrdreg s2  }
0x23: {  	v1 =	vlaneseq.u32;
	v2 =	vunpack.c.0.s8.s32 v2;
	v4 =	vunpack.c.0.s8.s32 v4;
	s19 =	sshrl.u32 s20, $0x3;
	s20 =	sadd.s32 $0x8800, s11;
	[dreg:$0x18] =	wrdreg s0  }
.Ltmp0:
0x24: {  	v5 =	vunpack.c.0.s8.s32 v5;
	v6 =	vunpack.c.0.s8.s32 v6;
	v7 =	vunpack.c.0.s8.s32 v7;
	s23 =	sadd.s32 $0x22000, s11;
	[dreg:$0x19] =	wrdreg s19;
	(pc) =	sbr.rel .LBB2_1-.Ltmp0, $4  }
0x25: {  	v8 =	vunpack.c.0.s8.s32 v8;
	v9 =	vunpack.c.0.s8.s32 v9;
	v3 =	vand.u32 $0xF, v3;
	s18 =	simm.s32 $0x14D10;
	s1 =	sshrl.u32 s22, $0x3;
	[dreg:$0x1a] =	wrdreg s20  }
0x26: {  	v2 =	vcombine.low v3, v2;
	v3 =	vcombine.low v5, v4;
	v4 =	vmul.u32 $0x10, v1;
	s22 =	sadd.s32 $0x19800, s11;
	[dreg:$0x1d] =	wrdreg s23;
	s19 =	simm.s32 $0x14D20  }
0x27: {  	v6 =	vcombine.low v7, v6;
	v7 =	vcombine.low v9, v8;
	v5 =	vimm.s32 $0x0;
	s20 =	simm.s32 $0x1;
	s23 =	simm.s32 $0x7560;
	[dreg:$0x11] =	wrdreg s1  }
0x28: {  	v8 =	vor.u32 $0x1, v4;
	v9 =	vor.u32 $0x2, v4;
	v10 =	vor.u32 $0x3, v4;
	s2 =	simm.s32 $0x13110;
	[dreg:$0x1c] =	wrdreg s22;
	s1 =	simm.s32 $0x0  }
.LBB2_30:
0x29: {  	s1 =	sld [smem:$0x7FC];
	_ =	sdelay $0x2  }
0x2a: {  	s0 =	rddreg [dreg:$0xf];
	s1 =	sadd.s32 $0x1, s1  }
0x2b: {  	p0 =	sne.s32 s1, s0  }
.Ltmp1:
0x2c: {  	_ = 	snop;
	(pc) =	sbr.rel @!p0 .LBB2_31-.Ltmp1, $3  }
0x2d: {  	_ =	sdelay $0x1  }
0x2e: {  	s29 =	rddreg [dreg:$0x2]  }
0x2f: {  	s30 =	rddreg [dreg:$0x5];
	s31 =	simm.s32 $0x2  }
.LBB2_1:
0x30: {  	[smem:$0x7FC] =	sst s1  }
0x31: {  	s0 =	simm.s32 $0x0;
	s16 =	rddreg [dreg:$0x9]  }
0x32: {  	[tilespmem:s0], [sflag:$0x3] =	stream.linear.gather [hbm4b:s16+s0], $0x1390, $0x38;
	[tilespmem:$0x1BA40] =	vst v63  }
0x33: {  	_ =	swait.ge [sflag:s12], $0x1390  }
0x34: {  	[sflag:s12] =	ssyncset.done $0x0  }
0x35: {  	s21 =	rddreg [dreg:$0xa];
	[sflag:s12] =	ssyncadd.s32 $0xFFFFEC70  }
0x36: {  	[tilespmem:s14], [sflag:$0x3] =	stream.linear.gather [hbm4b:s21+s0], $0x1390, $0x38;
	[tilespmem:$0x1BA40] =	vst v63  }
0x37: {  	_ =	swait.ge [sflag:s12], $0x1390  }
0x38: {  	s7 =	simm.s32 $0x14910;
	[sflag:s12] =	ssyncset.done $0x0  }
0x39: {  	s1 =	stileid.u32;
	s22 =	rddreg [dreg:$0x6];
	[sflag:s12] =	ssyncadd.s32 $0xFFFFEC70  }
0x3a: {  	[tilespmem:s7], [sflag:$0x3] =	stream.linear.gather [hbm4b:s22+s0], $0x400, $0x38;
	[tilespmem:$0x1BA40] =	vst v63  }
0x3b: {  	s0 =	sshll.u32 s1, $0x6;
	_ =	swait.ge [sflag:s12], $0x400  }
0x3c: {  	s16 =	sor.u32 $0x1C03, s0;
	[sflag:s12] =	ssyncset.done $0x0;
	s7 =	rddreg [dreg:$0xb]  }
0x3d: {  	s1 =	rddreg [dreg:$0x7];
	[sflag:s12] =	ssyncadd.s32 $0xFFFFFC00;
	s0 =	sshrl.u32 s7, $0x3  }
0x3e: {  	[spmem:s0], [sflag:s16] =	dma.local [hbm:s1], $0x80  }
0x3f: {  	_ =	swait.ge [sflag:s12], $0x80  }
0x40: {  	[sflag:s12] =	ssyncset.done $0x0  }
0x41: {  	s11 =	rddreg [dreg:$0x10];
	[sflag:s12] =	ssyncadd.s32 $0xFFFFFF80  }
0x42: {  	[spmem:s11], [sflag:s16] =	dma.local [hbm:s1], $0x80  }
0x43: {  	_ =	swait.ge [sflag:s12], $0x80  }
0x44: {  	[sflag:s12] =	ssyncset.done $0x0  }
0x45: {  	s15 =	rddreg [dreg:$0x11];
	[sflag:s12] =	ssyncadd.s32 $0xFFFFFF80  }
0x46: {  	[spmem:s15], [sflag:s16] =	dma.local [hbm:s1], $0x80  }
0x47: {  	_ =	swait.ge [sflag:s12], $0x80  }
0x48: {  	[sflag:s12] =	ssyncset.done $0x0  }
0x49: {  	s21 =	rddreg [dreg:$0x12];
	[sflag:s12] =	ssyncadd.s32 $0xFFFFFF80  }
0x4a: {  	[spmem:s21], [sflag:s16] =	dma.local [hbm:s1], $0x80  }
0x4b: {  	_ =	swait.ge [sflag:s12], $0x80  }
0x4c: {  	[sflag:s12] =	ssyncset.done $0x0  }
0x4d: {  	s22 =	rddreg [dreg:$0x13];
	[sflag:s12] =	ssyncadd.s32 $0xFFFFFF80  }
0x4e: {  	[spmem:s22], [sflag:s16] =	dma.local [hbm:s1], $0x80  }
0x4f: {  	_ =	swait.ge [sflag:s12], $0x80  }
0x50: {  	[sflag:s12] =	ssyncset.done $0x0  }
0x51: {  	s7 =	rddreg [dreg:$0x14];
	[sflag:s12] =	ssyncadd.s32 $0xFFFFFF80  }
0x52: {  	[spmem:s7], [sflag:s16] =	dma.local [hbm:s1], $0x80  }
0x53: {  	_ =	swait.ge [sflag:s12], $0x80  }
0x54: {  	[sflag:s12] =	ssyncset.done $0x0  }
0x55: {  	s11 =	rddreg [dreg:$0x15];
	[sflag:s12] =	ssyncadd.s32 $0xFFFFFF80  }
0x56: {  	[spmem:s11], [sflag:s16] =	dma.local [hbm:s1], $0x80  }
0x57: {  	_ =	swait.ge [sflag:s12], $0x80  }
0x58: {  	[sflag:s12] =	ssyncset.done $0x0  }
0x59: {  	s15 =	rddreg [dreg:$0x16];
	[sflag:s12] =	ssyncadd.s32 $0xFFFFFF80  }
0x5a: {  	[spmem:s15], [sflag:s16] =	dma.local [hbm:s1], $0x80  }
0x5b: {  	_ =	swait.ge [sflag:s12], $0x80  }
0x5c: {  	[sflag:s12] =	ssyncset.done $0x0  }
0x5d: {  	s21 =	rddreg [dreg:$0x17];
	[sflag:s12] =	ssyncadd.s32 $0xFFFFFF80  }
0x5e: {  	[spmem:s21], [sflag:s16] =	dma.local [hbm:s1], $0x80  }
0x5f: {  	_ =	swait.ge [sflag:s12], $0x80  }
0x60: {  	[sflag:s12] =	ssyncset.done $0x0  }
0x61: {  	s22 =	rddreg [dreg:$0x18];
	[sflag:s12] =	ssyncadd.s32 $0xFFFFFF80  }
0x62: {  	[spmem:s22], [sflag:s16] =	dma.local [hbm:s1], $0x80  }
0x63: {  	_ =	swait.ge [sflag:s12], $0x80  }
0x64: {  	[sflag:s12] =	ssyncset.done $0x0  }
0x65: {  	[sflag:s12] =	ssyncadd.s32 $0xFFFFFF80  }
0x66: {  	[tilespmem:$0x14D30] =	vst v0  }
0x67: {  	[tilespmem:$0x14D40] =	vst v0  }
0x68: {  	[tilespmem:$0x14D50] =	vst v0  }
0x69: {  	[tilespmem:$0x14D60] =	vst v0  }
0x6a: {  	[tilespmem:$0x14D70] =	vst v0  }
0x6b: {  	[tilespmem:$0x14D80] =	vst v0  }
0x6c: {  	[tilespmem:$0x14D90] =	vst v0  }
0x6d: {  	[tilespmem:$0x14DA0] =	vst v0  }
0x6e: {  	[tilespmem:$0x14DB0] =	vst v0  }
0x6f: {  	[tilespmem:$0x14DC0] =	vst v0  }
0x70: {  	[tilespmem:$0x14DD0] =	vst v0  }
0x71: {  	[tilespmem:$0x14DE0] =	vst v0  }
0x72: {  	[tilespmem:$0x14DF0] =	vst v0  }
0x73: {  	[tilespmem:$0x14E00] =	vst v0  }
0x74: {  	[tilespmem:$0x14E10] =	vst v0  }
0x75: {  	s0 =	simm.s32 $0x40;
	s1 =	simm.s32 $0x0;
	[tilespmem:$0x14E20] =	vst v0  }
.LBB2_2:
0x76: {  	p0 =	sne.s32 s0, $0x4E80;
	[tilespmem:s1+$0x7560] =	vst v5;
	s1 =	smov.u32 s0;
	s0 =	sadd.s32 $0x40, s0  }
.Ltmp2:
0x77: {  	(pc) =	sbr.rel @p0 .LBB2_2-.Ltmp2, $2  }
0x78: {  	_ =	sdelay $0x2  }
0x79: {  	s1 =	sshra.s32 s1, $0x2  }
0x7a: {  	[tilespmem:s1+$0x7560] =	vst v5  }
0x7b: {  	s0 =	simm.s32 $0x0;
	[bflag:$0x0] =	sbarrier.arrive $0xFFFF  }
.LBB2_4:
0x7c: {  	s1 =	sshll.u32 s0, $0x4  }
0x7d: {  	v11 =	vld [tilespmem:s1+$0x1390]  }
0x7e: {  	v12 =	vld [tilespmem:s1+$0x0];
	_ =	sdelay $0x3  }
0x7f: {  	vm0 =	vlt.s32 v11, $0x270F  }
0x80: {  	[tilespmem:$0x14D10] =	vst v12;
	v12 =	vnsel vm0, $0x270F, v11  }
0x81: {  	s7 =	simm.s32 $0x8910;
	[tilespmem:$0x14D20] =	vst v12  }
0x82: {  	[tilespmem:s7], [sflag:$0x1] =	stream.indirect.gather [hbm4b:s5+s17], $0x400, s18, s17, $0xb8;
	[tilespmem:$0x1BA40] =	vst v63  }
0x83: {  	s11 =	simm.s32 $0xC910  }
0x84: {  	[tilespmem:s11], [sflag:$0x2] =	stream.indirect.gather [hbm4b:s30+s17], $0x400, s19, s17, $0xb8;
	[tilespmem:$0x1BA40] =	vst v63  }
0x85: {  	_ =	swait.ge [sflag:s20], $0x4000  }
0x86: {  	[sflag:s20] =	ssyncset.done $0x0  }
0x87: {  	[sflag:s20] =	ssyncadd.s32 $0xFFFFC000  }
0x88: {  	_ =	swait.ge [sflag:s31], $0x4000  }
0x89: {  	[sflag:s31] =	ssyncset.done $0x0  }
0x8a: {  	s15 =	simm.s32 $0x0;
	v12 =	vimm.f32 $0.0e+00;
	[sflag:s31] =	ssyncadd.s32 $0xFFFFC000  }
.LBB2_5:
0x8b: {  	v13 =	vmov s7  }
0x8c: {  	v14 =	vmov s11;
	_ =	sdelay $0x2  }
0x8d: {  	s22 =	simm.s32 $0x0  }
0x8e: {  	v15 =	vld.idx.msk [tilespmem:v13+s22+$0x0 ss:$0x1], $0xffff  }
0x8f: {  	v16 =	vld.idx.msk [tilespmem:v14+s22+$0x0 ss:$0x1], $0xffff;
	_ =	sdelay $0x3  }
0x90: {  	s21 =	simm.s32 $0x10;
	v18 =	vld [tilespmem:s22+$0x14910]  }
0x91: {  	v19 =	vadd.f32 v16, v15;
	v16 =	vld.idx.msk [tilespmem:v13+s21+$0x0 ss:$0x1], $0xffff  }
0x92: {  	v17 =	vld.idx.msk [tilespmem:v14+s21+$0x0 ss:$0x1], $0xffff  }
0x93: {  	v20 =	vmul.f32 $2.000000030e-01, v19  }
0x94: {  	s22 =	simm.s32 $0x80;
	v15 =	vimm.f32 $0.0e+00  }
.LBB2_6:
0x95: {  	v21 =	vld [tilespmem:s21+$0x14910];
	s21 =	sshra.s32 s22, $0x2;
	v20 =	vmax.f32 v19, v20;
	p0 =	sne.s32 s22, $0x3C0  }
.Ltmp3:
0x96: {  	s22 =	sadd.s32 $0x40, s22;
	v19 =	vmov v16;
	v18 =	vmul.f32 v20, v18;
	v16 =	vld.idx.msk [tilespmem:v13+s21+$0x0 ss:$0x1], $0xffff;
	(pc) =	sbr.rel @p0 .LBB2_6-.Ltmp3, $4  }
0x97: {  	v19 =	vadd.f32 v17, v19;
	v17 =	vld.idx.msk [tilespmem:v14+s21+$0x0 ss:$0x1], $0xffff  }
0x98: {  	v15 =	vadd.f32 v18, v15  }
0x99: {  	v20 =	vmul.f32 $2.000000030e-01, v19  }
0x9a: {  	v18 =	vmov v21  }
0x9b: {  	_ = 	snop  }
0x9c: {  	v13 =	vld [tilespmem:s21+$0x14910];
	v14 =	vadd.f32 v17, v16;
	_ =	sdelay $0x1  }
0x9d: {  	v63 =	vmax.f32 v19, v20;
	v17 =	vmul.f32 $2.000000030e-01, v14  }
0x9e: {  	v16 =	vmul.f32 v63, v18  }
0x9f: {  	v14 =	vmax.f32 v14, v17  }
0xa0: {  	v15 =	vadd.f32 v16, v15;
	v13 =	vmul.f32 v14, v13;
	_ =	sdelay $0x1  }
0xa1: {  	v13 =	vadd.f32 v13, v15;
	_ =	sdelay $0x1  }
0xa2: {  	v14 =	vperm.xlane v13, v2;
	_ =	sdelay $0x1  }
0xa3: {  	v13 =	vadd.f32 v14, v13;
	_ =	sdelay $0x1  }
0xa4: {  	v14 =	vperm.xlane v13, v3;
	_ =	sdelay $0x1  }
0xa5: {  	v13 =	vadd.f32 v14, v13;
	_ =	sdelay $0x1  }
0xa6: {  	v14 =	vperm.xlane v13, v6;
	_ =	sdelay $0x1  }
0xa7: {  	v15 =	vmov s15;
	s15 =	sadd.s32 $0x1, s15;
	v13 =	vadd.f32 v14, v13  }
0xa8: {  	p0 =	sne.s32 s15, $0x10  }
.Ltmp4:
0xa9: {  	v14 =	vperm.xlane v13, v7;
	(pc) =	sbr.rel @p0 .LBB2_5-.Ltmp4, $4  }
0xaa: {  	_ = 	snop  }
0xab: {  	v13 =	vadd.f32 v14, v13  }
0xac: {  	vm0 =	veq.s32 v15, v1  }
0xad: {  	s7 =	sadd.s32 $0x400, s7;
	s11 =	sadd.s32 $0x400, s11;
	v12 =	vsel vm0, v13, v12  }
0xae: {  	v12 =	vmul.f32 $1.442695020e+00, v12;
	_ =	sdelay $0x1  }
0xaf: {  	(erf) = vpow2.f32 v12;
	_ =	sdelay $0x8  }
0xb0: {  	v12 =	vpop (erf)  }
0xb1: {  	s7 =	simm.s32 $0x14D30;
	[tilespmem:s1+$0x2720] =	vst v12  }
0xb2: {  	s11 =	simm.s32 $0x8A10;
	s15 =	simm.s32 $0xCA10;
	[tilespmem:v4+s7+$0x0] =	vst.idx.msk $0xffff, v12;
	s7 =	simm.s32 $0x0;
	v12 =	vimm.f32 $0.0e+00  }
.LBB2_9:
0xb3: {  	v13 =	vmov s11  }
0xb4: {  	v14 =	vmov s15;
	_ =	sdelay $0x2  }
0xb5: {  	s22 =	simm.s32 $0x0  }
0xb6: {  	v15 =	vld.idx.msk [tilespmem:v13+s22+$0x0 ss:$0x1], $0xffff  }
0xb7: {  	v16 =	vld.idx.msk [tilespmem:v14+s22+$0x0 ss:$0x1], $0xffff;
	_ =	sdelay $0x3  }
0xb8: {  	s21 =	simm.s32 $0x10;
	v18 =	vld [tilespmem:s22+$0x14A10]  }
0xb9: {  	v19 =	vadd.f32 v16, v15;
	v16 =	vld.idx.msk [tilespmem:v13+s21+$0x0 ss:$0x1], $0xffff  }
0xba: {  	v17 =	vld.idx.msk [tilespmem:v14+s21+$0x0 ss:$0x1], $0xffff  }
0xbb: {  	v20 =	vmul.f32 $2.000000030e-01, v19  }
0xbc: {  	s22 =	simm.s32 $0x80;
	v15 =	vimm.f32 $0.0e+00  }
.LBB2_10:
0xbd: {  	v21 =	vld [tilespmem:s21+$0x14A10];
	s21 =	sshra.s32 s22, $0x2;
	v20 =	vmax.f32 v19, v20;
	p0 =	sne.s32 s22, $0x3C0  }
.Ltmp5:
0xbe: {  	s22 =	sadd.s32 $0x40, s22;
	v19 =	vmov v16;
	v18 =	vmul.f32 v20, v18;
	v16 =	vld.idx.msk [tilespmem:v13+s21+$0x0 ss:$0x1], $0xffff;
	(pc) =	sbr.rel @p0 .LBB2_10-.Ltmp5, $4  }
0xbf: {  	v19 =	vadd.f32 v17, v19;
	v17 =	vld.idx.msk [tilespmem:v14+s21+$0x0 ss:$0x1], $0xffff  }
0xc0: {  	v15 =	vadd.f32 v18, v15  }
0xc1: {  	v20 =	vmul.f32 $2.000000030e-01, v19  }
0xc2: {  	v18 =	vmov v21  }
0xc3: {  	_ = 	snop  }
0xc4: {  	v13 =	vld [tilespmem:s21+$0x14A10];
	v14 =	vadd.f32 v17, v16;
	_ =	sdelay $0x1  }
0xc5: {  	v63 =	vmax.f32 v19, v20;
	v17 =	vmul.f32 $2.000000030e-01, v14  }
0xc6: {  	v16 =	vmul.f32 v63, v18  }
0xc7: {  	v14 =	vmax.f32 v14, v17  }
0xc8: {  	v15 =	vadd.f32 v16, v15;
	v13 =	vmul.f32 v14, v13;
	_ =	sdelay $0x1  }
0xc9: {  	v13 =	vadd.f32 v13, v15;
	_ =	sdelay $0x1  }
0xca: {  	v14 =	vperm.xlane v13, v2;
	_ =	sdelay $0x1  }
0xcb: {  	v13 =	vadd.f32 v14, v13;
	_ =	sdelay $0x1  }
0xcc: {  	v14 =	vperm.xlane v13, v3;
	_ =	sdelay $0x1  }
0xcd: {  	v13 =	vadd.f32 v14, v13;
	_ =	sdelay $0x1  }
0xce: {  	v14 =	vperm.xlane v13, v6;
	_ =	sdelay $0x1  }
0xcf: {  	v15 =	vmov s7;
	s7 =	sadd.s32 $0x1, s7;
	v13 =	vadd.f32 v14, v13  }
0xd0: {  	p0 =	sne.s32 s7, $0x10  }
.Ltmp6:
0xd1: {  	v14 =	vperm.xlane v13, v7;
	(pc) =	sbr.rel @p0 .LBB2_9-.Ltmp6, $4  }
0xd2: {  	_ = 	snop  }
0xd3: {  	v13 =	vadd.f32 v14, v13  }
0xd4: {  	vm0 =	veq.s32 v15, v1  }
0xd5: {  	s11 =	sadd.s32 $0x400, s11;
	s15 =	sadd.s32 $0x400, s15;
	v12 =	vsel vm0, v13, v12  }
0xd6: {  	v12 =	vmul.f32 $1.442695020e+00, v12;
	_ =	sdelay $0x1  }
0xd7: {  	(erf) = vpow2.f32 v12;
	_ =	sdelay $0x8  }
0xd8: {  	v12 =	vpop (erf)  }
0xd9: {  	s7 =	simm.s32 $0x14D30;
	[tilespmem:s1+$0x3AB0] =	vst v12  }
0xda: {  	s11 =	simm.s32 $0x8B10;
	s15 =	simm.s32 $0xCB10;
	[tilespmem:v8+s7+$0x0] =	vst.idx.msk $0xffff, v12;
	s7 =	simm.s32 $0x0;
	v12 =	vimm.f32 $0.0e+00  }
.LBB2_13:
0xdb: {  	v13 =	vmov s11  }
0xdc: {  	v14 =	vmov s15;
	_ =	sdelay $0x2  }
0xdd: {  	s22 =	simm.s32 $0x0  }
0xde: {  	v15 =	vld.idx.msk [tilespmem:v13+s22+$0x0 ss:$0x1], $0xffff  }
0xdf: {  	v16 =	vld.idx.msk [tilespmem:v14+s22+$0x0 ss:$0x1], $0xffff;
	_ =	sdelay $0x3  }
0xe0: {  	s21 =	simm.s32 $0x10;
	v18 =	vld [tilespmem:s22+$0x14B10]  }
0xe1: {  	v19 =	vadd.f32 v16, v15;
	v16 =	vld.idx.msk [tilespmem:v13+s21+$0x0 ss:$0x1], $0xffff  }
0xe2: {  	v17 =	vld.idx.msk [tilespmem:v14+s21+$0x0 ss:$0x1], $0xffff  }
0xe3: {  	v20 =	vmul.f32 $2.000000030e-01, v19  }
0xe4: {  	s22 =	simm.s32 $0x80;
	v15 =	vimm.f32 $0.0e+00  }
.LBB2_14:
0xe5: {  	v21 =	vld [tilespmem:s21+$0x14B10];
	s21 =	sshra.s32 s22, $0x2;
	v20 =	vmax.f32 v19, v20;
	p0 =	sne.s32 s22, $0x3C0  }
.Ltmp7:
0xe6: {  	s22 =	sadd.s32 $0x40, s22;
	v19 =	vmov v16;
	v18 =	vmul.f32 v20, v18;
	v16 =	vld.idx.msk [tilespmem:v13+s21+$0x0 ss:$0x1], $0xffff;
	(pc) =	sbr.rel @p0 .LBB2_14-.Ltmp7, $4  }
0xe7: {  	v19 =	vadd.f32 v17, v19;
	v17 =	vld.idx.msk [tilespmem:v14+s21+$0x0 ss:$0x1], $0xffff  }
0xe8: {  	v15 =	vadd.f32 v18, v15  }
0xe9: {  	v20 =	vmul.f32 $2.000000030e-01, v19  }
0xea: {  	v18 =	vmov v21  }
0xeb: {  	_ = 	snop  }
0xec: {  	v13 =	vld [tilespmem:s21+$0x14B10];
	v14 =	vadd.f32 v17, v16;
	_ =	sdelay $0x1  }
0xed: {  	v63 =	vmax.f32 v19, v20;
	v17 =	vmul.f32 $2.000000030e-01, v14  }
0xee: {  	v16 =	vmul.f32 v63, v18  }
0xef: {  	v14 =	vmax.f32 v14, v17  }
0xf0: {  	v15 =	vadd.f32 v16, v15;
	v13 =	vmul.f32 v14, v13;
	_ =	sdelay $0x1  }
0xf1: {  	v13 =	vadd.f32 v13, v15;
	_ =	sdelay $0x1  }
0xf2: {  	v14 =	vperm.xlane v13, v2;
	_ =	sdelay $0x1  }
0xf3: {  	v13 =	vadd.f32 v14, v13;
	_ =	sdelay $0x1  }
0xf4: {  	v14 =	vperm.xlane v13, v3;
	_ =	sdelay $0x1  }
0xf5: {  	v13 =	vadd.f32 v14, v13;
	_ =	sdelay $0x1  }
0xf6: {  	v14 =	vperm.xlane v13, v6;
	_ =	sdelay $0x1  }
0xf7: {  	v15 =	vmov s7;
	s7 =	sadd.s32 $0x1, s7;
	v13 =	vadd.f32 v14, v13  }
0xf8: {  	p0 =	sne.s32 s7, $0x10  }
.Ltmp8:
0xf9: {  	v14 =	vperm.xlane v13, v7;
	(pc) =	sbr.rel @p0 .LBB2_13-.Ltmp8, $4  }
0xfa: {  	_ = 	snop  }
0xfb: {  	v13 =	vadd.f32 v14, v13  }
0xfc: {  	vm0 =	veq.s32 v15, v1  }
0xfd: {  	s11 =	sadd.s32 $0x400, s11;
	s15 =	sadd.s32 $0x400, s15;
	v12 =	vsel vm0, v13, v12  }
0xfe: {  	v12 =	vmul.f32 $1.442695020e+00, v12;
	_ =	sdelay $0x1  }
0xff: {  	(erf) = vpow2.f32 v12;
	_ =	sdelay $0x8  }
0x100: {  	v12 =	vpop (erf)  }
0x101: {  	s7 =	simm.s32 $0x14D30;
	[tilespmem:s1+$0x4E40] =	vst v12  }
0x102: {  	s11 =	simm.s32 $0x8C10;
	s15 =	simm.s32 $0xCC10;
	[tilespmem:v9+s7+$0x0] =	vst.idx.msk $0xffff, v12;
	s7 =	simm.s32 $0x0;
	v12 =	vimm.f32 $0.0e+00  }
.LBB2_17:
0x103: {  	v13 =	vmov s11  }
0x104: {  	v14 =	vmov s15;
	_ =	sdelay $0x2  }
0x105: {  	s22 =	simm.s32 $0x0  }
0x106: {  	v15 =	vld.idx.msk [tilespmem:v13+s22+$0x0 ss:$0x1], $0xffff  }
0x107: {  	v16 =	vld.idx.msk [tilespmem:v14+s22+$0x0 ss:$0x1], $0xffff;
	_ =	sdelay $0x3  }
0x108: {  	s21 =	simm.s32 $0x10;
	v18 =	vld [tilespmem:s22+$0x14C10]  }
0x109: {  	v19 =	vadd.f32 v16, v15;
	v16 =	vld.idx.msk [tilespmem:v13+s21+$0x0 ss:$0x1], $0xffff  }
0x10a: {  	v17 =	vld.idx.msk [tilespmem:v14+s21+$0x0 ss:$0x1], $0xffff  }
0x10b: {  	v20 =	vmul.f32 $2.000000030e-01, v19  }
0x10c: {  	s22 =	simm.s32 $0x80;
	v15 =	vimm.f32 $0.0e+00  }
.LBB2_18:
0x10d: {  	v21 =	vld [tilespmem:s21+$0x14C10];
	s21 =	sshra.s32 s22, $0x2;
	v20 =	vmax.f32 v19, v20;
	p0 =	sne.s32 s22, $0x3C0  }
.Ltmp9:
0x10e: {  	s22 =	sadd.s32 $0x40, s22;
	v19 =	vmov v16;
	v18 =	vmul.f32 v20, v18;
	v16 =	vld.idx.msk [tilespmem:v13+s21+$0x0 ss:$0x1], $0xffff;
	(pc) =	sbr.rel @p0 .LBB2_18-.Ltmp9, $4  }
0x10f: {  	v19 =	vadd.f32 v17, v19;
	v17 =	vld.idx.msk [tilespmem:v14+s21+$0x0 ss:$0x1], $0xffff  }
0x110: {  	v15 =	vadd.f32 v18, v15  }
0x111: {  	v20 =	vmul.f32 $2.000000030e-01, v19  }
0x112: {  	v18 =	vmov v21  }
0x113: {  	_ = 	snop  }
0x114: {  	v13 =	vld [tilespmem:s21+$0x14C10];
	v14 =	vadd.f32 v17, v16;
	_ =	sdelay $0x1  }
0x115: {  	v63 =	vmax.f32 v19, v20;
	v17 =	vmul.f32 $2.000000030e-01, v14  }
0x116: {  	v16 =	vmul.f32 v63, v18  }
0x117: {  	v14 =	vmax.f32 v14, v17  }
0x118: {  	v15 =	vadd.f32 v16, v15;
	v13 =	vmul.f32 v14, v13;
	_ =	sdelay $0x1  }
0x119: {  	v13 =	vadd.f32 v13, v15;
	_ =	sdelay $0x1  }
0x11a: {  	v14 =	vperm.xlane v13, v2;
	_ =	sdelay $0x1  }
0x11b: {  	v13 =	vadd.f32 v14, v13;
	_ =	sdelay $0x1  }
0x11c: {  	v14 =	vperm.xlane v13, v3;
	_ =	sdelay $0x1  }
0x11d: {  	v13 =	vadd.f32 v14, v13;
	_ =	sdelay $0x1  }
0x11e: {  	v14 =	vperm.xlane v13, v6;
	_ =	sdelay $0x1  }
0x11f: {  	v15 =	vmov s7;
	s7 =	sadd.s32 $0x1, s7;
	v13 =	vadd.f32 v14, v13  }
0x120: {  	p0 =	sne.s32 s7, $0x10  }
.Ltmp10:
0x121: {  	v14 =	vperm.xlane v13, v7;
	(pc) =	sbr.rel @p0 .LBB2_17-.Ltmp10, $4  }
0x122: {  	_ = 	snop  }
0x123: {  	v13 =	vadd.f32 v14, v13  }
0x124: {  	vm0 =	veq.s32 v15, v1  }
0x125: {  	s11 =	sadd.s32 $0x400, s11;
	s15 =	sadd.s32 $0x400, s15;
	v12 =	vsel vm0, v13, v12  }
0x126: {  	v12 =	vmul.f32 $1.442695020e+00, v12;
	_ =	sdelay $0x1  }
0x127: {  	(erf) = vpow2.f32 v12;
	_ =	sdelay $0x8  }
0x128: {  	v12 =	vpop (erf)  }
0x129: {  	s22 =	simm.s32 $0x14D30;
	s0 =	sadd.s32 $0x1, s0;
	[tilespmem:s1+$0x61D0] =	vst v12  }
0x12a: {  	p0 =	sne.s32 s0, $0x139;
	[tilespmem:v10+s22+$0x0] =	vst.idx.msk $0xffff, v12  }
.Ltmp11:
0x12b: {  	[tilespmem:$0x14D20] =	vst v11;
	(pc) =	sbr.rel @p0 .LBB2_4-.Ltmp11, $4  }
0x12c: {  	[spmem:s29] =	stream.indirect.scatter.add.f32 [tilespmem:s22], [sflag:$0x3], $0x10, s19, s17, $0xb8;
	[tilespmem:$0x1BA40] =	vst v63  }
0x12d: {  	_ =	swait.ge [sflag:s12], $0x100  }
0x12e: {  	[sflag:s12] =	ssyncset.done $0x0  }
0x12f: {  	[sflag:s12] =	ssyncadd.s32 $0xFFFFFF00  }
0x130: {  	[bflag:$0x0] =	sbarrier.arrive $0xFFFF  }
0x131: {  	s0 =	rddreg [dreg:$0xc]  }
.Ltmp12:
0x132: {  	s1 =	rddreg [dreg:$0x19];
	(pc) =	sbr.rel .LBB2_22-.Ltmp12, $4  }
0x133: {  	[hbm:s0], [sflag:s16] =	dma.local [spmem:s1], $0x500  }
0x134: {  	_ =	swait.ge [sflag:s12], $0x500  }
0x135: {  	[sflag:s12] =	ssyncset.done $0x0  }
0x136: {  	s29 =	simm.s32 $0x0;
	[sflag:s12] =	ssyncadd.s32 $0xFFFFFB00  }
.LBB2_29:
0x137: {  	s0 =	sshll.u32 s29, $0xF;
	s1 =	rddreg [dreg:$0xe];
	[bflag:$0x0] =	sbarrier.arrive $0xFFFF  }
0x138: {  	s0 =	sadd.s32 s1, s0;
	s15 =	sld [smem:$0x7F5]  }
0x139: {  	s11 =	rddreg [dreg:$0x8];
	s0 =	sshrl.u32 s0, $0x3  }
0x13a: {  	s0 =	sadd.s32 s11, s0  }
0x13b: {  	[hbm:s0], [sflag:s16] =	dma.local [spmem:s15], $0x100  }
0x13c: {  	_ =	swait.ge [sflag:s12], $0x100  }
0x13d: {  	[sflag:s12] =	ssyncset.done $0x0  }
0x13e: {  	s21 =	sadd.s32 $0x28000, s0;
	[sflag:s12] =	ssyncadd.s32 $0xFFFFFF00  }
0x13f: {  	[hbm:s21], [sflag:s16] =	dma.local [spmem:s31], $0x100  }
0x140: {  	_ =	swait.ge [sflag:s12], $0x100  }
0x141: {  	s7 =	sld [smem:$0x7F6]  }
0x142: {  	[sflag:s12] =	ssyncset.done $0x0  }
0x143: {  	s22 =	sadd.s32 $0x50000, s0;
	[sflag:s12] =	ssyncadd.s32 $0xFFFFFF00  }
0x144: {  	[hbm:s22], [sflag:s16] =	dma.local [spmem:s7], $0x100  }
0x145: {  	_ =	swait.ge [sflag:s12], $0x100  }
0x146: {  	s31 =	sld [smem:$0x7F7]  }
0x147: {  	[sflag:s12] =	ssyncset.done $0x0  }
0x148: {  	s30 =	sadd.s32 $0x78000, s0;
	[sflag:s12] =	ssyncadd.s32 $0xFFFFFF00  }
0x149: {  	[hbm:s30], [sflag:s16] =	dma.local [spmem:s31], $0x100  }
0x14a: {  	_ =	swait.ge [sflag:s12], $0x100  }
0x14b: {  	s11 =	sld [smem:$0x7F8]  }
0x14c: {  	[sflag:s12] =	ssyncset.done $0x0  }
0x14d: {  	s7 =	sadd.s32 $0xA0000, s0;
	[sflag:s12] =	ssyncadd.s32 $0xFFFFFF00  }
0x14e: {  	[hbm:s7], [sflag:s16] =	dma.local [spmem:s11], $0x100  }
0x14f: {  	_ =	swait.ge [sflag:s12], $0x100  }
0x150: {  	s21 =	sld [smem:$0x7F9]  }
0x151: {  	[sflag:s12] =	ssyncset.done $0x0  }
0x152: {  	s15 =	sadd.s32 $0xC8000, s0;
	[sflag:s12] =	ssyncadd.s32 $0xFFFFFF00  }
0x153: {  	[hbm:s15], [sflag:s16] =	dma.local [spmem:s21], $0x100  }
0x154: {  	_ =	swait.ge [sflag:s12], $0x100  }
0x155: {  	s30 =	sld [smem:$0x7FA]  }
0x156: {  	[sflag:s12] =	ssyncset.done $0x0  }
0x157: {  	s22 =	sadd.s32 $0xF0000, s0;
	[sflag:s12] =	ssyncadd.s32 $0xFFFFFF00  }
0x158: {  	[hbm:s22], [sflag:s16] =	dma.local [spmem:s30], $0x100  }
0x159: {  	_ =	swait.ge [sflag:s12], $0x100  }
0x15a: {  	s31 =	sld [smem:$0x7FB]  }
0x15b: {  	s29 =	sadd.s32 $0x1, s29;
	[sflag:s12] =	ssyncset.done $0x0  }
0x15c: {  	p0 =	sne.s32 s29, $0x28;
	s0 =	sadd.s32 $0x118000, s0;
	[sflag:s12] =	ssyncadd.s32 $0xFFFFFF00  }
0x15d: {  	[hbm:s0], [sflag:s16] =	dma.local [spmem:s31], $0x100  }
.Ltmp13:
0x15e: {  	_ =	swait.ge [sflag:s12], $0x100;
	(pc) =	sbr.rel @!p0 .LBB2_30-.Ltmp13, $3  }
0x15f: {  	[sflag:s12] =	ssyncset.done $0x0  }
0x160: {  	[sflag:s12] =	ssyncadd.s32 $0xFFFFFF00  }
0x161: {  	[bflag:$0x0] =	sbarrier.arrive $0xFFFF;
	_ =	sdelay $0x1  }
.LBB2_22:
0x162: {  	s0 =	rddreg [dreg:$0xd]  }
0x163: {  	s0 =	sshrl.u32 s0, $0x3  }
0x164: {  	[smem:$0x7F5] =	sst s0  }
0x165: {  	[spmem:s0], [sflag:s16] =	dma.local [hbm:s8], $0x100  }
0x166: {  	_ =	swait.ge [sflag:s12], $0x100  }
0x167: {  	[sflag:s12] =	ssyncset.done $0x0;
	s21 =	rddreg [dreg:$0x1a]  }
0x168: {  	[sflag:s12] =	ssyncadd.s32 $0xFFFFFF00;
	s31 =	sshrl.u32 s21, $0x3  }
0x169: {  	[spmem:s31], [sflag:s16] =	dma.local [hbm:s8], $0x100  }
0x16a: {  	_ =	swait.ge [sflag:s12], $0x100  }
0x16b: {  	s22 =	rddreg [dreg:$0x1b]  }
0x16c: {  	[sflag:s12] =	ssyncset.done $0x0;
	s0 =	sshrl.u32 s22, $0x3  }
0x16d: {  	[sflag:s12] =	ssyncadd.s32 $0xFFFFFF00;
	[smem:$0x7F6] =	sst s0  }
0x16e: {  	[spmem:s0], [sflag:s16] =	dma.local [hbm:s8], $0x100  }
0x16f: {  	_ =	swait.ge [sflag:s12], $0x100  }
0x170: {  	s30 =	rddreg [dreg:$0x1c]  }
0x171: {  	[sflag:s12] =	ssyncset.done $0x0;
	s0 =	sshrl.u32 s30, $0x3  }
0x172: {  	[sflag:s12] =	ssyncadd.s32 $0xFFFFFF00;
	[smem:$0x7F7] =	sst s0  }
0x173: {  	[spmem:s0], [sflag:s16] =	dma.local [hbm:s8], $0x100  }
0x174: {  	_ =	swait.ge [sflag:s12], $0x100  }
0x175: {  	s1 =	rddreg [dreg:$0x1d]  }
0x176: {  	[sflag:s12] =	ssyncset.done $0x0;
	s0 =	sshrl.u32 s1, $0x3  }
0x177: {  	[sflag:s12] =	ssyncadd.s32 $0xFFFFFF00;
	[smem:$0x7F8] =	sst s0  }
0x178: {  	[spmem:s0], [sflag:s16] =	dma.local [hbm:s8], $0x100  }
0x179: {  	_ =	swait.ge [sflag:s12], $0x100  }
0x17a: {  	s7 =	rddreg [dreg:$0x1e]  }
0x17b: {  	[sflag:s12] =	ssyncset.done $0x0;
	s0 =	sshrl.u32 s7, $0x3  }
0x17c: {  	[sflag:s12] =	ssyncadd.s32 $0xFFFFFF00;
	[smem:$0x7F9] =	sst s0  }
0x17d: {  	[spmem:s0], [sflag:s16] =	dma.local [hbm:s8], $0x100  }
0x17e: {  	_ =	swait.ge [sflag:s12], $0x100  }
0x17f: {  	s11 =	rddreg [dreg:$0x1f]  }
0x180: {  	[sflag:s12] =	ssyncset.done $0x0;
	s0 =	sshrl.u32 s11, $0x3  }
0x181: {  	[sflag:s12] =	ssyncadd.s32 $0xFFFFFF00;
	[smem:$0x7FA] =	sst s0  }
0x182: {  	[spmem:s0], [sflag:s16] =	dma.local [hbm:s8], $0x100  }
0x183: {  	_ =	swait.ge [sflag:s12], $0x100  }
0x184: {  	s15 =	sld [smem:$0x7FD];
	_ =	sdelay $0x2  }
0x185: {  	[sflag:s12] =	ssyncset.done $0x0;
	s0 =	sshrl.u32 s15, $0x3  }
0x186: {  	[sflag:s12] =	ssyncadd.s32 $0xFFFFFF00;
	[smem:$0x7FB] =	sst s0  }
0x187: {  	[spmem:s0], [sflag:s16] =	dma.local [hbm:s8], $0x100  }
0x188: {  	_ =	swait.ge [sflag:s12], $0x100  }
0x189: {  	[sflag:s12] =	ssyncset.done $0x0  }
0x18a: {  	[sflag:s12] =	ssyncadd.s32 $0xFFFFFF00  }
0x18b: {  	s21 =	simm.s32 $0x1390;
	[bflag:$0x0] =	sbarrier.arrive $0xFFFF  }
0x18c: {  	v13 =	vld [tilespmem:s21+$0x0];
	_ =	sdelay $0x1  }
0x18d: {  	s22 =	sshll.u32 s29, $0x8  }
0x18e: {  	s1 =	sadd.s32 $0x100, s22  }
0x18f: {  	v11 =	vmov s22;
	v12 =	vmov s1  }
0x190: {  	vm0 =	vge.s32 v13, v11;
	vm1 =	vlt.s32 v13, v12  }
0x191: {  	vm0 =	vmand vm0, vm1  }
0x192: {  	v13 =	vmpcnt.ones.xlane vm0;
	_ =	sdelay $0x1  }
0x193: {  	(v2sf) =	vpush v13, $0x0;
	v13 =	vsel vm0, $0x1, v5  }
0x194: {  	(xrf0) =	vadd.scan.msk.s32 $0xffff, v13;
	_ =	sdelay $0x4  }
0x195: {  	s30 =	simm.s32 $0x0;
	v13 =	vsel vm0, $0xFFFFFFFF, v5  }
0x196: {  	v13 =	vadd.s32 s30, v13;
	v14, _, _ =	vpop (xrf0)  }
0x197: {  	v13 =	vadd.s32 v14, v13;
	_ =	sdelay $0x3  }
0x198: {  	v14 =	vor.u32 s30, v1  }
0x199: {  	s7 =	simm.s32 $0x13A0;
	[tilespmem:v13+s23+$0x0] =	vst.idx.msk vm0, v14  }
0x19a: {  	v13 =	vld [tilespmem:s7+$0x0]  }
0x19b: {  	s1 =	simm.s32 $0x0  }
0x19c: {  	s11 =	simm.s32 $0x20;
	s0 =	simm.s32 $0x10;
	s15 =	spop (v2sf)  }
.LBB2_23:
0x19d: {  	p0 =	sne.s32 s11, $0x1380  }
0x19e: {  	s1 =	sadd.s32 s1, s15;
	s15 =	smov.u32 s11;
	s11 =	sadd.s32 $0x10, s11  }
0x19f: {  	vm0 =	vge.s32 v13, v11;
	vm1 =	vlt.s32 v13, v12  }
0x1a0: {  	vm0 =	vmand vm0, vm1  }
0x1a1: {  	v13 =	vsel vm0, $0xFFFFFFFF, v5;
	v14 =	vsel vm0, $0x1, v5;
	v15 =	vmpcnt.ones.xlane vm0  }
0x1a2: {  	(xrf0) =	vadd.scan.msk.s32 $0xffff, v14  }
0x1a3: {  	(v2sf) =	vpush v15, $0x0;
	_ =	sdelay $0x4  }
0x1a4: {  	v13 =	vadd.s32 s1, v13;
	v14, _, _ =	vpop (xrf0)  }
0x1a5: {  	v13 =	vadd.s32 v14, v13;
	_ =	sdelay $0x3  }
0x1a6: {  	v14 =	vor.u32 s0, v1;
	s0 =	smov.u32 s15  }
.Ltmp14:
0x1a7: {  	s7 =	sadd.s32 $0x10, s7;
	[tilespmem:v13+s23+$0x0] =	vst.idx.msk vm0, v14;
	(pc) =	sbr.rel @p0 .LBB2_23-.Ltmp14, $2  }
0x1a8: {  	v13 =	vld [tilespmem:s7+$0x0];
	_ =	sdelay $0x2  }
0x1a9: {  	s15 =	spop (v2sf)  }
0x1aa: {  	_ = 	snop  }
0x1ab: {  	vm0 =	vge.s32 v13, v11;
	vm1 =	vlt.s32 v13, v12  }
0x1ac: {  	vm0 =	vmand vm0, vm1  }
0x1ad: {  	v59 =	vmpcnt.ones.xlane vm0;
	_ =	sdelay $0x1  }
0x1ae: {  	(v2sf) =	vpush v59, $0x0;
	_ =	sdelay $0xe  }
0x1af: {  	s7 =	sadd.s32 s1, s15;
	s21 =	spop (v2sf)  }
0x1b0: {  	v60 =	vsel vm0, $0x1, v5;
	s1 =	sadd.s32 s7, s21  }
0x1b1: {  	(xrf0) =	vadd.scan.msk.s32 $0xffff, v60;
	s11 =	sadd.s32 $0xF, s1  }
0x1b2: {  	s22 =	sand.u32 $0xF, s11  }
0x1b3: {  	v61 =	vsel vm0, $0xFFFFFFFF, v5;
	s30 =	sshra.s32 s11, $0x1F;
	p1 =	slt.s32 s11, $0x1;
	p0 =	sne.s32 s22, $0x0  }
0x1b4: {  	v12 =	vadd.s32 s7, v61;
	s7 =	sshrl.u32 s30, $0x1C;
	p0 =	por !p1, !p0  }
0x1b5: {  	s7 =	sadd.s32 s7, s11;
	s11 =	simm.s32 $0x1;
	p0 =	por !p0, !p0  }
0x1b6: {  	s7 =	sshra.s32 s7, $0x4;
	s11 =	simm.s32 @!p0 $0x0  }
0x1b7: {  	v62, _, _ =	vpop (xrf0);
	s22 =	ssub.s32 s7, s11  }
0x1b8: {  	v12 =	vadd.s32 v62, v12;
	p0 =	slt.s32 s22, $0x1  }
.Ltmp15:
0x1b9: {  	_ = 	snop;
	(pc) =	sbr.rel @p0 .LBB2_29-.Ltmp15, $3  }
0x1ba: {  	_ =	sdelay $0x1  }
0x1bb: {  	v63 =	vor.u32 s0, v1  }
0x1bc: {  	[tilespmem:v12+s23+$0x0] =	vst.idx.msk vm0, v63  }
0x1bd: {  	v12 =	vmov s1;
	s0 =	simm.s32 $0x0;
	s1 =	simm.s32 $0x0  }
.LBB2_26:
0x1be: {  	s7 =	sshll.u32 s1, $0x4  }
0x1bf: {  	v14 =	vld [tilespmem:s7+$0x7560];
	_ =	sdelay $0x7  }
0x1c0: {  	v15 =	vld.idx.msk [tilespmem:v14+s0+$0x0], $0xffff;
	_ =	sdelay $0x1  }
0x1c1: {  	v16 =	vadd.s32 $0x1390, v14  }
0x1c2: {  	v18 =	vadd.s32 $0x2720, v14  }
0x1c3: {  	v19 =	vadd.s32 $0x3AB0, v14  }
0x1c4: {  	v13 =	vld.idx.msk [tilespmem:v14+s14+$0x0], $0xffff;
	[tilespmem:$0x14D10] =	vst v15  }
0x1c5: {  	v17 =	vld.idx.msk [tilespmem:v14+s24+$0x0], $0xffff  }
0x1c6: {  	v16 =	vld.idx.msk [tilespmem:v16+s24+$0x0], $0xffff  }
0x1c7: {  	v15 =	vld.idx.msk [tilespmem:v18+s24+$0x0], $0xffff  }
0x1c8: {  	v14 =	vld.idx.msk [tilespmem:v19+s24+$0x0], $0xffff;
	[tilespmem:s25], [sflag:$0x1] =	stream.indirect.gather [hbm4b:s5+s17], $0x400, s18, s17, $0xb8  }
0x1c9: {  	_ =	swait.ge [sflag:s20], $0x4000  }
0x1ca: {  	[sflag:s20] =	ssyncset.done $0x0  }
0x1cb: {  	s15 =	simm.s32 $0x8B10;
	[sflag:s20] =	ssyncadd.s32 $0xFFFFC000  }
0x1cc: {  	v19 =	vld [tilespmem:s15+$0xFFFFFE00];
	_ =	sdelay $0x1  }
0x1cd: {  	v18 =	vmov s0  }
0x1ce: {  	v20 =	vperm.xlane v17, v18;
	_ =	sdelay $0x1  }
0x1cf: {  	v19 =	vmul.f32 v19, v20  }
0x1d0: {  	s11 =	simm.s32 $0x12910  }
0x1d1: {  	[tilespmem:s11+$0xFFFFE000] =	vst v19  }
0x1d2: {  	v19 =	vld [tilespmem:s15+$0xFFFFFE10];
	_ =	sdelay $0x4  }
0x1d3: {  	v19 =	vmul.f32 v19, v20;
	_ =	sdelay $0x1  }
0x1d4: {  	[tilespmem:s11+$0xFFFFE010] =	vst v19  }
0x1d5: {  	v19 =	vld [tilespmem:s15+$0xFFFFFE20];
	_ =	sdelay $0x4  }
0x1d6: {  	v19 =	vmul.f32 v19, v20;
	_ =	sdelay $0x1  }
0x1d7: {  	[tilespmem:s11+$0xFFFFE020] =	vst v19  }
0x1d8: {  	v19 =	vld [tilespmem:s15+$0xFFFFFE30];
	_ =	sdelay $0x4  }
0x1d9: {  	v19 =	vmul.f32 v19, v20;
	_ =	sdelay $0x1  }
0x1da: {  	[tilespmem:s11+$0xFFFFE030] =	vst v19  }
0x1db: {  	v19 =	vld [tilespmem:s15+$0xFFFFFE40];
	_ =	sdelay $0x4  }
0x1dc: {  	v19 =	vmul.f32 v19, v20;
	_ =	sdelay $0x1  }
0x1dd: {  	[tilespmem:s11+$0xFFFFE040] =	vst v19  }
0x1de: {  	v19 =	vld [tilespmem:s15+$0xFFFFFE50];
	_ =	sdelay $0x4  }
0x1df: {  	v19 =	vmul.f32 v19, v20;
	_ =	sdelay $0x1  }
0x1e0: {  	[tilespmem:s11+$0xFFFFE050] =	vst v19  }
0x1e1: {  	v19 =	vld [tilespmem:s15+$0xFFFFFE60];
	_ =	sdelay $0x4  }
0x1e2: {  	v19 =	vmul.f32 v19, v20;
	_ =	sdelay $0x1  }
0x1e3: {  	[tilespmem:s11+$0xFFFFE060] =	vst v19  }
0x1e4: {  	v19 =	vld [tilespmem:s15+$0xFFFFFE70];
	_ =	sdelay $0x4  }
0x1e5: {  	v19 =	vmul.f32 v19, v20;
	_ =	sdelay $0x1  }
0x1e6: {  	[tilespmem:s11+$0xFFFFE070] =	vst v19  }
0x1e7: {  	v19 =	vld [tilespmem:s15+$0xFFFFFE80];
	_ =	sdelay $0x4  }
0x1e8: {  	v19 =	vmul.f32 v19, v20;
	_ =	sdelay $0x1  }
0x1e9: {  	[tilespmem:s11+$0xFFFFE800] =	vst v19  }
0x1ea: {  	v19 =	vld [tilespmem:s15+$0xFFFFFE90];
	_ =	sdelay $0x4  }
0x1eb: {  	v19 =	vmul.f32 v19, v20;
	_ =	sdelay $0x1  }
0x1ec: {  	[tilespmem:s11+$0xFFFFE810] =	vst v19  }
0x1ed: {  	v19 =	vld [tilespmem:s15+$0xFFFFFEA0];
	_ =	sdelay $0x4  }
0x1ee: {  	v19 =	vmul.f32 v19, v20;
	_ =	sdelay $0x1  }
0x1ef: {  	[tilespmem:s11+$0xFFFFE820] =	vst v19  }
0x1f0: {  	v19 =	vld [tilespmem:s15+$0xFFFFFEB0];
	_ =	sdelay $0x4  }
0x1f1: {  	v19 =	vmul.f32 v19, v20;
	_ =	sdelay $0x1  }
0x1f2: {  	[tilespmem:s11+$0xFFFFE830] =	vst v19  }
0x1f3: {  	v19 =	vld [tilespmem:s15+$0xFFFFFEC0];
	_ =	sdelay $0x4  }
0x1f4: {  	v19 =	vmul.f32 v19, v20;
	_ =	sdelay $0x1  }
0x1f5: {  	[tilespmem:s11+$0xFFFFE840] =	vst v19  }
0x1f6: {  	v19 =	vld [tilespmem:s15+$0xFFFFFED0];
	_ =	sdelay $0x4  }
0x1f7: {  	v19 =	vmul.f32 v19, v20;
	_ =	sdelay $0x1  }
0x1f8: {  	[tilespmem:s11+$0xFFFFE850] =	vst v19  }
0x1f9: {  	v19 =	vld [tilespmem:s15+$0xFFFFFEE0];
	_ =	sdelay $0x4  }
0x1fa: {  	v19 =	vmul.f32 v19, v20;
	_ =	sdelay $0x1  }
0x1fb: {  	[tilespmem:s11+$0xFFFFE860] =	vst v19  }
0x1fc: {  	v19 =	vld [tilespmem:s15+$0xFFFFFEF0];
	_ =	sdelay $0x4  }
0x1fd: {  	v19 =	vmul.f32 v19, v20;
	_ =	sdelay $0x1  }
0x1fe: {  	[tilespmem:s11+$0xFFFFE870] =	vst v19  }
0x1ff: {  	v19 =	vld [tilespmem:s15+$0xFFFFFF00];
	_ =	sdelay $0x2  }
0x200: {  	v20 =	vperm.xlane v16, v18;
	_ =	sdelay $0x1  }
0x201: {  	v19 =	vmul.f32 v19, v20;
	_ =	sdelay $0x1  }
0x202: {  	[tilespmem:s11+$0xFFFFF000] =	vst v19  }
0x203: {  	v19 =	vld [tilespmem:s15+$0xFFFFFF10];
	_ =	sdelay $0x4  }
0x204: {  	v19 =	vmul.f32 v19, v20;
	_ =	sdelay $0x1  }
0x205: {  	[tilespmem:s11+$0xFFFFF010] =	vst v19  }
0x206: {  	v19 =	vld [tilespmem:s15+$0xFFFFFF20];
	_ =	sdelay $0x4  }
0x207: {  	v19 =	vmul.f32 v19, v20;
	_ =	sdelay $0x1  }
0x208: {  	[tilespmem:s11+$0xFFFFF020] =	vst v19  }
0x209: {  	v19 =	vld [tilespmem:s15+$0xFFFFFF30];
	_ =	sdelay $0x4  }
0x20a: {  	v19 =	vmul.f32 v19, v20;
	_ =	sdelay $0x1  }
0x20b: {  	[tilespmem:s11+$0xFFFFF030] =	vst v19  }
0x20c: {  	v19 =	vld [tilespmem:s15+$0xFFFFFF40];
	_ =	sdelay $0x4  }
0x20d: {  	v19 =	vmul.f32 v19, v20;
	_ =	sdelay $0x1  }
0x20e: {  	[tilespmem:s11+$0xFFFFF040] =	vst v19  }
0x20f: {  	v19 =	vld [tilespmem:s15+$0xFFFFFF50];
	_ =	sdelay $0x4  }
0x210: {  	v19 =	vmul.f32 v19, v20;
	_ =	sdelay $0x1  }
0x211: {  	[tilespmem:s11+$0xFFFFF050] =	vst v19  }
0x212: {  	v19 =	vld [tilespmem:s15+$0xFFFFFF60];
	_ =	sdelay $0x4  }
0x213: {  	v19 =	vmul.f32 v19, v20;
	_ =	sdelay $0x1  }
0x214: {  	[tilespmem:s11+$0xFFFFF060] =	vst v19  }
0x215: {  	v19 =	vld [tilespmem:s15+$0xFFFFFF70];
	_ =	sdelay $0x4  }
0x216: {  	v19 =	vmul.f32 v19, v20;
	_ =	sdelay $0x1  }
0x217: {  	[tilespmem:s11+$0xFFFFF070] =	vst v19  }
0x218: {  	v19 =	vld [tilespmem:s15+$0xFFFFFF80];
	_ =	sdelay $0x4  }
0x219: {  	v19 =	vmul.f32 v19, v20;
	_ =	sdelay $0x1  }
0x21a: {  	[tilespmem:s11+$0xFFFFF800] =	vst v19  }
0x21b: {  	v19 =	vld [tilespmem:s15+$0xFFFFFF90];
	_ =	sdelay $0x4  }
0x21c: {  	v19 =	vmul.f32 v19, v20;
	_ =	sdelay $0x1  }
0x21d: {  	[tilespmem:s11+$0xFFFFF810] =	vst v19  }
0x21e: {  	v19 =	vld [tilespmem:s15+$0xFFFFFFA0];
	_ =	sdelay $0x4  }
0x21f: {  	v19 =	vmul.f32 v19, v20;
	_ =	sdelay $0x1  }
0x220: {  	[tilespmem:s11+$0xFFFFF820] =	vst v19  }
0x221: {  	v19 =	vld [tilespmem:s15+$0xFFFFFFB0];
	_ =	sdelay $0x4  }
0x222: {  	v19 =	vmul.f32 v19, v20;
	_ =	sdelay $0x1  }
0x223: {  	[tilespmem:s11+$0xFFFFF830] =	vst v19  }
0x224: {  	v19 =	vld [tilespmem:s15+$0xFFFFFFC0];
	_ =	sdelay $0x4  }
0x225: {  	v19 =	vmul.f32 v19, v20;
	_ =	sdelay $0x1  }
0x226: {  	[tilespmem:s11+$0xFFFFF840] =	vst v19  }
0x227: {  	v19 =	vld [tilespmem:s15+$0xFFFFFFD0];
	_ =	sdelay $0x4  }
0x228: {  	v19 =	vmul.f32 v19, v20;
	_ =	sdelay $0x1  }
0x229: {  	[tilespmem:s11+$0xFFFFF850] =	vst v19  }
0x22a: {  	v19 =	vld [tilespmem:s15+$0xFFFFFFE0];
	_ =	sdelay $0x4  }
0x22b: {  	v19 =	vmul.f32 v19, v20;
	_ =	sdelay $0x1  }
0x22c: {  	[tilespmem:s11+$0xFFFFF860] =	vst v19  }
0x22d: {  	v19 =	vld [tilespmem:s15+$0xFFFFFFF0];
	_ =	sdelay $0x4  }
0x22e: {  	v19 =	vmul.f32 v19, v20;
	_ =	sdelay $0x1  }
0x22f: {  	[tilespmem:s11+$0xFFFFF870] =	vst v19  }
0x230: {  	v19 =	vld [tilespmem:s15+$0x0];
	_ =	sdelay $0x2  }
0x231: {  	v20 =	vperm.xlane v15, v18;
	_ =	sdelay $0x1  }
0x232: {  	v19 =	vmul.f32 v19, v20;
	_ =	sdelay $0x1  }
0x233: {  	[tilespmem:s11+$0x0] =	vst v19  }
0x234: {  	v19 =	vld [tilespmem:s15+$0x10];
	_ =	sdelay $0x4  }
0x235: {  	v19 =	vmul.f32 v19, v20;
	_ =	sdelay $0x1  }
0x236: {  	[tilespmem:s11+$0x10] =	vst v19  }
0x237: {  	v19 =	vld [tilespmem:s15+$0x20];
	_ =	sdelay $0x4  }
0x238: {  	v19 =	vmul.f32 v19, v20;
	_ =	sdelay $0x1  }
0x239: {  	[tilespmem:s11+$0x20] =	vst v19  }
0x23a: {  	v19 =	vld [tilespmem:s15+$0x30];
	_ =	sdelay $0x4  }
0x23b: {  	v19 =	vmul.f32 v19, v20;
	_ =	sdelay $0x1  }
0x23c: {  	[tilespmem:s11+$0x30] =	vst v19  }
0x23d: {  	v19 =	vld [tilespmem:s15+$0x40];
	_ =	sdelay $0x4  }
0x23e: {  	v19 =	vmul.f32 v19, v20;
	_ =	sdelay $0x1  }
0x23f: {  	[tilespmem:s11+$0x40] =	vst v19  }
0x240: {  	v19 =	vld [tilespmem:s15+$0x50];
	_ =	sdelay $0x4  }
0x241: {  	v19 =	vmul.f32 v19, v20;
	_ =	sdelay $0x1  }
0x242: {  	[tilespmem:s11+$0x50] =	vst v19  }
0x243: {  	v19 =	vld [tilespmem:s15+$0x60];
	_ =	sdelay $0x4  }
0x244: {  	v19 =	vmul.f32 v19, v20;
	_ =	sdelay $0x1  }
0x245: {  	[tilespmem:s11+$0x60] =	vst v19  }
0x246: {  	v19 =	vld [tilespmem:s15+$0x70];
	_ =	sdelay $0x4  }
0x247: {  	v19 =	vmul.f32 v19, v20;
	_ =	sdelay $0x1  }
0x248: {  	[tilespmem:s11+$0x70] =	vst v19  }
0x249: {  	v19 =	vld [tilespmem:s15+$0x80];
	_ =	sdelay $0x4  }
0x24a: {  	v19 =	vmul.f32 v19, v20;
	_ =	sdelay $0x1  }
0x24b: {  	[tilespmem:s11+$0x800] =	vst v19  }
0x24c: {  	v19 =	vld [tilespmem:s15+$0x90];
	_ =	sdelay $0x4  }
0x24d: {  	v19 =	vmul.f32 v19, v20;
	_ =	sdelay $0x1  }
0x24e: {  	[tilespmem:s11+$0x810] =	vst v19  }
0x24f: {  	v19 =	vld [tilespmem:s15+$0xA0];
	_ =	sdelay $0x4  }
0x250: {  	v19 =	vmul.f32 v19, v20;
	_ =	sdelay $0x1  }
0x251: {  	[tilespmem:s11+$0x820] =	vst v19  }
0x252: {  	v19 =	vld [tilespmem:s15+$0xB0];
	_ =	sdelay $0x4  }
0x253: {  	v19 =	vmul.f32 v19, v20;
	_ =	sdelay $0x1  }
0x254: {  	[tilespmem:s11+$0x830] =	vst v19  }
0x255: {  	v19 =	vld [tilespmem:s15+$0xC0];
	_ =	sdelay $0x4  }
0x256: {  	v19 =	vmul.f32 v19, v20;
	_ =	sdelay $0x1  }
0x257: {  	[tilespmem:s11+$0x840] =	vst v19  }
0x258: {  	v19 =	vld [tilespmem:s15+$0xD0];
	_ =	sdelay $0x4  }
0x259: {  	v19 =	vmul.f32 v19, v20;
	_ =	sdelay $0x1  }
0x25a: {  	[tilespmem:s11+$0x850] =	vst v19  }
0x25b: {  	v19 =	vld [tilespmem:s15+$0xE0];
	_ =	sdelay $0x4  }
0x25c: {  	v19 =	vmul.f32 v19, v20;
	_ =	sdelay $0x1  }
0x25d: {  	[tilespmem:s11+$0x860] =	vst v19  }
0x25e: {  	v19 =	vld [tilespmem:s15+$0xF0];
	_ =	sdelay $0x4  }
0x25f: {  	v19 =	vmul.f32 v19, v20;
	_ =	sdelay $0x1  }
0x260: {  	[tilespmem:s11+$0x870] =	vst v19  }
0x261: {  	v19 =	vld [tilespmem:s15+$0x100];
	_ =	sdelay $0x2  }
0x262: {  	v18 =	vperm.xlane v14, v18;
	_ =	sdelay $0x1  }
0x263: {  	v19 =	vmul.f32 v19, v18;
	_ =	sdelay $0x1  }
0x264: {  	[tilespmem:s11+$0x1000] =	vst v19  }
0x265: {  	v19 =	vld [tilespmem:s15+$0x110];
	_ =	sdelay $0x4  }
0x266: {  	v19 =	vmul.f32 v19, v18;
	_ =	sdelay $0x1  }
0x267: {  	[tilespmem:s11+$0x1010] =	vst v19  }
0x268: {  	v19 =	vld [tilespmem:s15+$0x120];
	_ =	sdelay $0x4  }
0x269: {  	v19 =	vmul.f32 v19, v18;
	_ =	sdelay $0x1  }
0x26a: {  	[tilespmem:s11+$0x1020] =	vst v19  }
0x26b: {  	v19 =	vld [tilespmem:s15+$0x130];
	_ =	sdelay $0x4  }
0x26c: {  	v19 =	vmul.f32 v19, v18;
	_ =	sdelay $0x1  }
0x26d: {  	[tilespmem:s11+$0x1030] =	vst v19  }
0x26e: {  	v19 =	vld [tilespmem:s15+$0x140];
	_ =	sdelay $0x4  }
0x26f: {  	v19 =	vmul.f32 v19, v18;
	_ =	sdelay $0x1  }
0x270: {  	[tilespmem:s11+$0x1040] =	vst v19  }
0x271: {  	v19 =	vld [tilespmem:s15+$0x150];
	_ =	sdelay $0x4  }
0x272: {  	v19 =	vmul.f32 v19, v18;
	_ =	sdelay $0x1  }
0x273: {  	[tilespmem:s11+$0x1050] =	vst v19  }
0x274: {  	v19 =	vld [tilespmem:s15+$0x160];
	_ =	sdelay $0x4  }
0x275: {  	v19 =	vmul.f32 v19, v18;
	_ =	sdelay $0x1  }
0x276: {  	[tilespmem:s11+$0x1060] =	vst v19  }
0x277: {  	v19 =	vld [tilespmem:s15+$0x170];
	_ =	sdelay $0x4  }
0x278: {  	v19 =	vmul.f32 v19, v18;
	_ =	sdelay $0x1  }
0x279: {  	[tilespmem:s11+$0x1070] =	vst v19  }
0x27a: {  	v19 =	vld [tilespmem:s15+$0x180];
	_ =	sdelay $0x4  }
0x27b: {  	v19 =	vmul.f32 v19, v18;
	_ =	sdelay $0x1  }
0x27c: {  	[tilespmem:s11+$0x1800] =	vst v19  }
0x27d: {  	v19 =	vld [tilespmem:s15+$0x190];
	_ =	sdelay $0x4  }
0x27e: {  	v19 =	vmul.f32 v19, v18;
	_ =	sdelay $0x1  }
0x27f: {  	[tilespmem:s11+$0x1810] =	vst v19  }
0x280: {  	v19 =	vld [tilespmem:s15+$0x1A0];
	_ =	sdelay $0x4  }
0x281: {  	v19 =	vmul.f32 v19, v18;
	_ =	sdelay $0x1  }
0x282: {  	[tilespmem:s11+$0x1820] =	vst v19  }
0x283: {  	v19 =	vld [tilespmem:s15+$0x1B0];
	_ =	sdelay $0x4  }
0x284: {  	v19 =	vmul.f32 v19, v18;
	_ =	sdelay $0x1  }
0x285: {  	[tilespmem:s11+$0x1830] =	vst v19  }
0x286: {  	v19 =	vld [tilespmem:s15+$0x1C0];
	_ =	sdelay $0x4  }
0x287: {  	v19 =	vmul.f32 v19, v18;
	_ =	sdelay $0x1  }
0x288: {  	[tilespmem:s11+$0x1840] =	vst v19  }
0x289: {  	v19 =	vld [tilespmem:s15+$0x1D0];
	_ =	sdelay $0x4  }
0x28a: {  	v19 =	vmul.f32 v19, v18;
	_ =	sdelay $0x1  }
0x28b: {  	[tilespmem:s11+$0x1850] =	vst v19  }
0x28c: {  	v19 =	vld [tilespmem:s15+$0x1E0];
	_ =	sdelay $0x4  }
0x28d: {  	v19 =	vmul.f32 v19, v18;
	_ =	sdelay $0x1  }
0x28e: {  	[tilespmem:s11+$0x1860] =	vst v19  }
0x28f: {  	v19 =	vld [tilespmem:s15+$0x1F0];
	_ =	sdelay $0x4  }
0x290: {  	v18 =	vmul.f32 v19, v18;
	_ =	sdelay $0x1  }
0x291: {  	s15 =	simm.s32 $0x8F10;
	[tilespmem:s11+$0x1870] =	vst v18  }
0x292: {  	s21 =	simm.s32 $0x1;
	s30 =	simm.s32 $0x2;
	v20 =	vld [tilespmem:s15+$0xFFFFFE00]  }
.LBB2_27:
0x293: {  	p0 =	sne.s32 s30, $0xF  }
0x294: {  	v18 =	vmov s21;
	s21 =	smov.u32 s30  }
0x295: {  	v19 =	vperm.xlane v17, v18;
	_ =	sdelay $0x1  }
0x296: {  	v20 =	vmul.f32 v20, v19  }
0x297: {  	s11 =	sadd.s32 $0x80, s11  }
0x298: {  	[tilespmem:s11+$0xFFFFE000] =	vst v20  }
0x299: {  	v20 =	vld [tilespmem:s15+$0xFFFFFE10];
	_ =	sdelay $0x4  }
0x29a: {  	v20 =	vmul.f32 v20, v19;
	_ =	sdelay $0x1  }
0x29b: {  	[tilespmem:s11+$0xFFFFE010] =	vst v20  }
0x29c: {  	v20 =	vld [tilespmem:s15+$0xFFFFFE20];
	_ =	sdelay $0x4  }
0x29d: {  	v20 =	vmul.f32 v20, v19;
	_ =	sdelay $0x1  }
0x29e: {  	[tilespmem:s11+$0xFFFFE020] =	vst v20  }
0x29f: {  	v20 =	vld [tilespmem:s15+$0xFFFFFE30];
	_ =	sdelay $0x4  }
0x2a0: {  	v20 =	vmul.f32 v20, v19;
	_ =	sdelay $0x1  }
0x2a1: {  	[tilespmem:s11+$0xFFFFE030] =	vst v20  }
0x2a2: {  	v20 =	vld [tilespmem:s15+$0xFFFFFE40];
	_ =	sdelay $0x4  }
0x2a3: {  	v20 =	vmul.f32 v20, v19;
	_ =	sdelay $0x1  }
0x2a4: {  	[tilespmem:s11+$0xFFFFE040] =	vst v20  }
0x2a5: {  	v20 =	vld [tilespmem:s15+$0xFFFFFE50];
	_ =	sdelay $0x4  }
0x2a6: {  	v20 =	vmul.f32 v20, v19;
	_ =	sdelay $0x1  }
0x2a7: {  	[tilespmem:s11+$0xFFFFE050] =	vst v20  }
0x2a8: {  	v20 =	vld [tilespmem:s15+$0xFFFFFE60];
	_ =	sdelay $0x4  }
0x2a9: {  	v20 =	vmul.f32 v20, v19;
	_ =	sdelay $0x1  }
0x2aa: {  	[tilespmem:s11+$0xFFFFE060] =	vst v20  }
0x2ab: {  	v20 =	vld [tilespmem:s15+$0xFFFFFE70];
	_ =	sdelay $0x4  }
0x2ac: {  	v20 =	vmul.f32 v20, v19;
	_ =	sdelay $0x1  }
0x2ad: {  	[tilespmem:s11+$0xFFFFE070] =	vst v20  }
0x2ae: {  	v20 =	vld [tilespmem:s15+$0xFFFFFE80];
	_ =	sdelay $0x4  }
0x2af: {  	v20 =	vmul.f32 v20, v19;
	_ =	sdelay $0x1  }
0x2b0: {  	[tilespmem:s11+$0xFFFFE800] =	vst v20  }
0x2b1: {  	v20 =	vld [tilespmem:s15+$0xFFFFFE90];
	_ =	sdelay $0x4  }
0x2b2: {  	v20 =	vmul.f32 v20, v19;
	_ =	sdelay $0x1  }
0x2b3: {  	[tilespmem:s11+$0xFFFFE810] =	vst v20  }
0x2b4: {  	v20 =	vld [tilespmem:s15+$0xFFFFFEA0];
	_ =	sdelay $0x4  }
0x2b5: {  	v20 =	vmul.f32 v20, v19;
	_ =	sdelay $0x1  }
0x2b6: {  	[tilespmem:s11+$0xFFFFE820] =	vst v20  }
0x2b7: {  	v20 =	vld [tilespmem:s15+$0xFFFFFEB0];
	_ =	sdelay $0x4  }
0x2b8: {  	v20 =	vmul.f32 v20, v19;
	_ =	sdelay $0x1  }
0x2b9: {  	[tilespmem:s11+$0xFFFFE830] =	vst v20  }
0x2ba: {  	v20 =	vld [tilespmem:s15+$0xFFFFFEC0];
	_ =	sdelay $0x4  }
0x2bb: {  	v20 =	vmul.f32 v20, v19;
	_ =	sdelay $0x1  }
0x2bc: {  	[tilespmem:s11+$0xFFFFE840] =	vst v20  }
0x2bd: {  	v20 =	vld [tilespmem:s15+$0xFFFFFED0];
	_ =	sdelay $0x4  }
0x2be: {  	v20 =	vmul.f32 v20, v19;
	_ =	sdelay $0x1  }
0x2bf: {  	[tilespmem:s11+$0xFFFFE850] =	vst v20  }
0x2c0: {  	v20 =	vld [tilespmem:s15+$0xFFFFFEE0];
	_ =	sdelay $0x4  }
0x2c1: {  	v20 =	vmul.f32 v20, v19;
	_ =	sdelay $0x1  }
0x2c2: {  	[tilespmem:s11+$0xFFFFE860] =	vst v20  }
0x2c3: {  	v20 =	vld [tilespmem:s15+$0xFFFFFEF0];
	_ =	sdelay $0x4  }
0x2c4: {  	v19 =	vmul.f32 v20, v19;
	_ =	sdelay $0x1  }
0x2c5: {  	[tilespmem:s11+$0xFFFFE870] =	vst v19  }
0x2c6: {  	v20 =	vld [tilespmem:s15+$0xFFFFFF00];
	_ =	sdelay $0x2  }
0x2c7: {  	v19 =	vperm.xlane v16, v18;
	_ =	sdelay $0x1  }
0x2c8: {  	v20 =	vmul.f32 v20, v19;
	_ =	sdelay $0x1  }
0x2c9: {  	[tilespmem:s11+$0xFFFFF000] =	vst v20  }
0x2ca: {  	v20 =	vld [tilespmem:s15+$0xFFFFFF10];
	_ =	sdelay $0x4  }
0x2cb: {  	v20 =	vmul.f32 v20, v19;
	_ =	sdelay $0x1  }
0x2cc: {  	[tilespmem:s11+$0xFFFFF010] =	vst v20  }
0x2cd: {  	v20 =	vld [tilespmem:s15+$0xFFFFFF20];
	_ =	sdelay $0x4  }
0x2ce: {  	v20 =	vmul.f32 v20, v19;
	_ =	sdelay $0x1  }
0x2cf: {  	[tilespmem:s11+$0xFFFFF020] =	vst v20  }
0x2d0: {  	v20 =	vld [tilespmem:s15+$0xFFFFFF30];
	_ =	sdelay $0x4  }
0x2d1: {  	v20 =	vmul.f32 v20, v19;
	_ =	sdelay $0x1  }
0x2d2: {  	[tilespmem:s11+$0xFFFFF030] =	vst v20  }
0x2d3: {  	v20 =	vld [tilespmem:s15+$0xFFFFFF40];
	_ =	sdelay $0x4  }
0x2d4: {  	v20 =	vmul.f32 v20, v19;
	_ =	sdelay $0x1  }
0x2d5: {  	[tilespmem:s11+$0xFFFFF040] =	vst v20  }
0x2d6: {  	v20 =	vld [tilespmem:s15+$0xFFFFFF50];
	_ =	sdelay $0x4  }
0x2d7: {  	v20 =	vmul.f32 v20, v19;
	_ =	sdelay $0x1  }
0x2d8: {  	[tilespmem:s11+$0xFFFFF050] =	vst v20  }
0x2d9: {  	v20 =	vld [tilespmem:s15+$0xFFFFFF60];
	_ =	sdelay $0x4  }
0x2da: {  	v20 =	vmul.f32 v20, v19;
	_ =	sdelay $0x1  }
0x2db: {  	[tilespmem:s11+$0xFFFFF060] =	vst v20  }
0x2dc: {  	v20 =	vld [tilespmem:s15+$0xFFFFFF70];
	_ =	sdelay $0x4  }
0x2dd: {  	v20 =	vmul.f32 v20, v19;
	_ =	sdelay $0x1  }
0x2de: {  	[tilespmem:s11+$0xFFFFF070] =	vst v20  }
0x2df: {  	v20 =	vld [tilespmem:s15+$0xFFFFFF80];
	_ =	sdelay $0x4  }
0x2e0: {  	v20 =	vmul.f32 v20, v19;
	_ =	sdelay $0x1  }
0x2e1: {  	[tilespmem:s11+$0xFFFFF800] =	vst v20  }
0x2e2: {  	v20 =	vld [tilespmem:s15+$0xFFFFFF90];
	_ =	sdelay $0x4  }
0x2e3: {  	v20 =	vmul.f32 v20, v19;
	_ =	sdelay $0x1  }
0x2e4: {  	[tilespmem:s11+$0xFFFFF810] =	vst v20  }
0x2e5: {  	v20 =	vld [tilespmem:s15+$0xFFFFFFA0];
	_ =	sdelay $0x4  }
0x2e6: {  	v20 =	vmul.f32 v20, v19;
	_ =	sdelay $0x1  }
0x2e7: {  	[tilespmem:s11+$0xFFFFF820] =	vst v20  }
0x2e8: {  	v20 =	vld [tilespmem:s15+$0xFFFFFFB0];
	_ =	sdelay $0x4  }
0x2e9: {  	v20 =	vmul.f32 v20, v19;
	_ =	sdelay $0x1  }
0x2ea: {  	[tilespmem:s11+$0xFFFFF830] =	vst v20  }
0x2eb: {  	v20 =	vld [tilespmem:s15+$0xFFFFFFC0];
	_ =	sdelay $0x4  }
0x2ec: {  	v20 =	vmul.f32 v20, v19;
	_ =	sdelay $0x1  }
0x2ed: {  	[tilespmem:s11+$0xFFFFF840] =	vst v20  }
0x2ee: {  	v20 =	vld [tilespmem:s15+$0xFFFFFFD0];
	_ =	sdelay $0x4  }
0x2ef: {  	v20 =	vmul.f32 v20, v19;
	_ =	sdelay $0x1  }
0x2f0: {  	[tilespmem:s11+$0xFFFFF850] =	vst v20  }
0x2f1: {  	v20 =	vld [tilespmem:s15+$0xFFFFFFE0];
	_ =	sdelay $0x4  }
0x2f2: {  	v20 =	vmul.f32 v20, v19;
	_ =	sdelay $0x1  }
0x2f3: {  	[tilespmem:s11+$0xFFFFF860] =	vst v20  }
0x2f4: {  	v20 =	vld [tilespmem:s15+$0xFFFFFFF0];
	_ =	sdelay $0x4  }
0x2f5: {  	v19 =	vmul.f32 v20, v19;
	_ =	sdelay $0x1  }
0x2f6: {  	[tilespmem:s11+$0xFFFFF870] =	vst v19  }
0x2f7: {  	v20 =	vld [tilespmem:s15+$0x0];
	_ =	sdelay $0x2  }
0x2f8: {  	v19 =	vperm.xlane v15, v18;
	_ =	sdelay $0x1  }
0x2f9: {  	v20 =	vmul.f32 v20, v19;
	_ =	sdelay $0x1  }
0x2fa: {  	[tilespmem:s11+$0x0] =	vst v20  }
0x2fb: {  	v20 =	vld [tilespmem:s15+$0x10];
	_ =	sdelay $0x4  }
0x2fc: {  	v20 =	vmul.f32 v20, v19;
	_ =	sdelay $0x1  }
0x2fd: {  	[tilespmem:s11+$0x10] =	vst v20  }
0x2fe: {  	v20 =	vld [tilespmem:s15+$0x20];
	_ =	sdelay $0x4  }
0x2ff: {  	v20 =	vmul.f32 v20, v19;
	_ =	sdelay $0x1  }
0x300: {  	[tilespmem:s11+$0x20] =	vst v20  }
0x301: {  	v20 =	vld [tilespmem:s15+$0x30];
	_ =	sdelay $0x4  }
0x302: {  	v20 =	vmul.f32 v20, v19;
	_ =	sdelay $0x1  }
0x303: {  	[tilespmem:s11+$0x30] =	vst v20  }
0x304: {  	v20 =	vld [tilespmem:s15+$0x40];
	_ =	sdelay $0x4  }
0x305: {  	v20 =	vmul.f32 v20, v19;
	_ =	sdelay $0x1  }
0x306: {  	[tilespmem:s11+$0x40] =	vst v20  }
0x307: {  	v20 =	vld [tilespmem:s15+$0x50];
	_ =	sdelay $0x4  }
0x308: {  	v20 =	vmul.f32 v20, v19;
	_ =	sdelay $0x1  }
0x309: {  	[tilespmem:s11+$0x50] =	vst v20  }
0x30a: {  	v20 =	vld [tilespmem:s15+$0x60];
	_ =	sdelay $0x4  }
0x30b: {  	v20 =	vmul.f32 v20, v19;
	_ =	sdelay $0x1  }
0x30c: {  	[tilespmem:s11+$0x60] =	vst v20  }
0x30d: {  	v20 =	vld [tilespmem:s15+$0x70];
	_ =	sdelay $0x4  }
0x30e: {  	v20 =	vmul.f32 v20, v19;
	_ =	sdelay $0x1  }
0x30f: {  	[tilespmem:s11+$0x70] =	vst v20  }
0x310: {  	v20 =	vld [tilespmem:s15+$0x80];
	_ =	sdelay $0x4  }
0x311: {  	v20 =	vmul.f32 v20, v19;
	_ =	sdelay $0x1  }
0x312: {  	[tilespmem:s11+$0x800] =	vst v20  }
0x313: {  	v20 =	vld [tilespmem:s15+$0x90];
	_ =	sdelay $0x4  }
0x314: {  	v20 =	vmul.f32 v20, v19;
	_ =	sdelay $0x1  }
0x315: {  	[tilespmem:s11+$0x810] =	vst v20  }
0x316: {  	v20 =	vld [tilespmem:s15+$0xA0];
	_ =	sdelay $0x4  }
0x317: {  	v20 =	vmul.f32 v20, v19;
	_ =	sdelay $0x1  }
0x318: {  	[tilespmem:s11+$0x820] =	vst v20  }
0x319: {  	v20 =	vld [tilespmem:s15+$0xB0];
	_ =	sdelay $0x4  }
0x31a: {  	v20 =	vmul.f32 v20, v19;
	_ =	sdelay $0x1  }
0x31b: {  	[tilespmem:s11+$0x830] =	vst v20  }
0x31c: {  	v20 =	vld [tilespmem:s15+$0xC0];
	_ =	sdelay $0x4  }
0x31d: {  	v20 =	vmul.f32 v20, v19;
	_ =	sdelay $0x1  }
0x31e: {  	[tilespmem:s11+$0x840] =	vst v20  }
0x31f: {  	v20 =	vld [tilespmem:s15+$0xD0];
	_ =	sdelay $0x4  }
0x320: {  	v20 =	vmul.f32 v20, v19;
	_ =	sdelay $0x1  }
0x321: {  	[tilespmem:s11+$0x850] =	vst v20  }
0x322: {  	v20 =	vld [tilespmem:s15+$0xE0];
	_ =	sdelay $0x4  }
0x323: {  	v20 =	vmul.f32 v20, v19;
	_ =	sdelay $0x1  }
0x324: {  	[tilespmem:s11+$0x860] =	vst v20  }
0x325: {  	v20 =	vld [tilespmem:s15+$0xF0];
	_ =	sdelay $0x4  }
0x326: {  	v19 =	vmul.f32 v20, v19;
	_ =	sdelay $0x1  }
0x327: {  	[tilespmem:s11+$0x870] =	vst v19  }
0x328: {  	v19 =	vld [tilespmem:s15+$0x100];
	_ =	sdelay $0x2  }
0x329: {  	v18 =	vperm.xlane v14, v18;
	_ =	sdelay $0x1  }
0x32a: {  	v19 =	vmul.f32 v19, v18;
	_ =	sdelay $0x1  }
0x32b: {  	[tilespmem:s11+$0x1000] =	vst v19  }
0x32c: {  	v19 =	vld [tilespmem:s15+$0x110];
	_ =	sdelay $0x4  }
0x32d: {  	v19 =	vmul.f32 v19, v18;
	_ =	sdelay $0x1  }
0x32e: {  	[tilespmem:s11+$0x1010] =	vst v19  }
0x32f: {  	v19 =	vld [tilespmem:s15+$0x120];
	_ =	sdelay $0x4  }
0x330: {  	v19 =	vmul.f32 v19, v18;
	_ =	sdelay $0x1  }
0x331: {  	[tilespmem:s11+$0x1020] =	vst v19  }
0x332: {  	v19 =	vld [tilespmem:s15+$0x130];
	_ =	sdelay $0x4  }
0x333: {  	v19 =	vmul.f32 v19, v18;
	_ =	sdelay $0x1  }
0x334: {  	[tilespmem:s11+$0x1030] =	vst v19  }
0x335: {  	v19 =	vld [tilespmem:s15+$0x140];
	_ =	sdelay $0x4  }
0x336: {  	v19 =	vmul.f32 v19, v18;
	_ =	sdelay $0x1  }
0x337: {  	[tilespmem:s11+$0x1040] =	vst v19  }
0x338: {  	v19 =	vld [tilespmem:s15+$0x150];
	_ =	sdelay $0x4  }
0x339: {  	v19 =	vmul.f32 v19, v18;
	_ =	sdelay $0x1  }
0x33a: {  	[tilespmem:s11+$0x1050] =	vst v19  }
0x33b: {  	v19 =	vld [tilespmem:s15+$0x160];
	_ =	sdelay $0x4  }
0x33c: {  	v19 =	vmul.f32 v19, v18;
	_ =	sdelay $0x1  }
0x33d: {  	[tilespmem:s11+$0x1060] =	vst v19  }
0x33e: {  	v19 =	vld [tilespmem:s15+$0x170];
	_ =	sdelay $0x4  }
0x33f: {  	v19 =	vmul.f32 v19, v18;
	_ =	sdelay $0x1  }
0x340: {  	[tilespmem:s11+$0x1070] =	vst v19  }
0x341: {  	v19 =	vld [tilespmem:s15+$0x180];
	_ =	sdelay $0x4  }
0x342: {  	v19 =	vmul.f32 v19, v18;
	_ =	sdelay $0x1  }
0x343: {  	[tilespmem:s11+$0x1800] =	vst v19  }
0x344: {  	v19 =	vld [tilespmem:s15+$0x190];
	_ =	sdelay $0x4  }
0x345: {  	v19 =	vmul.f32 v19, v18;
	_ =	sdelay $0x1  }
0x346: {  	[tilespmem:s11+$0x1810] =	vst v19  }
0x347: {  	v19 =	vld [tilespmem:s15+$0x1A0];
	_ =	sdelay $0x4  }
0x348: {  	v19 =	vmul.f32 v19, v18;
	_ =	sdelay $0x1  }
0x349: {  	[tilespmem:s11+$0x1820] =	vst v19  }
0x34a: {  	v19 =	vld [tilespmem:s15+$0x1B0];
	_ =	sdelay $0x4  }
0x34b: {  	v19 =	vmul.f32 v19, v18;
	_ =	sdelay $0x1  }
0x34c: {  	[tilespmem:s11+$0x1830] =	vst v19  }
0x34d: {  	v19 =	vld [tilespmem:s15+$0x1C0];
	_ =	sdelay $0x4  }
0x34e: {  	v19 =	vmul.f32 v19, v18;
	_ =	sdelay $0x1  }
0x34f: {  	[tilespmem:s11+$0x1840] =	vst v19  }
0x350: {  	v19 =	vld [tilespmem:s15+$0x1D0];
	_ =	sdelay $0x4  }
0x351: {  	v19 =	vmul.f32 v19, v18;
	_ =	sdelay $0x1  }
0x352: {  	[tilespmem:s11+$0x1850] =	vst v19  }
0x353: {  	v19 =	vld [tilespmem:s15+$0x1E0];
	_ =	sdelay $0x4  }
0x354: {  	v19 =	vmul.f32 v19, v18;
	_ =	sdelay $0x1  }
0x355: {  	[tilespmem:s11+$0x1860] =	vst v19  }
0x356: {  	v19 =	vld [tilespmem:s15+$0x1F0];
	_ =	sdelay $0x3  }
.Ltmp16:
0x357: {  	(pc) =	sbr.rel @p0 .LBB2_27-.Ltmp16, $3  }
0x358: {  	v18 =	vmul.f32 v19, v18;
	_ =	sdelay $0x1  }
0x359: {  	s15 =	sadd.s32 $0x400, s15;
	[tilespmem:s11+$0x1870] =	vst v18  }
0x35a: {  	s30 =	sadd.s32 $0x1, s30;
	v20 =	vld [tilespmem:s15+$0xFFFFFE00]  }
0x35b: {  	_ = 	snop  }
0x35c: {  	v18 =	vmov s21  }
0x35d: {  	v17 =	vperm.xlane v17, v18;
	_ =	sdelay $0x1  }
0x35e: {  	v19 =	vmul.f32 v20, v17  }
0x35f: {  	s11 =	sadd.s32 $0x80, s11  }
0x360: {  	[tilespmem:s11+$0xFFFFE000] =	vst v19  }
0x361: {  	v19 =	vld [tilespmem:s15+$0xFFFFFE10];
	_ =	sdelay $0x4  }
0x362: {  	v19 =	vmul.f32 v19, v17;
	_ =	sdelay $0x1  }
0x363: {  	[tilespmem:s11+$0xFFFFE010] =	vst v19  }
0x364: {  	v19 =	vld [tilespmem:s15+$0xFFFFFE20];
	_ =	sdelay $0x4  }
0x365: {  	v19 =	vmul.f32 v19, v17;
	_ =	sdelay $0x1  }
0x366: {  	[tilespmem:s11+$0xFFFFE020] =	vst v19  }
0x367: {  	v19 =	vld [tilespmem:s15+$0xFFFFFE30];
	_ =	sdelay $0x4  }
0x368: {  	v19 =	vmul.f32 v19, v17;
	_ =	sdelay $0x1  }
0x369: {  	[tilespmem:s11+$0xFFFFE030] =	vst v19  }
0x36a: {  	v19 =	vld [tilespmem:s15+$0xFFFFFE40];
	_ =	sdelay $0x4  }
0x36b: {  	v19 =	vmul.f32 v19, v17;
	_ =	sdelay $0x1  }
0x36c: {  	[tilespmem:s11+$0xFFFFE040] =	vst v19  }
0x36d: {  	v19 =	vld [tilespmem:s15+$0xFFFFFE50];
	_ =	sdelay $0x4  }
0x36e: {  	v19 =	vmul.f32 v19, v17;
	_ =	sdelay $0x1  }
0x36f: {  	[tilespmem:s11+$0xFFFFE050] =	vst v19  }
0x370: {  	v19 =	vld [tilespmem:s15+$0xFFFFFE60];
	_ =	sdelay $0x4  }
0x371: {  	v19 =	vmul.f32 v19, v17;
	_ =	sdelay $0x1  }
0x372: {  	[tilespmem:s11+$0xFFFFE060] =	vst v19  }
0x373: {  	v19 =	vld [tilespmem:s15+$0xFFFFFE70];
	_ =	sdelay $0x4  }
0x374: {  	v19 =	vmul.f32 v19, v17;
	_ =	sdelay $0x1  }
0x375: {  	[tilespmem:s11+$0xFFFFE070] =	vst v19  }
0x376: {  	v19 =	vld [tilespmem:s15+$0xFFFFFE80];
	_ =	sdelay $0x4  }
0x377: {  	v19 =	vmul.f32 v19, v17;
	_ =	sdelay $0x1  }
0x378: {  	[tilespmem:s11+$0xFFFFE800] =	vst v19  }
0x379: {  	v19 =	vld [tilespmem:s15+$0xFFFFFE90];
	_ =	sdelay $0x4  }
0x37a: {  	v19 =	vmul.f32 v19, v17;
	_ =	sdelay $0x1  }
0x37b: {  	[tilespmem:s11+$0xFFFFE810] =	vst v19  }
0x37c: {  	v19 =	vld [tilespmem:s15+$0xFFFFFEA0];
	_ =	sdelay $0x4  }
0x37d: {  	v19 =	vmul.f32 v19, v17;
	_ =	sdelay $0x1  }
0x37e: {  	[tilespmem:s11+$0xFFFFE820] =	vst v19  }
0x37f: {  	v19 =	vld [tilespmem:s15+$0xFFFFFEB0];
	_ =	sdelay $0x4  }
0x380: {  	v19 =	vmul.f32 v19, v17;
	_ =	sdelay $0x1  }
0x381: {  	[tilespmem:s11+$0xFFFFE830] =	vst v19  }
0x382: {  	v19 =	vld [tilespmem:s15+$0xFFFFFEC0];
	_ =	sdelay $0x4  }
0x383: {  	v19 =	vmul.f32 v19, v17;
	_ =	sdelay $0x1  }
0x384: {  	[tilespmem:s11+$0xFFFFE840] =	vst v19  }
0x385: {  	v19 =	vld [tilespmem:s15+$0xFFFFFED0];
	_ =	sdelay $0x4  }
0x386: {  	v19 =	vmul.f32 v19, v17;
	_ =	sdelay $0x1  }
0x387: {  	[tilespmem:s11+$0xFFFFE850] =	vst v19  }
0x388: {  	v19 =	vld [tilespmem:s15+$0xFFFFFEE0];
	_ =	sdelay $0x4  }
0x389: {  	v19 =	vmul.f32 v19, v17;
	_ =	sdelay $0x1  }
0x38a: {  	[tilespmem:s11+$0xFFFFE860] =	vst v19  }
0x38b: {  	v19 =	vld [tilespmem:s15+$0xFFFFFEF0];
	_ =	sdelay $0x4  }
0x38c: {  	v17 =	vmul.f32 v19, v17;
	_ =	sdelay $0x1  }
0x38d: {  	[tilespmem:s11+$0xFFFFE870] =	vst v17  }
0x38e: {  	v17 =	vld [tilespmem:s15+$0xFFFFFF00];
	_ =	sdelay $0x2  }
0x38f: {  	v16 =	vperm.xlane v16, v18;
	_ =	sdelay $0x1  }
0x390: {  	v17 =	vmul.f32 v17, v16;
	_ =	sdelay $0x1  }
0x391: {  	[tilespmem:s11+$0xFFFFF000] =	vst v17  }
0x392: {  	v17 =	vld [tilespmem:s15+$0xFFFFFF10];
	_ =	sdelay $0x4  }
0x393: {  	v17 =	vmul.f32 v17, v16;
	_ =	sdelay $0x1  }
0x394: {  	[tilespmem:s11+$0xFFFFF010] =	vst v17  }
0x395: {  	v17 =	vld [tilespmem:s15+$0xFFFFFF20];
	_ =	sdelay $0x4  }
0x396: {  	v17 =	vmul.f32 v17, v16;
	_ =	sdelay $0x1  }
0x397: {  	[tilespmem:s11+$0xFFFFF020] =	vst v17  }
0x398: {  	v17 =	vld [tilespmem:s15+$0xFFFFFF30];
	_ =	sdelay $0x4  }
0x399: {  	v17 =	vmul.f32 v17, v16;
	_ =	sdelay $0x1  }
0x39a: {  	[tilespmem:s11+$0xFFFFF030] =	vst v17  }
0x39b: {  	v17 =	vld [tilespmem:s15+$0xFFFFFF40];
	_ =	sdelay $0x4  }
0x39c: {  	v17 =	vmul.f32 v17, v16;
	_ =	sdelay $0x1  }
0x39d: {  	[tilespmem:s11+$0xFFFFF040] =	vst v17  }
0x39e: {  	v17 =	vld [tilespmem:s15+$0xFFFFFF50];
	_ =	sdelay $0x4  }
0x39f: {  	v17 =	vmul.f32 v17, v16;
	_ =	sdelay $0x1  }
0x3a0: {  	[tilespmem:s11+$0xFFFFF050] =	vst v17  }
0x3a1: {  	v17 =	vld [tilespmem:s15+$0xFFFFFF60];
	_ =	sdelay $0x4  }
0x3a2: {  	v17 =	vmul.f32 v17, v16;
	_ =	sdelay $0x1  }
0x3a3: {  	[tilespmem:s11+$0xFFFFF060] =	vst v17  }
0x3a4: {  	v17 =	vld [tilespmem:s15+$0xFFFFFF70];
	_ =	sdelay $0x4  }
0x3a5: {  	v17 =	vmul.f32 v17, v16;
	_ =	sdelay $0x1  }
0x3a6: {  	[tilespmem:s11+$0xFFFFF070] =	vst v17  }
0x3a7: {  	v17 =	vld [tilespmem:s15+$0xFFFFFF80];
	_ =	sdelay $0x4  }
0x3a8: {  	v17 =	vmul.f32 v17, v16;
	_ =	sdelay $0x1  }
0x3a9: {  	[tilespmem:s11+$0xFFFFF800] =	vst v17  }
0x3aa: {  	v17 =	vld [tilespmem:s15+$0xFFFFFF90];
	_ =	sdelay $0x4  }
0x3ab: {  	v17 =	vmul.f32 v17, v16;
	_ =	sdelay $0x1  }
0x3ac: {  	[tilespmem:s11+$0xFFFFF810] =	vst v17  }
0x3ad: {  	v17 =	vld [tilespmem:s15+$0xFFFFFFA0];
	_ =	sdelay $0x4  }
0x3ae: {  	v17 =	vmul.f32 v17, v16;
	_ =	sdelay $0x1  }
0x3af: {  	[tilespmem:s11+$0xFFFFF820] =	vst v17  }
0x3b0: {  	v17 =	vld [tilespmem:s15+$0xFFFFFFB0];
	_ =	sdelay $0x4  }
0x3b1: {  	v17 =	vmul.f32 v17, v16;
	_ =	sdelay $0x1  }
0x3b2: {  	[tilespmem:s11+$0xFFFFF830] =	vst v17  }
0x3b3: {  	v17 =	vld [tilespmem:s15+$0xFFFFFFC0];
	_ =	sdelay $0x4  }
0x3b4: {  	v17 =	vmul.f32 v17, v16;
	_ =	sdelay $0x1  }
0x3b5: {  	[tilespmem:s11+$0xFFFFF840] =	vst v17  }
0x3b6: {  	v17 =	vld [tilespmem:s15+$0xFFFFFFD0];
	_ =	sdelay $0x4  }
0x3b7: {  	v17 =	vmul.f32 v17, v16;
	_ =	sdelay $0x1  }
0x3b8: {  	[tilespmem:s11+$0xFFFFF850] =	vst v17  }
0x3b9: {  	v17 =	vld [tilespmem:s15+$0xFFFFFFE0];
	_ =	sdelay $0x4  }
0x3ba: {  	v17 =	vmul.f32 v17, v16;
	_ =	sdelay $0x1  }
0x3bb: {  	[tilespmem:s11+$0xFFFFF860] =	vst v17  }
0x3bc: {  	v17 =	vld [tilespmem:s15+$0xFFFFFFF0];
	_ =	sdelay $0x4  }
0x3bd: {  	v16 =	vmul.f32 v17, v16;
	_ =	sdelay $0x1  }
0x3be: {  	[tilespmem:s11+$0xFFFFF870] =	vst v16  }
0x3bf: {  	v16 =	vld [tilespmem:s15+$0x0];
	_ =	sdelay $0x2  }
0x3c0: {  	v15 =	vperm.xlane v15, v18;
	_ =	sdelay $0x1  }
0x3c1: {  	v16 =	vmul.f32 v16, v15;
	_ =	sdelay $0x1  }
0x3c2: {  	[tilespmem:s11+$0x0] =	vst v16  }
0x3c3: {  	v16 =	vld [tilespmem:s15+$0x10];
	_ =	sdelay $0x4  }
0x3c4: {  	v16 =	vmul.f32 v16, v15;
	_ =	sdelay $0x1  }
0x3c5: {  	[tilespmem:s11+$0x10] =	vst v16  }
0x3c6: {  	v16 =	vld [tilespmem:s15+$0x20];
	_ =	sdelay $0x4  }
0x3c7: {  	v16 =	vmul.f32 v16, v15;
	_ =	sdelay $0x1  }
0x3c8: {  	[tilespmem:s11+$0x20] =	vst v16  }
0x3c9: {  	v16 =	vld [tilespmem:s15+$0x30];
	_ =	sdelay $0x4  }
0x3ca: {  	v16 =	vmul.f32 v16, v15;
	_ =	sdelay $0x1  }
0x3cb: {  	[tilespmem:s11+$0x30] =	vst v16  }
0x3cc: {  	v16 =	vld [tilespmem:s15+$0x40];
	_ =	sdelay $0x4  }
0x3cd: {  	v16 =	vmul.f32 v16, v15;
	_ =	sdelay $0x1  }
0x3ce: {  	[tilespmem:s11+$0x40] =	vst v16  }
0x3cf: {  	v16 =	vld [tilespmem:s15+$0x50];
	_ =	sdelay $0x4  }
0x3d0: {  	v16 =	vmul.f32 v16, v15;
	_ =	sdelay $0x1  }
0x3d1: {  	[tilespmem:s11+$0x50] =	vst v16  }
0x3d2: {  	v16 =	vld [tilespmem:s15+$0x60];
	_ =	sdelay $0x4  }
0x3d3: {  	v16 =	vmul.f32 v16, v15;
	_ =	sdelay $0x1  }
0x3d4: {  	[tilespmem:s11+$0x60] =	vst v16  }
0x3d5: {  	v16 =	vld [tilespmem:s15+$0x70];
	_ =	sdelay $0x4  }
0x3d6: {  	v16 =	vmul.f32 v16, v15;
	_ =	sdelay $0x1  }
0x3d7: {  	[tilespmem:s11+$0x70] =	vst v16  }
0x3d8: {  	v16 =	vld [tilespmem:s15+$0x80];
	_ =	sdelay $0x4  }
0x3d9: {  	v16 =	vmul.f32 v16, v15;
	_ =	sdelay $0x1  }
0x3da: {  	[tilespmem:s11+$0x800] =	vst v16  }
0x3db: {  	v16 =	vld [tilespmem:s15+$0x90];
	_ =	sdelay $0x4  }
0x3dc: {  	v16 =	vmul.f32 v16, v15;
	_ =	sdelay $0x1  }
0x3dd: {  	[tilespmem:s11+$0x810] =	vst v16  }
0x3de: {  	v16 =	vld [tilespmem:s15+$0xA0];
	_ =	sdelay $0x4  }
0x3df: {  	v16 =	vmul.f32 v16, v15;
	_ =	sdelay $0x1  }
0x3e0: {  	[tilespmem:s11+$0x820] =	vst v16  }
0x3e1: {  	v16 =	vld [tilespmem:s15+$0xB0];
	_ =	sdelay $0x4  }
0x3e2: {  	v16 =	vmul.f32 v16, v15;
	_ =	sdelay $0x1  }
0x3e3: {  	[tilespmem:s11+$0x830] =	vst v16  }
0x3e4: {  	v16 =	vld [tilespmem:s15+$0xC0];
	_ =	sdelay $0x4  }
0x3e5: {  	v16 =	vmul.f32 v16, v15;
	_ =	sdelay $0x1  }
0x3e6: {  	[tilespmem:s11+$0x840] =	vst v16  }
0x3e7: {  	v16 =	vld [tilespmem:s15+$0xD0];
	_ =	sdelay $0x4  }
0x3e8: {  	v16 =	vmul.f32 v16, v15;
	_ =	sdelay $0x1  }
0x3e9: {  	[tilespmem:s11+$0x850] =	vst v16  }
0x3ea: {  	v16 =	vld [tilespmem:s15+$0xE0];
	_ =	sdelay $0x4  }
0x3eb: {  	v16 =	vmul.f32 v16, v15;
	_ =	sdelay $0x1  }
0x3ec: {  	[tilespmem:s11+$0x860] =	vst v16  }
0x3ed: {  	v16 =	vld [tilespmem:s15+$0xF0];
	_ =	sdelay $0x4  }
0x3ee: {  	v15 =	vmul.f32 v16, v15;
	_ =	sdelay $0x1  }
0x3ef: {  	[tilespmem:s11+$0x870] =	vst v15  }
0x3f0: {  	v15 =	vld [tilespmem:s15+$0x100];
	_ =	sdelay $0x2  }
0x3f1: {  	v14 =	vperm.xlane v14, v18;
	_ =	sdelay $0x1  }
0x3f2: {  	v15 =	vmul.f32 v15, v14;
	_ =	sdelay $0x1  }
0x3f3: {  	[tilespmem:s11+$0x1000] =	vst v15  }
0x3f4: {  	v15 =	vld [tilespmem:s15+$0x110];
	_ =	sdelay $0x4  }
0x3f5: {  	v15 =	vmul.f32 v15, v14;
	_ =	sdelay $0x1  }
0x3f6: {  	[tilespmem:s11+$0x1010] =	vst v15  }
0x3f7: {  	v15 =	vld [tilespmem:s15+$0x120];
	_ =	sdelay $0x4  }
0x3f8: {  	v15 =	vmul.f32 v15, v14;
	_ =	sdelay $0x1  }
0x3f9: {  	[tilespmem:s11+$0x1020] =	vst v15  }
0x3fa: {  	v15 =	vld [tilespmem:s15+$0x130];
	_ =	sdelay $0x4  }
0x3fb: {  	v15 =	vmul.f32 v15, v14;
	_ =	sdelay $0x1  }
0x3fc: {  	[tilespmem:s11+$0x1030] =	vst v15  }
0x3fd: {  	v15 =	vld [tilespmem:s15+$0x140];
	_ =	sdelay $0x4  }
0x3fe: {  	v15 =	vmul.f32 v15, v14;
	_ =	sdelay $0x1  }
0x3ff: {  	[tilespmem:s11+$0x1040] =	vst v15  }
0x400: {  	v15 =	vld [tilespmem:s15+$0x150];
	_ =	sdelay $0x4  }
0x401: {  	v15 =	vmul.f32 v15, v14;
	_ =	sdelay $0x1  }
0x402: {  	[tilespmem:s11+$0x1050] =	vst v15  }
0x403: {  	v15 =	vld [tilespmem:s15+$0x160];
	_ =	sdelay $0x4  }
0x404: {  	v15 =	vmul.f32 v15, v14;
	_ =	sdelay $0x1  }
0x405: {  	[tilespmem:s11+$0x1060] =	vst v15  }
0x406: {  	v15 =	vld [tilespmem:s15+$0x170];
	_ =	sdelay $0x4  }
0x407: {  	v15 =	vmul.f32 v15, v14;
	_ =	sdelay $0x1  }
0x408: {  	[tilespmem:s11+$0x1070] =	vst v15  }
0x409: {  	v15 =	vld [tilespmem:s15+$0x180];
	_ =	sdelay $0x4  }
0x40a: {  	v15 =	vmul.f32 v15, v14;
	_ =	sdelay $0x1  }
0x40b: {  	[tilespmem:s11+$0x1800] =	vst v15  }
0x40c: {  	v15 =	vld [tilespmem:s15+$0x190];
	_ =	sdelay $0x4  }
0x40d: {  	v15 =	vmul.f32 v15, v14;
	_ =	sdelay $0x1  }
0x40e: {  	[tilespmem:s11+$0x1810] =	vst v15  }
0x40f: {  	v15 =	vld [tilespmem:s15+$0x1A0];
	_ =	sdelay $0x4  }
0x410: {  	v15 =	vmul.f32 v15, v14;
	_ =	sdelay $0x1  }
0x411: {  	[tilespmem:s11+$0x1820] =	vst v15  }
0x412: {  	v15 =	vld [tilespmem:s15+$0x1B0];
	_ =	sdelay $0x4  }
0x413: {  	v15 =	vmul.f32 v15, v14;
	_ =	sdelay $0x1  }
0x414: {  	[tilespmem:s11+$0x1830] =	vst v15  }
0x415: {  	v15 =	vld [tilespmem:s15+$0x1C0];
	_ =	sdelay $0x4  }
0x416: {  	v15 =	vmul.f32 v15, v14;
	_ =	sdelay $0x1  }
0x417: {  	[tilespmem:s11+$0x1840] =	vst v15  }
0x418: {  	v15 =	vld [tilespmem:s15+$0x1D0];
	_ =	sdelay $0x4  }
0x419: {  	v15 =	vmul.f32 v15, v14;
	_ =	sdelay $0x1  }
0x41a: {  	[tilespmem:s11+$0x1850] =	vst v15  }
0x41b: {  	v15 =	vld [tilespmem:s15+$0x1E0];
	_ =	sdelay $0x4  }
0x41c: {  	v15 =	vmul.f32 v15, v14;
	_ =	sdelay $0x1  }
0x41d: {  	[tilespmem:s11+$0x1860] =	vst v15  }
0x41e: {  	v15 =	vld [tilespmem:s15+$0x1F0];
	_ =	sdelay $0x2  }
0x41f: {  	v13 =	vsub.s32 v13, v11  }
0x420: {  	vm0 =	vgt.s32 v13, $0x0  }
0x421: {  	v13 =	vnsel vm0, $0x0, v13;
	v14 =	vmul.f32 v15, v14;
	v15 =	vor.u32 s7, v1  }
0x422: {  	v13 =	vmin.u32 v13, $0x100;
	vm15 =	vlt.s32 v15, v12  }
0x423: {  	[tilespmem:s11+$0x1870] =	vst v14;
	v13 =	vnsel vm15, $0x100, v13  }
0x424: {  	[tilespmem:$0x14D20] =	vst v13  }
0x425: {  	[spmem:s3] =	stream.indirect.scatter.add.f32 [tilespmem:s26], [sflag:$0x3], $0x80, s19, s17, $0xb8;
	[tilespmem:$0x1BA40] =	vst v63  }
0x426: {  	_ =	swait.ge [sflag:s12], $0x800  }
0x427: {  	[sflag:s12] =	ssyncset.done $0x0  }
0x428: {  	v14 =	vadd.s32 $0x110, v13;
	[sflag:s12] =	ssyncadd.s32 $0xFFFFF800  }
0x429: {  	[tilespmem:$0x14D20] =	vst v14  }
0x42a: {  	[spmem:s3] =	stream.indirect.scatter.add.f32 [tilespmem:s28], [sflag:$0x3], $0x80, s19, s17, $0xb8;
	[tilespmem:$0x1BA40] =	vst v63  }
0x42b: {  	_ =	swait.ge [sflag:s12], $0x800  }
0x42c: {  	[sflag:s12] =	ssyncset.done $0x0  }
0x42d: {  	v14 =	vadd.s32 $0x220, v13;
	[sflag:s12] =	ssyncadd.s32 $0xFFFFF800  }
0x42e: {  	[tilespmem:$0x14D20] =	vst v14  }
0x42f: {  	[spmem:s3] =	stream.indirect.scatter.add.f32 [tilespmem:s13], [sflag:$0x3], $0x80, s19, s17, $0xb8;
	[tilespmem:$0x1BA40] =	vst v63  }
0x430: {  	_ =	swait.ge [sflag:s12], $0x800  }
0x431: {  	[sflag:s12] =	ssyncset.done $0x0  }
0x432: {  	v14 =	vadd.s32 $0x330, v13;
	[sflag:s12] =	ssyncadd.s32 $0xFFFFF800  }
0x433: {  	[tilespmem:$0x14D20] =	vst v14  }
0x434: {  	[spmem:s3] =	stream.indirect.scatter.add.f32 [tilespmem:s4], [sflag:$0x3], $0x80, s19, s17, $0xb8;
	[tilespmem:$0x1BA40] =	vst v63  }
0x435: {  	_ =	swait.ge [sflag:s12], $0x800  }
0x436: {  	[sflag:s12] =	ssyncset.done $0x0  }
0x437: {  	v14 =	vadd.s32 $0x440, v13;
	[sflag:s12] =	ssyncadd.s32 $0xFFFFF800  }
0x438: {  	[tilespmem:$0x14D20] =	vst v14  }
0x439: {  	[spmem:s3] =	stream.indirect.scatter.add.f32 [tilespmem:s9], [sflag:$0x3], $0x80, s19, s17, $0xb8;
	[tilespmem:$0x1BA40] =	vst v63  }
0x43a: {  	_ =	swait.ge [sflag:s12], $0x800  }
0x43b: {  	[sflag:s12] =	ssyncset.done $0x0  }
0x43c: {  	v14 =	vadd.s32 $0x550, v13;
	[sflag:s12] =	ssyncadd.s32 $0xFFFFF800  }
0x43d: {  	[tilespmem:$0x14D20] =	vst v14  }
0x43e: {  	[spmem:s3] =	stream.indirect.scatter.add.f32 [tilespmem:s2], [sflag:$0x3], $0x80, s19, s17, $0xb8;
	[tilespmem:$0x1BA40] =	vst v63  }
0x43f: {  	_ =	swait.ge [sflag:s12], $0x800  }
0x440: {  	[sflag:s12] =	ssyncset.done $0x0  }
0x441: {  	v14 =	vadd.s32 $0x660, v13;
	[sflag:s12] =	ssyncadd.s32 $0xFFFFF800  }
0x442: {  	[tilespmem:$0x14D20] =	vst v14  }
0x443: {  	[spmem:s3] =	stream.indirect.scatter.add.f32 [tilespmem:s6], [sflag:$0x3], $0x80, s19, s17, $0xb8;
	[tilespmem:$0x1BA40] =	vst v63  }
0x444: {  	_ =	swait.ge [sflag:s12], $0x800  }
0x445: {  	[sflag:s12] =	ssyncset.done $0x0  }
0x446: {  	s1 =	sadd.s32 $0x1, s1;
	v13 =	vadd.s32 $0x770, v13;
	[sflag:s12] =	ssyncadd.s32 $0xFFFFF800  }
0x447: {  	p0 =	sne.s32 s1, s22;
	[tilespmem:$0x14D20] =	vst v13  }
0x448: {  	[spmem:s3] =	stream.indirect.scatter.add.f32 [tilespmem:s10], [sflag:$0x3], $0x80, s19, s17, $0xb8;
	[tilespmem:$0x1BA40] =	vst v63  }
.Ltmp17:
0x449: {  	_ = 	snop;
	(pc) =	sbr.rel @p0 .LBB2_26-.Ltmp17, $4  }
.Ltmp18:
0x44a: {  	_ = 	snop;
	(pc) =	sbr.rel @!p0 .LBB2_29-.Ltmp18, $4  }
0x44b: {  	_ =	swait.ge [sflag:s12], $0x800  }
0x44c: {  	[sflag:s12] =	ssyncset.done $0x0  }
0x44d: {  	[sflag:s12] =	ssyncadd.s32 $0xFFFFF800  }
0x44e: {  	_ = 	snop  }
.LBB2_31:
0x44f: {  	_ =	sfence.sel $0x180000  }
0x450: {  	[bflag:$0x0] =	sbarrier.arrive $0xFFFF  }
0x451: {  	_ =	strace $0x90000047  }
0x452: {  	s0 =	stileid.u32;
	[bflag:$0x2] =	sbarrier.arrive $0xFFFF  }
0x453: {  	p0 =	sne.s32 s0, $0x0;
	s0 =	rddreg [dreg:$0x4]  }
0x454: {  	s0 =	sadd.s32 @!p0 $0x100000, s0  }
0x455: {  	[sflag:s0] =	ssyncadd.tile.s32 @!p0 $0x1;
	_ =	shalt  }
.Lfunc_end2:
_tile_overlayer_lowered:
.L_overlay_start_2:
0x456: {  	(tag) =	ssettag $0x2  }
0x457: {  	s0 =	rddreg [dreg:$0x0];
	s2 =	stileid.u32  }
0x458: {  	s1 =	rddreg [dreg:$0x1];
	p0 =	sne.s32 s2, $0x0  }
0x459: {  	s3 =	rddreg [dreg:$0x2];
	[bflag:$0x3] =	sbarrier.arrive $0xFFFF;
	s2 =	simm.s32 @!p0 $0x1C03  }
0x45a: {  	[timem:s3], [sflag:s2] =	dma.local @!p0 [hbm:s0], s1  }
0x45b: {  	s0 =	simm.s32 @!p0 $0x3  }
0x45c: {  	_ =	swait.ge @!p0 [sflag:s0], s1  }
0x45d: {  	s1 =	ssub.s32 @!p0 $0x0, s1;
	[sflag:s0] =	ssyncset.done @!p0 $0x0  }
0x45e: {  	[sflag:s0] =	ssyncadd.s32 @!p0 s1  }
0x45f: {  	[bflag:$0x3] =	sbarrier.arrive $0xFFFF  }
0x460: {  	_ =	shalt  }

</sc_bundles>
